<compile_context>
chip_gen: v7x
topology: tpu7x:2x2x1
jax: 0.10.2.dev20260603
libtpu: 0.0.44.dev20260713+nightly
codegen_flags: <defaults>
</compile_context>

<pallas_src>
import functools

import jax
import jax.numpy as jnp
from jax import lax
from jax.experimental import pallas as pl
from jax.experimental.pallas import tpu as pltpu
from jax.experimental.pallas import tpu_sc as plsc

T = 2048
D = 1024
E = 8
F = 2048
C = 512
DUMMY = E * C
NW = 32
TPW = T // NW
LANES = 16



def _gating_body(x3_ref, wg_ref, sd1_ref, sd2_ref, sc1_ref, sc2_ref,
                 we1_ref, we2_ref, laux_ref, counts_ref):
    x = x3_ref[...].reshape(T, D)
    wg = wg_ref[...]
    logits = jnp.dot(x, wg, preferred_element_type=jnp.float32)
    lmax = jnp.max(logits, axis=-1, keepdims=True)
    ex = jnp.exp(logits - lmax)
    gates = ex / jnp.sum(ex, axis=-1, keepdims=True)

    col = lax.broadcasted_iota(jnp.int32, (T, E), 1)
    gmax = jnp.max(gates, axis=-1, keepdims=True)
    idx1 = jnp.min(jnp.where(gates == gmax, col, E), axis=-1, keepdims=True)
    mask1 = col == idx1
    neg_inf = jnp.float32(-jnp.inf)
    logits2 = jnp.where(mask1, neg_inf, logits)
    l2max = jnp.max(logits2, axis=-1, keepdims=True)
    idx2 = jnp.min(jnp.where(logits2 == l2max, col, E), axis=-1, keepdims=True)
    mask2 = col == idx2

    m1f = mask1.astype(jnp.float32)
    m2f = mask2.astype(jnp.float32)

    me = jnp.mean(gates, axis=0, keepdims=True)
    ce = jnp.mean(m1f, axis=0, keepdims=True)
    laux_ref[...] = jnp.sum(me * ce, axis=1, keepdims=True) * jnp.float32(E)

    mm = jnp.concatenate([m1f, m2f], axis=1).astype(jnp.bfloat16)
    chunk = 512
    parts = []
    for c0 in range(0, T, chunk):
        ri = lax.broadcasted_iota(jnp.int32, (chunk, T), 0) + c0
        ci = lax.broadcasted_iota(jnp.int32, (chunk, T), 1)
        tri = (ci <= ri).astype(jnp.bfloat16)
        parts.append(jnp.dot(tri, mm, preferred_element_type=jnp.float32))
    cs = jnp.concatenate(parts, axis=0)

    count1 = jnp.sum(m1f, axis=0, keepdims=True)
    loc1 = cs[:, :E] - 1.0
    loc2 = cs[:, E:] - 1.0 + count1

    cap = jnp.float32(C)
    m1c = m1f * (loc1 < cap).astype(jnp.float32)
    m2c = m2f * (loc2 < cap).astype(jnp.float32)

    counts_ref[0, :] = jnp.sum(m1c + m2c, axis=0).astype(jnp.int32)

    loc1s = jnp.sum(loc1 * m1c, axis=1, keepdims=True)
    loc2s = jnp.sum(loc2 * m2c, axis=1, keepdims=True)
    kept1 = jnp.sum(m1c, axis=1, keepdims=True)
    kept2 = jnp.sum(m2c, axis=1, keepdims=True)
    g1s = jnp.sum(gates * m1c, axis=1, keepdims=True)
    g2s = jnp.sum(gates * m2c, axis=1, keepdims=True)
    denom = jnp.maximum(g1s + g2s, 1e-9)
    we1_ref[...] = jnp.broadcast_to(g1s / denom, (T, LANES))
    we2_ref[...] = jnp.broadcast_to(g2s / denom, (T, LANES))

    base1 = idx1 * C + loc1s.astype(jnp.int32)
    base2 = idx2 * C + loc2s.astype(jnp.int32)
    sc1_ref[...] = base1.reshape(T)
    sc2_ref[...] = base2.reshape(T)
    sd1_ref[...] = jnp.where(kept1 > 0.5, base1, DUMMY).reshape(T)
    sd2_ref[...] = jnp.where(kept2 > 0.5, base2, DUMMY).reshape(T)


def _gating(x3, wg):
    out_shapes = (
        jax.ShapeDtypeStruct((T,), jnp.int32),
        jax.ShapeDtypeStruct((T,), jnp.int32),
        jax.ShapeDtypeStruct((T,), jnp.int32),
        jax.ShapeDtypeStruct((T,), jnp.int32),
        jax.ShapeDtypeStruct((T, LANES), jnp.float32),
        jax.ShapeDtypeStruct((T, LANES), jnp.float32),
        jax.ShapeDtypeStruct((1, 1), jnp.float32),
        jax.ShapeDtypeStruct((1, E), jnp.int32),
    )
    return pl.pallas_call(_gating_body, out_shape=out_shapes)(x3, wg)




def _dispatch_body(x_hbm, s1_hbm, s2_hbm, out_hbm, i1_v, i2_v, rows_v, sem):
    wid = lax.axis_index("s") * 2 + lax.axis_index("c")
    base = wid * TPW
    pltpu.sync_copy(s1_hbm.at[pl.ds(base, TPW)], i1_v)
    pltpu.sync_copy(s2_hbm.at[pl.ds(base, TPW)], i2_v)
    pltpu.sync_copy(x_hbm.at[pl.ds(base, TPW)], rows_v)
    pltpu.async_copy(rows_v, out_hbm.at[i1_v], sem).wait()
    pltpu.async_copy(rows_v, out_hbm.at[i2_v], sem).wait()


def _sc_mesh():
    return plsc.VectorSubcoreMesh(
        core_axis_name="c", subcore_axis_name="s", num_cores=2, num_subcores=16)


@functools.lru_cache(maxsize=None)
def _make_dispatch():
    return pl.kernel(
        _dispatch_body,
        out_type=jax.ShapeDtypeStruct(((E + 1) * C, D), jnp.float32),
        mesh=_sc_mesh(),
        scratch_types=[
            pltpu.VMEM((TPW,), jnp.int32),
            pltpu.VMEM((TPW,), jnp.int32),
            pltpu.VMEM((TPW, D), jnp.float32),
            pltpu.SemaphoreType.DMA,
        ],
    )



FB = 512


def _ffn_body(x_ref, w1_ref, b1_ref, w2_ref, b2_ref, out_ref):
    f = pl.program_id(1)
    w1b = w1_ref[0].astype(jnp.bfloat16)
    h = jnp.dot(x_ref[...].astype(jnp.bfloat16), w1b,
                preferred_element_type=jnp.float32)
    h = jnp.maximum(h + b1_ref[0], 0.0)
    w2b = w2_ref[0].astype(jnp.bfloat16)
    contrib = jnp.dot(h.astype(jnp.bfloat16), w2b,
                      preferred_element_type=jnp.float32)

    @pl.when(f == 0)
    def _init():
        out_ref[...] = contrib + b2_ref[0]

    @pl.when(f != 0)
    def _acc():
        out_ref[...] += contrib


def _ffn(disp, w1, b1, w2, b2):
    grid = (E, F // FB)
    return pl.pallas_call(
        _ffn_body,
        grid=grid,
        in_specs=[
            pl.BlockSpec((C, D), lambda e, f: (e, 0)),
            pl.BlockSpec((1, D, FB), lambda e, f: (e, 0, f)),
            pl.BlockSpec((1, 1, FB), lambda e, f: (e, 0, f)),
            pl.BlockSpec((1, FB, D), lambda e, f: (e, f, 0)),
            pl.BlockSpec((1, 1, D), lambda e, f: (e, 0, 0)),
        ],
        out_specs=pl.BlockSpec((C, D), lambda e, f: (e, 0)),
        out_shape=jax.ShapeDtypeStruct((E * C, D), jnp.float32),
    )(disp, w1, b1.reshape(E, 1, F), w2, b2.reshape(E, 1, D))



KC = 16
NCH = TPW // KC


def _combine_body(eo_hbm, s1_hbm, s2_hbm, w1_hbm, w2_hbm, out_hbm,
                  i1_v, i2_v, r1_v, r2_v, w1_v, w2_v, sem):
    wid = lax.axis_index("s") * 2 + lax.axis_index("c")
    base = wid * TPW

    def fire(ch):
        buf = ch % 2
        b = base + ch * KC
        pltpu.sync_copy(s1_hbm.at[pl.ds(b, KC)], i1_v.at[buf])
        pltpu.sync_copy(s2_hbm.at[pl.ds(b, KC)], i2_v.at[buf])
        pltpu.sync_copy(w1_hbm.at[pl.ds(b, KC)], w1_v.at[buf])
        pltpu.sync_copy(w2_hbm.at[pl.ds(b, KC)], w2_v.at[buf])
        c1 = pltpu.async_copy(eo_hbm.at[i1_v.at[buf]], r1_v.at[buf], sem)
        c2 = pltpu.async_copy(eo_hbm.at[i2_v.at[buf]], r2_v.at[buf], sem)
        return c1, c2

    pend = fire(0)
    for ch in range(NCH):
        buf = ch % 2
        cur = pend
        if ch + 1 < NCH:
            pend = fire(ch + 1)
        cur[0].wait()
        cur[1].wait()

        def group_body(g):
            t = g // (D // LANES)
            j = g % (D // LANES)
            wa = w1_v[buf, t, :]
            wb = w2_v[buf, t, :]
            sl = pl.ds(j * LANES, LANES)
            r1_v[buf, t, sl] = r1_v[buf, t, sl] * wa + r2_v[buf, t, sl] * wb

        plsc.parallel_loop(0, KC * (D // LANES), 1, unroll=8)(group_body)
        pltpu.sync_copy(r1_v.at[buf], out_hbm.at[pl.ds(base + ch * KC, KC)])


@functools.lru_cache(maxsize=None)
def _make_combine():
    return pl.kernel(
        _combine_body,
        out_type=jax.ShapeDtypeStruct((T, D), jnp.float32),
        mesh=_sc_mesh(),
        scratch_types=[
            pltpu.VMEM((2, KC), jnp.int32),
            pltpu.VMEM((2, KC), jnp.int32),
            pltpu.VMEM((2, KC, D), jnp.float32),
            pltpu.VMEM((2, KC, D), jnp.float32),
            pltpu.VMEM((2, KC, LANES), jnp.float32),
            pltpu.VMEM((2, KC, LANES), jnp.float32),
            pltpu.SemaphoreType.DMA,
        ],
    )




def kernel(hidden_states, wg, w1, b1, w2, b2):
    S, B, _ = hidden_states.shape
    x2d = hidden_states.reshape(T, D)
    sd1, sd2, sc1, sc2, we1, we2, laux, counts = _gating(hidden_states, wg)
    disp = _make_dispatch()(x2d, sd1, sd2)
    eo = _ffn(disp, w1, b1, w2, b2)
    out = _make_combine()(eo, sc1, sc2, we1, we2)
    return (out.reshape(S, B, D), laux.reshape(()), counts.reshape(E))

# --- scband reference (transcript-rebuilt; emitter-appended) ---
"""Pipeline reference for scband-mo-e-44856638439916 (READ-ONLY COPY).

The authoritative reference and input builder live on the scoring server;
editing this copy changes nothing except your own understanding.
"""

import jax, jax.numpy as jnp
import numpy as np


def _moe_forward(hidden_states, wg, w1, b1, w2, b2):
    S, B, D = hidden_states.shape
    E = wg.shape[1]
    T = S * B
    k = 2
    capacity_factor = 1.0
    min_capacity = 4
    C = max(int(k * T / E * capacity_factor), min_capacity)
    x = hidden_states.reshape(T, D)
    # --- TopKGate (top-2 gating, deepspeed-style) ---
    logits = x @ wg
    gates = jax.nn.softmax(logits, axis=-1)
    idx1 = jnp.argmax(gates, axis=-1)
    mask1 = jax.nn.one_hot(idx1, E, dtype=jnp.float32)
    logits_except1 = jnp.where(mask1 > 0, -jnp.inf, logits)
    idx2 = jnp.argmax(logits_except1, axis=-1)
    mask2 = jax.nn.one_hot(idx2, E, dtype=jnp.float32)
    locations1 = jnp.cumsum(mask1, axis=0) - 1.0
    locations2 = jnp.cumsum(mask2, axis=0) - 1.0 + jnp.sum(mask1, axis=0, keepdims=True)
    me = jnp.mean(gates, axis=0)
    ce = jnp.mean(mask1, axis=0)
    l_aux = jnp.mean(me * ce) * E * E
    # capacity drop
    mask1 = mask1 * (locations1 < C)
    mask2 = mask2 * (locations2 < C)
    exp_counts = jnp.sum(mask1 + mask2, axis=0).astype(jnp.int32)
    locations1_s = jnp.sum(locations1 * mask1, axis=1).astype(jnp.int32)
    locations2_s = jnp.sum(locations2 * mask2, axis=1).astype(jnp.int32)
    kept1 = jnp.sum(mask1, axis=1)
    kept2 = jnp.sum(mask2, axis=1)
    gates1_s = jnp.sum(gates * mask1, axis=1)
    gates2_s = jnp.sum(gates * mask2, axis=1)
    denom = jnp.maximum(gates1_s + gates2_s, 1e-9)
    gates1 = gates1_s / denom
    gates2 = gates2_s / denom
    # --- dispatch (scatter-add into expert/capacity slots) ---
    dispatched = jnp.zeros((E, C, D), dtype=x.dtype)
    dispatched = dispatched.at[idx1, locations1_s].add(x * kept1[:, None])
    dispatched = dispatched.at[idx2, locations2_s].add(x * kept2[:, None])
    # --- experts (per-expert MLP) ---
    h = jax.nn.relu(jnp.einsum('ecd,edf->ecf', dispatched, w1) + b1[:, None, :])
    expert_out = jnp.einsum('ecf,efd->ecd', h, w2) + b2[:, None, :]
    # --- combine (gather back, weighted by gates) ---
    out1 = expert_out[idx1, locations1_s] * (gates1 * kept1)[:, None]
    out2 = expert_out[idx2, locations2_s] * (gates2 * kept2)[:, None]
    out = (out1 + out2).reshape(S, B, D)
    return out, l_aux, exp_counts


def setup_inputs(seed: int = 0):
    key = jax.random.key(seed)
    ks = jax.random.split(key, 5)
    S, B, D, E, F = 2048, 1, 1024, 8, 2048
    hidden_states = jax.random.normal(ks[0], (S, B, D), dtype=jnp.float32)
    wg = jax.random.normal(ks[1], (D, E), dtype=jnp.float32) * 0.02
    w1 = jax.random.normal(ks[2], (E, D, F), dtype=jnp.float32) * 0.02
    b1 = jnp.zeros((E, F), dtype=jnp.float32)
    w2 = jax.random.normal(ks[3], (E, F, D), dtype=jnp.float32) * 0.02
    b2 = jnp.zeros((E, D), dtype=jnp.float32)
    return {"hidden_states": hidden_states, "wg": wg, "w1": w1, "b1": b1, "w2": w2, "b2": b2}


def reference(hidden_states, wg, w1, b1, w2, b2):
    out, l_aux, exp_counts = _moe_forward(hidden_states, wg, w1, b1, w2, b2)
    return (out, l_aux, exp_counts)

if __name__ == "__main__":
    import jax
    _d = setup_inputs()
    print(jax.jit(kernel)(*tuple(_d.values())))

</pallas_src>

<mosaic_0001>
#map = affine_map<(d0, d1) -> (0, 0)>
#map1 = affine_map<(d0, d1) -> (0)>
module attributes {stable_mosaic.version = 14 : i64} {
  func.func @_combine_body(%arg0: i32, %arg1: i32, %arg2: memref<4096x1024xf32, #tpu.memory_space<hbm>>, %arg3: memref<2048xi32, #tpu.memory_space<hbm>>, %arg4: memref<2048xi32, #tpu.memory_space<hbm>>, %arg5: memref<2048x16xf32, #tpu.memory_space<hbm>>, %arg6: memref<2048x16xf32, #tpu.memory_space<hbm>>, %arg7: memref<2048x1024xf32, #tpu.memory_space<hbm>>, %arg8: memref<2x16xi32, #tpu.memory_space<vmem>>, %arg9: memref<2x16xi32, #tpu.memory_space<vmem>>, %arg10: memref<2x16x1024xf32, #tpu.memory_space<vmem>>, %arg11: memref<2x16x1024xf32, #tpu.memory_space<vmem>>, %arg12: memref<2x16x16xf32, #tpu.memory_space<vmem>>, %arg13: memref<2x16x16xf32, #tpu.memory_space<vmem>>, %arg14: memref<!tpu.dma_semaphore, #tpu.memory_space<semaphore_mem>>) attributes {dimension_semantics = [#tpu.dimension_semantics<core_parallel>, #tpu.dimension_semantics<subcore_parallel>], iteration_bounds = array<i64: 2, 16>, scalar_prefetch = 0 : i64, scratch_operands = 7 : i64, tpu.core_type = #tpu.core_type<sc_vector_subcore>, window_params = [{transform_indices = #map}, {transform_indices = #map1}, {transform_indices = #map1}, {transform_indices = #map}, {transform_indices = #map}, {transform_indices = #map}]} {
    %mul3A = arith.constant 2 : i32
    %mul3A_0 = arith.muli %arg1, %mul3A : i32
    %add3A = arith.addi %mul3A_0, %arg0 : i32
    %mul3A_1 = arith.constant 64 : i32
    %mul3A_2 = arith.muli %add3A, %mul3A_1 : i32
    %add3A_3 = arith.constant 0 : i32
    %add3A_4 = arith.addi %mul3A_2, %add3A_3 : i32
    %run_scoped3A = arith.constant 0 : i32
    "tpu.region"() ({
      %run_scoped3A_239 = tpu.sem_alloc : memref<!tpu.dma_semaphore, #tpu.memory_space<semaphore_mem>>
      %dma_start3A_240 = arith.constant 0 : i32
      %dma_start3A_241 = tpu.memref_slice %arg8[%run_scoped3A, %dma_start3A_240] : memref<2x16xi32, #tpu.memory_space<vmem>> -> memref<1x16xi32, #tpu.memory_space<vmem>>
      %dma_start3A_242 = tpu.memref_squeeze %dma_start3A_241 : memref<1x16xi32, #tpu.memory_space<vmem>> -> memref<16xi32, #tpu.memory_space<vmem>>
      %dma_start3A_243 = tpu.memref_slice %arg3[%add3A_4] : memref<2048xi32, #tpu.memory_space<hbm>> -> memref<16xi32, #tpu.memory_space<hbm>>
      %dma_start3A_244 = arith.constant 0 : i32
      %dma_start3A_245 = tpu.memref_slice %arg8[%run_scoped3A, %dma_start3A_244] : memref<2x16xi32, #tpu.memory_space<vmem>> -> memref<1x16xi32, #tpu.memory_space<vmem>>
      %dma_start3A_246 = tpu.memref_squeeze %dma_start3A_245 : memref<1x16xi32, #tpu.memory_space<vmem>> -> memref<16xi32, #tpu.memory_space<vmem>>
      %dma_start3A_247 = tpu.memref_slice %arg3[%add3A_4] : memref<2048xi32, #tpu.memory_space<hbm>> -> memref<16xi32, #tpu.memory_space<hbm>>
      tpu.enqueue_dma source(%dma_start3A_247 : memref<16xi32, #tpu.memory_space<hbm>>) target(%dma_start3A_246 : memref<16xi32, #tpu.memory_space<vmem>>) target_semaphore(%run_scoped3A_239 : memref<!tpu.dma_semaphore, #tpu.memory_space<semaphore_mem>>)
      %dma_wait3A_248 = arith.constant 0 : i32
      %dma_wait3A_249 = tpu.memref_slice %arg8[%run_scoped3A, %dma_wait3A_248] : memref<2x16xi32, #tpu.memory_space<vmem>> -> memref<1x16xi32, #tpu.memory_space<vmem>>
      %dma_wait3A_250 = tpu.memref_squeeze %dma_wait3A_249 : memref<1x16xi32, #tpu.memory_space<vmem>> -> memref<16xi32, #tpu.memory_space<vmem>>
      %dma_wait3A_251 = tpu.memref_slice %arg3[%add3A_4] : memref<2048xi32, #tpu.memory_space<hbm>> -> memref<16xi32, #tpu.memory_space<hbm>>
      %dma_wait3A_252 = arith.constant 0 : i32
      %dma_wait3A_253 = tpu.memref_slice %arg8[%run_scoped3A, %dma_wait3A_252] : memref<2x16xi32, #tpu.memory_space<vmem>> -> memref<1x16xi32, #tpu.memory_space<vmem>>
      %dma_wait3A_254 = tpu.memref_squeeze %dma_wait3A_253 : memref<1x16xi32, #tpu.memory_space<vmem>> -> memref<16xi32, #tpu.memory_space<vmem>>
      %dma_wait3A_255 = tpu.memref_slice %arg3[%add3A_4] : memref<2048xi32, #tpu.memory_space<hbm>> -> memref<16xi32, #tpu.memory_space<hbm>>
      tpu.wait_dma2 semaphore(%run_scoped3A_239 : memref<!tpu.dma_semaphore, #tpu.memory_space<semaphore_mem>>) src(%dma_wait3A_255 : memref<16xi32, #tpu.memory_space<hbm>>) dst(%dma_wait3A_254 : memref<16xi32, #tpu.memory_space<vmem>>)
      tpu.yield
    }) : () -> ()
    %run_scoped3A_5 = arith.constant 0 : i32
    "tpu.region"() ({
      %run_scoped3A_239 = tpu.sem_alloc : memref<!tpu.dma_semaphore, #tpu.memory_space<semaphore_mem>>
      %dma_start3A_240 = arith.constant 0 : i32
      %dma_start3A_241 = tpu.memref_slice %arg9[%run_scoped3A_5, %dma_start3A_240] : memref<2x16xi32, #tpu.memory_space<vmem>> -> memref<1x16xi32, #tpu.memory_space<vmem>>
      %dma_start3A_242 = tpu.memref_squeeze %dma_start3A_241 : memref<1x16xi32, #tpu.memory_space<vmem>> -> memref<16xi32, #tpu.memory_space<vmem>>
      %dma_start3A_243 = tpu.memref_slice %arg4[%add3A_4] : memref<2048xi32, #tpu.memory_space<hbm>> -> memref<16xi32, #tpu.memory_space<hbm>>
      %dma_start3A_244 = arith.constant 0 : i32
      %dma_start3A_245 = tpu.memref_slice %arg9[%run_scoped3A_5, %dma_start3A_244] : memref<2x16xi32, #tpu.memory_space<vmem>> -> memref<1x16xi32, #tpu.memory_space<vmem>>
      %dma_start3A_246 = tpu.memref_squeeze %dma_start3A_245 : memref<1x16xi32, #tpu.memory_space<vmem>> -> memref<16xi32, #tpu.memory_space<vmem>>
      %dma_start3A_247 = tpu.memref_slice %arg4[%add3A_4] : memref<2048xi32, #tpu.memory_space<hbm>> -> memref<16xi32, #tpu.memory_space<hbm>>
      tpu.enqueue_dma source(%dma_start3A_247 : memref<16xi32, #tpu.memory_space<hbm>>) target(%dma_start3A_246 : memref<16xi32, #tpu.memory_space<vmem>>) target_semaphore(%run_scoped3A_239 : memref<!tpu.dma_semaphore, #tpu.memory_space<semaphore_mem>>)
      %dma_wait3A_248 = arith.constant 0 : i32
      %dma_wait3A_249 = tpu.memref_slice %arg9[%run_scoped3A_5, %dma_wait3A_248] : memref<2x16xi32, #tpu.memory_space<vmem>> -> memref<1x16xi32, #tpu.memory_space<vmem>>
      %dma_wait3A_250 = tpu.memref_squeeze %dma_wait3A_249 : memref<1x16xi32, #tpu.memory_space<vmem>> -> memref<16xi32, #tpu.memory_space<vmem>>
      %dma_wait3A_251 = tpu.memref_slice %arg4[%add3A_4] : memref<2048xi32, #tpu.memory_space<hbm>> -> memref<16xi32, #tpu.memory_space<hbm>>
      %dma_wait3A_252 = arith.constant 0 : i32
      %dma_wait3A_253 = tpu.memref_slice %arg9[%run_scoped3A_5, %dma_wait3A_252] : memref<2x16xi32, #tpu.memory_space<vmem>> -> memref<1x16xi32, #tpu.memory_space<vmem>>
      %dma_wait3A_254 = tpu.memref_squeeze %dma_wait3A_253 : memref<1x16xi32, #tpu.memory_space<vmem>> -> memref<16xi32, #tpu.memory_space<vmem>>
      %dma_wait3A_255 = tpu.memref_slice %arg4[%add3A_4] : memref<2048xi32, #tpu.memory_space<hbm>> -> memref<16xi32, #tpu.memory_space<hbm>>
      tpu.wait_dma2 semaphore(%run_scoped3A_239 : memref<!tpu.dma_semaphore, #tpu.memory_space<semaphore_mem>>) src(%dma_wait3A_255 : memref<16xi32, #tpu.memory_space<hbm>>) dst(%dma_wait3A_254 : memref<16xi32, #tpu.memory_space<vmem>>)
      tpu.yield
    }) : () -> ()
    %run_scoped3A_6 = arith.constant 0 : i32
    "tpu.region"() ({
      %run_scoped3A_239 = tpu.sem_alloc : memref<!tpu.dma_semaphore, #tpu.memory_space<semaphore_mem>>
      %dma_start3A_240 = arith.constant 0 : i32
      %dma_start3A_241 = arith.constant 0 : i32
      %dma_start3A_242 = tpu.memref_slice %arg12[%run_scoped3A_6, %dma_start3A_240, %dma_start3A_241] : memref<2x16x16xf32, #tpu.memory_space<vmem>> -> memref<1x16x16xf32, #tpu.memory_space<vmem>>
      %dma_start3A_243 = tpu.memref_squeeze %dma_start3A_242 : memref<1x16x16xf32, #tpu.memory_space<vmem>> -> memref<16x16xf32, #tpu.memory_space<vmem>>
      %dma_start3A_244 = arith.constant 0 : i32
      %dma_start3A_245 = tpu.memref_slice %arg5[%add3A_4, %dma_start3A_244] : memref<2048x16xf32, #tpu.memory_space<hbm>> -> memref<16x16xf32, #tpu.memory_space<hbm>>
      %dma_start3A_246 = arith.constant 0 : i32
      %dma_start3A_247 = arith.constant 0 : i32
      %dma_start3A_248 = tpu.memref_slice %arg12[%run_scoped3A_6, %dma_start3A_246, %dma_start3A_247] : memref<2x16x16xf32, #tpu.memory_space<vmem>> -> memref<1x16x16xf32, #tpu.memory_space<vmem>>
      %dma_start3A_249 = tpu.memref_squeeze %dma_start3A_248 : memref<1x16x16xf32, #tpu.memory_space<vmem>> -> memref<16x16xf32, #tpu.memory_space<vmem>>
      %dma_start3A_250 = arith.constant 0 : i32
      %dma_start3A_251 = tpu.memref_slice %arg5[%add3A_4, %dma_start3A_250] : memref<2048x16xf32, #tpu.memory_space<hbm>> -> memref<16x16xf32, #tpu.memory_space<hbm>>
      tpu.enqueue_dma source(%dma_start3A_251 : memref<16x16xf32, #tpu.memory_space<hbm>>) target(%dma_start3A_249 : memref<16x16xf32, #tpu.memory_space<vmem>>) target_semaphore(%run_scoped3A_239 : memref<!tpu.dma_semaphore, #tpu.memory_space<semaphore_mem>>)
      %dma_wait3A_252 = arith.constant 0 : i32
      %dma_wait3A_253 = arith.constant 0 : i32
      %dma_wait3A_254 = tpu.memref_slice %arg12[%run_scoped3A_6, %dma_wait3A_252, %dma_wait3A_253] : memref<2x16x16xf32, #tpu.memory_space<vmem>> -> memref<1x16x16xf32, #tpu.memory_space<vmem>>
      %dma_wait3A_255 = tpu.memref_squeeze %dma_wait3A_254 : memref<1x16x16xf32, #tpu.memory_space<vmem>> -> memref<16x16xf32, #tpu.memory_space<vmem>>
      %dma_wait3A_256 = arith.constant 0 : i32
      %dma_wait3A_257 = tpu.memref_slice %arg5[%add3A_4, %dma_wait3A_256] : memref<2048x16xf32, #tpu.memory_space<hbm>> -> memref<16x16xf32, #tpu.memory_space<hbm>>
      %dma_wait3A_258 = arith.constant 0 : i32
      %dma_wait3A_259 = arith.constant 0 : i32
      %dma_wait3A_260 = tpu.memref_slice %arg12[%run_scoped3A_6, %dma_wait3A_258, %dma_wait3A_259] : memref<2x16x16xf32, #tpu.memory_space<vmem>> -> memref<1x16x16xf32, #tpu.memory_space<vmem>>
      %dma_wait3A_261 = tpu.memref_squeeze %dma_wait3A_260 : memref<1x16x16xf32, #tpu.memory_space<vmem>> -> memref<16x16xf32, #tpu.memory_space<vmem>>
      %dma_wait3A_262 = arith.constant 0 : i32
      %dma_wait3A_263 = tpu.memref_slice %arg5[%add3A_4, %dma_wait3A_262] : memref<2048x16xf32, #tpu.memory_space<hbm>> -> memref<16x16xf32, #tpu.memory_space<hbm>>
      tpu.wait_dma2 semaphore(%run_scoped3A_239 : memref<!tpu.dma_semaphore, #tpu.memory_space<semaphore_mem>>) src(%dma_wait3A_263 : memref<16x16xf32, #tpu.memory_space<hbm>>) dst(%dma_wait3A_261 : memref<16x16xf32, #tpu.memory_space<vmem>>)
      tpu.yield
    }) : () -> ()
    %run_scoped3A_7 = arith.constant 0 : i32
    "tpu.region"() ({
      %run_scoped3A_239 = tpu.sem_alloc : memref<!tpu.dma_semaphore, #tpu.memory_space<semaphore_mem>>
      %dma_start3A_240 = arith.constant 0 : i32
      %dma_start3A_241 = arith.constant 0 : i32
      %dma_start3A_242 = tpu.memref_slice %arg13[%run_scoped3A_7, %dma_start3A_240, %dma_start3A_241] : memref<2x16x16xf32, #tpu.memory_space<vmem>> -> memref<1x16x16xf32, #tpu.memory_space<vmem>>
      %dma_start3A_243 = tpu.memref_squeeze %dma_start3A_242 : memref<1x16x16xf32, #tpu.memory_space<vmem>> -> memref<16x16xf32, #tpu.memory_space<vmem>>
      %dma_start3A_244 = arith.constant 0 : i32
      %dma_start3A_245 = tpu.memref_slice %arg6[%add3A_4, %dma_start3A_244] : memref<2048x16xf32, #tpu.memory_space<hbm>> -> memref<16x16xf32, #tpu.memory_space<hbm>>
      %dma_start3A_246 = arith.constant 0 : i32
      %dma_start3A_247 = arith.constant 0 : i32
      %dma_start3A_248 = tpu.memref_slice %arg13[%run_scoped3A_7, %dma_start3A_246, %dma_start3A_247] : memref<2x16x16xf32, #tpu.memory_space<vmem>> -> memref<1x16x16xf32, #tpu.memory_space<vmem>>
      %dma_start3A_249 = tpu.memref_squeeze %dma_start3A_248 : memref<1x16x16xf32, #tpu.memory_space<vmem>> -> memref<16x16xf32, #tpu.memory_space<vmem>>
      %dma_start3A_250 = arith.constant 0 : i32
      %dma_start3A_251 = tpu.memref_slice %arg6[%add3A_4, %dma_start3A_250] : memref<2048x16xf32, #tpu.memory_space<hbm>> -> memref<16x16xf32, #tpu.memory_space<hbm>>
      tpu.enqueue_dma source(%dma_start3A_251 : memref<16x16xf32, #tpu.memory_space<hbm>>) target(%dma_start3A_249 : memref<16x16xf32, #tpu.memory_space<vmem>>) target_semaphore(%run_scoped3A_239 : memref<!tpu.dma_semaphore, #tpu.memory_space<semaphore_mem>>)
      %dma_wait3A_252 = arith.constant 0 : i32
      %dma_wait3A_253 = arith.constant 0 : i32
      %dma_wait3A_254 = tpu.memref_slice %arg13[%run_scoped3A_7, %dma_wait3A_252, %dma_wait3A_253] : memref<2x16x16xf32, #tpu.memory_space<vmem>> -> memref<1x16x16xf32, #tpu.memory_space<vmem>>
      %dma_wait3A_255 = tpu.memref_squeeze %dma_wait3A_254 : memref<1x16x16xf32, #tpu.memory_space<vmem>> -> memref<16x16xf32, #tpu.memory_space<vmem>>
      %dma_wait3A_256 = arith.constant 0 : i32
      %dma_wait3A_257 = tpu.memref_slice %arg6[%add3A_4, %dma_wait3A_256] : memref<2048x16xf32, #tpu.memory_space<hbm>> -> memref<16x16xf32, #tpu.memory_space<hbm>>
      %dma_wait3A_258 = arith.constant 0 : i32
      %dma_wait3A_259 = arith.constant 0 : i32
      %dma_wait3A_260 = tpu.memref_slice %arg13[%run_scoped3A_7, %dma_wait3A_258, %dma_wait3A_259] : memref<2x16x16xf32, #tpu.memory_space<vmem>> -> memref<1x16x16xf32, #tpu.memory_space<vmem>>
      %dma_wait3A_261 = tpu.memref_squeeze %dma_wait3A_260 : memref<1x16x16xf32, #tpu.memory_space<vmem>> -> memref<16x16xf32, #tpu.memory_space<vmem>>
      %dma_wait3A_262 = arith.constant 0 : i32
      %dma_wait3A_263 = tpu.memref_slice %arg6[%add3A_4, %dma_wait3A_262] : memref<2048x16xf32, #tpu.memory_space<hbm>> -> memref<16x16xf32, #tpu.memory_space<hbm>>
      tpu.wait_dma2 semaphore(%run_scoped3A_239 : memref<!tpu.dma_semaphore, #tpu.memory_space<semaphore_mem>>) src(%dma_wait3A_263 : memref<16x16xf32, #tpu.memory_space<hbm>>) dst(%dma_wait3A_261 : memref<16x16xf32, #tpu.memory_space<vmem>>)
      tpu.yield
    }) : () -> ()
    %dma_start3A = arith.constant 0 : i32
    %dma_start3A_8 = arith.constant 0 : i32
    %dma_start3A_9 = arith.constant 0 : i32
    %dma_start3A_10 = arith.constant 0 : i32
    %dma_start3A_11 = tpu.memref_slice %arg10[%dma_start3A_8, %dma_start3A_9, %dma_start3A_10] : memref<2x16x1024xf32, #tpu.memory_space<vmem>> -> memref<1x16x1024xf32, #tpu.memory_space<vmem>>
    %dma_start3A_12 = tpu.memref_squeeze %dma_start3A_11 : memref<1x16x1024xf32, #tpu.memory_space<vmem>> -> memref<16x1024xf32, #tpu.memory_space<vmem>>
    %dma_start3A_13 = arith.constant 0 : i32
    %dma_start3A_14 = tpu.memref_slice %arg8[%dma_start3A, %dma_start3A_13] : memref<2x16xi32, #tpu.memory_space<vmem>> -> memref<1x16xi32, #tpu.memory_space<vmem>>
    %dma_start3A_15 = tpu.memref_squeeze %dma_start3A_14 : memref<1x16xi32, #tpu.memory_space<vmem>> -> memref<16xi32, #tpu.memory_space<vmem>>
    %dma_start3A_16 = arith.constant 0 : i32
    %dma_start3A_17 = arith.constant 0 : i32
    %dma_start3A_18 = tpu.memref_slice %arg2[%dma_start3A_16, %dma_start3A_17] : memref<4096x1024xf32, #tpu.memory_space<hbm>> -> memref<4096x1024xf32, #tpu.memory_space<hbm>>
    tpu.enqueue_indirect_dma source(%dma_start3A_18 : memref<4096x1024xf32, #tpu.memory_space<hbm>>) target(%dma_start3A_12 : memref<16x1024xf32, #tpu.memory_space<vmem>>) offsets(%dma_start3A_15 : memref<16xi32, #tpu.memory_space<vmem>>) semaphore(%arg14 : memref<!tpu.dma_semaphore, #tpu.memory_space<semaphore_mem>>)
    %dma_start3A_19 = arith.constant 0 : i32
    %dma_start3A_20 = arith.constant 0 : i32
    %dma_start3A_21 = arith.constant 0 : i32
    %dma_start3A_22 = arith.constant 0 : i32
    %dma_start3A_23 = tpu.memref_slice %arg11[%dma_start3A_20, %dma_start3A_21, %dma_start3A_22] : memref<2x16x1024xf32, #tpu.memory_space<vmem>> -> memref<1x16x1024xf32, #tpu.memory_space<vmem>>
    %dma_start3A_24 = tpu.memref_squeeze %dma_start3A_23 : memref<1x16x1024xf32, #tpu.memory_space<vmem>> -> memref<16x1024xf32, #tpu.memory_space<vmem>>
    %dma_start3A_25 = arith.constant 0 : i32
    %dma_start3A_26 = tpu.memref_slice %arg9[%dma_start3A_19, %dma_start3A_25] : memref<2x16xi32, #tpu.memory_space<vmem>> -> memref<1x16xi32, #tpu.memory_space<vmem>>
    %dma_start3A_27 = tpu.memref_squeeze %dma_start3A_26 : memref<1x16xi32, #tpu.memory_space<vmem>> -> memref<16xi32, #tpu.memory_space<vmem>>
    %dma_start3A_28 = arith.constant 0 : i32
    %dma_start3A_29 = arith.constant 0 : i32
    %dma_start3A_30 = tpu.memref_slice %arg2[%dma_start3A_28, %dma_start3A_29] : memref<4096x1024xf32, #tpu.memory_space<hbm>> -> memref<4096x1024xf32, #tpu.memory_space<hbm>>
    tpu.enqueue_indirect_dma source(%dma_start3A_30 : memref<4096x1024xf32, #tpu.memory_space<hbm>>) target(%dma_start3A_24 : memref<16x1024xf32, #tpu.memory_space<vmem>>) offsets(%dma_start3A_27 : memref<16xi32, #tpu.memory_space<vmem>>) semaphore(%arg14 : memref<!tpu.dma_semaphore, #tpu.memory_space<semaphore_mem>>)
    %add3A_31 = arith.constant 16 : i32
    %add3A_32 = arith.addi %mul3A_2, %add3A_31 : i32
    %run_scoped3A_33 = arith.constant 1 : i32
    "tpu.region"() ({
      %run_scoped3A_239 = tpu.sem_alloc : memref<!tpu.dma_semaphore, #tpu.memory_space<semaphore_mem>>
      %dma_start3A_240 = arith.constant 0 : i32
      %dma_start3A_241 = tpu.memref_slice %arg8[%run_scoped3A_33, %dma_start3A_240] : memref<2x16xi32, #tpu.memory_space<vmem>> -> memref<1x16xi32, #tpu.memory_space<vmem>>
      %dma_start3A_242 = tpu.memref_squeeze %dma_start3A_241 : memref<1x16xi32, #tpu.memory_space<vmem>> -> memref<16xi32, #tpu.memory_space<vmem>>
      %dma_start3A_243 = tpu.memref_slice %arg3[%add3A_32] : memref<2048xi32, #tpu.memory_space<hbm>> -> memref<16xi32, #tpu.memory_space<hbm>>
      %dma_start3A_244 = arith.constant 0 : i32
      %dma_start3A_245 = tpu.memref_slice %arg8[%run_scoped3A_33, %dma_start3A_244] : memref<2x16xi32, #tpu.memory_space<vmem>> -> memref<1x16xi32, #tpu.memory_space<vmem>>
      %dma_start3A_246 = tpu.memref_squeeze %dma_start3A_245 : memref<1x16xi32, #tpu.memory_space<vmem>> -> memref<16xi32, #tpu.memory_space<vmem>>
      %dma_start3A_247 = tpu.memref_slice %arg3[%add3A_32] : memref<2048xi32, #tpu.memory_space<hbm>> -> memref<16xi32, #tpu.memory_space<hbm>>
      tpu.enqueue_dma source(%dma_start3A_247 : memref<16xi32, #tpu.memory_space<hbm>>) target(%dma_start3A_246 : memref<16xi32, #tpu.memory_space<vmem>>) target_semaphore(%run_scoped3A_239 : memref<!tpu.dma_semaphore, #tpu.memory_space<semaphore_mem>>)
      %dma_wait3A_248 = arith.constant 0 : i32
      %dma_wait3A_249 = tpu.memref_slice %arg8[%run_scoped3A_33, %dma_wait3A_248] : memref<2x16xi32, #tpu.memory_space<vmem>> -> memref<1x16xi32, #tpu.memory_space<vmem>>
      %dma_wait3A_250 = tpu.memref_squeeze %dma_wait3A_249 : memref<1x16xi32, #tpu.memory_space<vmem>> -> memref<16xi32, #tpu.memory_space<vmem>>
      %dma_wait3A_251 = tpu.memref_slice %arg3[%add3A_32] : memref<2048xi32, #tpu.memory_space<hbm>> -> memref<16xi32, #tpu.memory_space<hbm>>
      %dma_wait3A_252 = arith.constant 0 : i32
      %dma_wait3A_253 = tpu.memref_slice %arg8[%run_scoped3A_33, %dma_wait3A_252] : memref<2x16xi32, #tpu.memory_space<vmem>> -> memref<1x16xi32, #tpu.memory_space<vmem>>
      %dma_wait3A_254 = tpu.memref_squeeze %dma_wait3A_253 : memref<1x16xi32, #tpu.memory_space<vmem>> -> memref<16xi32, #tpu.memory_space<vmem>>
      %dma_wait3A_255 = tpu.memref_slice %arg3[%add3A_32] : memref<2048xi32, #tpu.memory_space<hbm>> -> memref<16xi32, #tpu.memory_space<hbm>>
      tpu.wait_dma2 semaphore(%run_scoped3A_239 : memref<!tpu.dma_semaphore, #tpu.memory_space<semaphore_mem>>) src(%dma_wait3A_255 : memref<16xi32, #tpu.memory_space<hbm>>) dst(%dma_wait3A_254 : memref<16xi32, #tpu.memory_space<vmem>>)
      tpu.yield
    }) : () -> ()
    %run_scoped3A_34 = arith.constant 1 : i32
    "tpu.region"() ({
      %run_scoped3A_239 = tpu.sem_alloc : memref<!tpu.dma_semaphore, #tpu.memory_space<semaphore_mem>>
      %dma_start3A_240 = arith.constant 0 : i32
      %dma_start3A_241 = tpu.memref_slice %arg9[%run_scoped3A_34, %dma_start3A_240] : memref<2x16xi32, #tpu.memory_space<vmem>> -> memref<1x16xi32, #tpu.memory_space<vmem>>
      %dma_start3A_242 = tpu.memref_squeeze %dma_start3A_241 : memref<1x16xi32, #tpu.memory_space<vmem>> -> memref<16xi32, #tpu.memory_space<vmem>>
      %dma_start3A_243 = tpu.memref_slice %arg4[%add3A_32] : memref<2048xi32, #tpu.memory_space<hbm>> -> memref<16xi32, #tpu.memory_space<hbm>>
      %dma_start3A_244 = arith.constant 0 : i32
      %dma_start3A_245 = tpu.memref_slice %arg9[%run_scoped3A_34, %dma_start3A_244] : memref<2x16xi32, #tpu.memory_space<vmem>> -> memref<1x16xi32, #tpu.memory_space<vmem>>
      %dma_start3A_246 = tpu.memref_squeeze %dma_start3A_245 : memref<1x16xi32, #tpu.memory_space<vmem>> -> memref<16xi32, #tpu.memory_space<vmem>>
      %dma_start3A_247 = tpu.memref_slice %arg4[%add3A_32] : memref<2048xi32, #tpu.memory_space<hbm>> -> memref<16xi32, #tpu.memory_space<hbm>>
      tpu.enqueue_dma source(%dma_start3A_247 : memref<16xi32, #tpu.memory_space<hbm>>) target(%dma_start3A_246 : memref<16xi32, #tpu.memory_space<vmem>>) target_semaphore(%run_scoped3A_239 : memref<!tpu.dma_semaphore, #tpu.memory_space<semaphore_mem>>)
      %dma_wait3A_248 = arith.constant 0 : i32
      %dma_wait3A_249 = tpu.memref_slice %arg9[%run_scoped3A_34, %dma_wait3A_248] : memref<2x16xi32, #tpu.memory_space<vmem>> -> memref<1x16xi32, #tpu.memory_space<vmem>>
      %dma_wait3A_250 = tpu.memref_squeeze %dma_wait3A_249 : memref<1x16xi32, #tpu.memory_space<vmem>> -> memref<16xi32, #tpu.memory_space<vmem>>
      %dma_wait3A_251 = tpu.memref_slice %arg4[%add3A_32] : memref<2048xi32, #tpu.memory_space<hbm>> -> memref<16xi32, #tpu.memory_space<hbm>>
      %dma_wait3A_252 = arith.constant 0 : i32
      %dma_wait3A_253 = tpu.memref_slice %arg9[%run_scoped3A_34, %dma_wait3A_252] : memref<2x16xi32, #tpu.memory_space<vmem>> -> memref<1x16xi32, #tpu.memory_space<vmem>>
      %dma_wait3A_254 = tpu.memref_squeeze %dma_wait3A_253 : memref<1x16xi32, #tpu.memory_space<vmem>> -> memref<16xi32, #tpu.memory_space<vmem>>
      %dma_wait3A_255 = tpu.memref_slice %arg4[%add3A_32] : memref<2048xi32, #tpu.memory_space<hbm>> -> memref<16xi32, #tpu.memory_space<hbm>>
      tpu.wait_dma2 semaphore(%run_scoped3A_239 : memref<!tpu.dma_semaphore, #tpu.memory_space<semaphore_mem>>) src(%dma_wait3A_255 : memref<16xi32, #tpu.memory_space<hbm>>) dst(%dma_wait3A_254 : memref<16xi32, #tpu.memory_space<vmem>>)
      tpu.yield
    }) : () -> ()
    %run_scoped3A_35 = arith.constant 1 : i32
    "tpu.region"() ({
      %run_scoped3A_239 = tpu.sem_alloc : memref<!tpu.dma_semaphore, #tpu.memory_space<semaphore_mem>>
      %dma_start3A_240 = arith.constant 0 : i32
      %dma_start3A_241 = arith.constant 0 : i32
      %dma_start3A_242 = tpu.memref_slice %arg12[%run_scoped3A_35, %dma_start3A_240, %dma_start3A_241] : memref<2x16x16xf32, #tpu.memory_space<vmem>> -> memref<1x16x16xf32, #tpu.memory_space<vmem>>
      %dma_start3A_243 = tpu.memref_squeeze %dma_start3A_242 : memref<1x16x16xf32, #tpu.memory_space<vmem>> -> memref<16x16xf32, #tpu.memory_space<vmem>>
      %dma_start3A_244 = arith.constant 0 : i32
      %dma_start3A_245 = tpu.memref_slice %arg5[%add3A_32, %dma_start3A_244] : memref<2048x16xf32, #tpu.memory_space<hbm>> -> memref<16x16xf32, #tpu.memory_space<hbm>>
      %dma_start3A_246 = arith.constant 0 : i32
      %dma_start3A_247 = arith.constant 0 : i32
      %dma_start3A_248 = tpu.memref_slice %arg12[%run_scoped3A_35, %dma_start3A_246, %dma_start3A_247] : memref<2x16x16xf32, #tpu.memory_space<vmem>> -> memref<1x16x16xf32, #tpu.memory_space<vmem>>
      %dma_start3A_249 = tpu.memref_squeeze %dma_start3A_248 : memref<1x16x16xf32, #tpu.memory_space<vmem>> -> memref<16x16xf32, #tpu.memory_space<vmem>>
      %dma_start3A_250 = arith.constant 0 : i32
      %dma_start3A_251 = tpu.memref_slice %arg5[%add3A_32, %dma_start3A_250] : memref<2048x16xf32, #tpu.memory_space<hbm>> -> memref<16x16xf32, #tpu.memory_space<hbm>>
      tpu.enqueue_dma source(%dma_start3A_251 : memref<16x16xf32, #tpu.memory_space<hbm>>) target(%dma_start3A_249 : memref<16x16xf32, #tpu.memory_space<vmem>>) target_semaphore(%run_scoped3A_239 : memref<!tpu.dma_semaphore, #tpu.memory_space<semaphore_mem>>)
      %dma_wait3A_252 = arith.constant 0 : i32
      %dma_wait3A_253 = arith.constant 0 : i32
      %dma_wait3A_254 = tpu.memref_slice %arg12[%run_scoped3A_35, %dma_wait3A_252, %dma_wait3A_253] : memref<2x16x16xf32, #tpu.memory_space<vmem>> -> memref<1x16x16xf32, #tpu.memory_space<vmem>>
      %dma_wait3A_255 = tpu.memref_squeeze %dma_wait3A_254 : memref<1x16x16xf32, #tpu.memory_space<vmem>> -> memref<16x16xf32, #tpu.memory_space<vmem>>
      %dma_wait3A_256 = arith.constant 0 : i32
      %dma_wait3A_257 = tpu.memref_slice %arg5[%add3A_32, %dma_wait3A_256] : memref<2048x16xf32, #tpu.memory_space<hbm>> -> memref<16x16xf32, #tpu.memory_space<hbm>>
      %dma_wait3A_258 = arith.constant 0 : i32
      %dma_wait3A_259 = arith.constant 0 : i32
      %dma_wait3A_260 = tpu.memref_slice %arg12[%run_scoped3A_35, %dma_wait3A_258, %dma_wait3A_259] : memref<2x16x16xf32, #tpu.memory_space<vmem>> -> memref<1x16x16xf32, #tpu.memory_space<vmem>>
      %dma_wait3A_261 = tpu.memref_squeeze %dma_wait3A_260 : memref<1x16x16xf32, #tpu.memory_space<vmem>> -> memref<16x16xf32, #tpu.memory_space<vmem>>
      %dma_wait3A_262 = arith.constant 0 : i32
      %dma_wait3A_263 = tpu.memref_slice %arg5[%add3A_32, %dma_wait3A_262] : memref<2048x16xf32, #tpu.memory_space<hbm>> -> memref<16x16xf32, #tpu.memory_space<hbm>>
      tpu.wait_dma2 semaphore(%run_scoped3A_239 : memref<!tpu.dma_semaphore, #tpu.memory_space<semaphore_mem>>) src(%dma_wait3A_263 : memref<16x16xf32, #tpu.memory_space<hbm>>) dst(%dma_wait3A_261 : memref<16x16xf32, #tpu.memory_space<vmem>>)
      tpu.yield
    }) : () -> ()
    %run_scoped3A_36 = arith.constant 1 : i32
    "tpu.region"() ({
      %run_scoped3A_239 = tpu.sem_alloc : memref<!tpu.dma_semaphore, #tpu.memory_space<semaphore_mem>>
      %dma_start3A_240 = arith.constant 0 : i32
      %dma_start3A_241 = arith.constant 0 : i32
      %dma_start3A_242 = tpu.memref_slice %arg13[%run_scoped3A_36, %dma_start3A_240, %dma_start3A_241] : memref<2x16x16xf32, #tpu.memory_space<vmem>> -> memref<1x16x16xf32, #tpu.memory_space<vmem>>
      %dma_start3A_243 = tpu.memref_squeeze %dma_start3A_242 : memref<1x16x16xf32, #tpu.memory_space<vmem>> -> memref<16x16xf32, #tpu.memory_space<vmem>>
      %dma_start3A_244 = arith.constant 0 : i32
      %dma_start3A_245 = tpu.memref_slice %arg6[%add3A_32, %dma_start3A_244] : memref<2048x16xf32, #tpu.memory_space<hbm>> -> memref<16x16xf32, #tpu.memory_space<hbm>>
      %dma_start3A_246 = arith.constant 0 : i32
      %dma_start3A_247 = arith.constant 0 : i32
      %dma_start3A_248 = tpu.memref_slice %arg13[%run_scoped3A_36, %dma_start3A_246, %dma_start3A_247] : memref<2x16x16xf32, #tpu.memory_space<vmem>> -> memref<1x16x16xf32, #tpu.memory_space<vmem>>
      %dma_start3A_249 = tpu.memref_squeeze %dma_start3A_248 : memref<1x16x16xf32, #tpu.memory_space<vmem>> -> memref<16x16xf32, #tpu.memory_space<vmem>>
      %dma_start3A_250 = arith.constant 0 : i32
      %dma_start3A_251 = tpu.memref_slice %arg6[%add3A_32, %dma_start3A_250] : memref<2048x16xf32, #tpu.memory_space<hbm>> -> memref<16x16xf32, #tpu.memory_space<hbm>>
      tpu.enqueue_dma source(%dma_start3A_251 : memref<16x16xf32, #tpu.memory_space<hbm>>) target(%dma_start3A_249 : memref<16x16xf32, #tpu.memory_space<vmem>>) target_semaphore(%run_scoped3A_239 : memref<!tpu.dma_semaphore, #tpu.memory_space<semaphore_mem>>)
      %dma_wait3A_252 = arith.constant 0 : i32
      %dma_wait3A_253 = arith.constant 0 : i32
      %dma_wait3A_254 = tpu.memref_slice %arg13[%run_scoped3A_36, %dma_wait3A_252, %dma_wait3A_253] : memref<2x16x16xf32, #tpu.memory_space<vmem>> -> memref<1x16x16xf32, #tpu.memory_space<vmem>>
      %dma_wait3A_255 = tpu.memref_squeeze %dma_wait3A_254 : memref<1x16x16xf32, #tpu.memory_space<vmem>> -> memref<16x16xf32, #tpu.memory_space<vmem>>
      %dma_wait3A_256 = arith.constant 0 : i32
      %dma_wait3A_257 = tpu.memref_slice %arg6[%add3A_32, %dma_wait3A_256] : memref<2048x16xf32, #tpu.memory_space<hbm>> -> memref<16x16xf32, #tpu.memory_space<hbm>>
      %dma_wait3A_258 = arith.constant 0 : i32
      %dma_wait3A_259 = arith.constant 0 : i32
      %dma_wait3A_260 = tpu.memref_slice %arg13[%run_scoped3A_36, %dma_wait3A_258, %dma_wait3A_259] : memref<2x16x16xf32, #tpu.memory_space<vmem>> -> memref<1x16x16xf32, #tpu.memory_space<vmem>>
      %dma_wait3A_261 = tpu.memref_squeeze %dma_wait3A_260 : memref<1x16x16xf32, #tpu.memory_space<vmem>> -> memref<16x16xf32, #tpu.memory_space<vmem>>
      %dma_wait3A_262 = arith.constant 0 : i32
      %dma_wait3A_263 = tpu.memref_slice %arg6[%add3A_32, %dma_wait3A_262] : memref<2048x16xf32, #tpu.memory_space<hbm>> -> memref<16x16xf32, #tpu.memory_space<hbm>>
      tpu.wait_dma2 semaphore(%run_scoped3A_239 : memref<!tpu.dma_semaphore, #tpu.memory_space<semaphore_mem>>) src(%dma_wait3A_263 : memref<16x16xf32, #tpu.memory_space<hbm>>) dst(%dma_wait3A_261 : memref<16x16xf32, #tpu.memory_space<vmem>>)
      tpu.yield
    }) : () -> ()
    %dma_start3A_37 = arith.constant 1 : i32
    %dma_start3A_38 = arith.constant 1 : i32
    %dma_start3A_39 = arith.constant 0 : i32
    %dma_start3A_40 = arith.constant 0 : i32
    %dma_start3A_41 = tpu.memref_slice %arg10[%dma_start3A_38, %dma_start3A_39, %dma_start3A_40] : memref<2x16x1024xf32, #tpu.memory_space<vmem>> -> memref<1x16x1024xf32, #tpu.memory_space<vmem>>
    %dma_start3A_42 = tpu.memref_squeeze %dma_start3A_41 : memref<1x16x1024xf32, #tpu.memory_space<vmem>> -> memref<16x1024xf32, #tpu.memory_space<vmem>>
    %dma_start3A_43 = arith.constant 0 : i32
    %dma_start3A_44 = tpu.memref_slice %arg8[%dma_start3A_37, %dma_start3A_43] : memref<2x16xi32, #tpu.memory_space<vmem>> -> memref<1x16xi32, #tpu.memory_space<vmem>>
    %dma_start3A_45 = tpu.memref_squeeze %dma_start3A_44 : memref<1x16xi32, #tpu.memory_space<vmem>> -> memref<16xi32, #tpu.memory_space<vmem>>
    %dma_start3A_46 = arith.constant 0 : i32
    %dma_start3A_47 = arith.constant 0 : i32
    %dma_start3A_48 = tpu.memref_slice %arg2[%dma_start3A_46, %dma_start3A_47] : memref<4096x1024xf32, #tpu.memory_space<hbm>> -> memref<4096x1024xf32, #tpu.memory_space<hbm>>
    tpu.enqueue_indirect_dma source(%dma_start3A_48 : memref<4096x1024xf32, #tpu.memory_space<hbm>>) target(%dma_start3A_42 : memref<16x1024xf32, #tpu.memory_space<vmem>>) offsets(%dma_start3A_45 : memref<16xi32, #tpu.memory_space<vmem>>) semaphore(%arg14 : memref<!tpu.dma_semaphore, #tpu.memory_space<semaphore_mem>>)
    %dma_start3A_49 = arith.constant 1 : i32
    %dma_start3A_50 = arith.constant 1 : i32
    %dma_start3A_51 = arith.constant 0 : i32
    %dma_start3A_52 = arith.constant 0 : i32
    %dma_start3A_53 = tpu.memref_slice %arg11[%dma_start3A_50, %dma_start3A_51, %dma_start3A_52] : memref<2x16x1024xf32, #tpu.memory_space<vmem>> -> memref<1x16x1024xf32, #tpu.memory_space<vmem>>
    %dma_start3A_54 = tpu.memref_squeeze %dma_start3A_53 : memref<1x16x1024xf32, #tpu.memory_space<vmem>> -> memref<16x1024xf32, #tpu.memory_space<vmem>>
    %dma_start3A_55 = arith.constant 0 : i32
    %dma_start3A_56 = tpu.memref_slice %arg9[%dma_start3A_49, %dma_start3A_55] : memref<2x16xi32, #tpu.memory_space<vmem>> -> memref<1x16xi32, #tpu.memory_space<vmem>>
    %dma_start3A_57 = tpu.memref_squeeze %dma_start3A_56 : memref<1x16xi32, #tpu.memory_space<vmem>> -> memref<16xi32, #tpu.memory_space<vmem>>
    %dma_start3A_58 = arith.constant 0 : i32
    %dma_start3A_59 = arith.constant 0 : i32
    %dma_start3A_60 = tpu.memref_slice %arg2[%dma_start3A_58, %dma_start3A_59] : memref<4096x1024xf32, #tpu.memory_space<hbm>> -> memref<4096x1024xf32, #tpu.memory_space<hbm>>
    tpu.enqueue_indirect_dma source(%dma_start3A_60 : memref<4096x1024xf32, #tpu.memory_space<hbm>>) target(%dma_start3A_54 : memref<16x1024xf32, #tpu.memory_space<vmem>>) offsets(%dma_start3A_57 : memref<16xi32, #tpu.memory_space<vmem>>) semaphore(%arg14 : memref<!tpu.dma_semaphore, #tpu.memory_space<semaphore_mem>>)
    %dma_wait3A = arith.constant 0 : i32
    %dma_wait3A_61 = arith.constant 0 : i32
    %dma_wait3A_62 = arith.constant 0 : i32
    %dma_wait3A_63 = arith.constant 0 : i32
    %dma_wait3A_64 = tpu.memref_slice %arg10[%dma_wait3A_61, %dma_wait3A_62, %dma_wait3A_63] : memref<2x16x1024xf32, #tpu.memory_space<vmem>> -> memref<1x16x1024xf32, #tpu.memory_space<vmem>>
    %dma_wait3A_65 = tpu.memref_squeeze %dma_wait3A_64 : memref<1x16x1024xf32, #tpu.memory_space<vmem>> -> memref<16x1024xf32, #tpu.memory_space<vmem>>
    %dma_wait3A_66 = arith.constant 0 : i32
    %dma_wait3A_67 = tpu.memref_slice %arg8[%dma_wait3A, %dma_wait3A_66] : memref<2x16xi32, #tpu.memory_space<vmem>> -> memref<1x16xi32, #tpu.memory_space<vmem>>
    %dma_wait3A_68 = tpu.memref_squeeze %dma_wait3A_67 : memref<1x16xi32, #tpu.memory_space<vmem>> -> memref<16xi32, #tpu.memory_space<vmem>>
    %dma_wait3A_69 = arith.constant 0 : i32
    %dma_wait3A_70 = arith.constant 0 : i32
    %dma_wait3A_71 = tpu.memref_slice %arg2[%dma_wait3A_69, %dma_wait3A_70] : memref<4096x1024xf32, #tpu.memory_space<hbm>> -> memref<4096x1024xf32, #tpu.memory_space<hbm>>
    tpu.wait_indirect_dma semaphore(%arg14 : memref<!tpu.dma_semaphore, #tpu.memory_space<semaphore_mem>>) src(%dma_wait3A_71 : memref<4096x1024xf32, #tpu.memory_space<hbm>>) dst(%dma_wait3A_65 : memref<16x1024xf32, #tpu.memory_space<vmem>>)
    %dma_wait3A_72 = arith.constant 0 : i32
    %dma_wait3A_73 = arith.constant 0 : i32
    %dma_wait3A_74 = arith.constant 0 : i32
    %dma_wait3A_75 = arith.constant 0 : i32
    %dma_wait3A_76 = tpu.memref_slice %arg11[%dma_wait3A_73, %dma_wait3A_74, %dma_wait3A_75] : memref<2x16x1024xf32, #tpu.memory_space<vmem>> -> memref<1x16x1024xf32, #tpu.memory_space<vmem>>
    %dma_wait3A_77 = tpu.memref_squeeze %dma_wait3A_76 : memref<1x16x1024xf32, #tpu.memory_space<vmem>> -> memref<16x1024xf32, #tpu.memory_space<vmem>>
    %dma_wait3A_78 = arith.constant 0 : i32
    %dma_wait3A_79 = tpu.memref_slice %arg9[%dma_wait3A_72, %dma_wait3A_78] : memref<2x16xi32, #tpu.memory_space<vmem>> -> memref<1x16xi32, #tpu.memory_space<vmem>>
    %dma_wait3A_80 = tpu.memref_squeeze %dma_wait3A_79 : memref<1x16xi32, #tpu.memory_space<vmem>> -> memref<16xi32, #tpu.memory_space<vmem>>
    %dma_wait3A_81 = arith.constant 0 : i32
    %dma_wait3A_82 = arith.constant 0 : i32
    %dma_wait3A_83 = tpu.memref_slice %arg2[%dma_wait3A_81, %dma_wait3A_82] : memref<4096x1024xf32, #tpu.memory_space<hbm>> -> memref<4096x1024xf32, #tpu.memory_space<hbm>>
    tpu.wait_indirect_dma semaphore(%arg14 : memref<!tpu.dma_semaphore, #tpu.memory_space<semaphore_mem>>) src(%dma_wait3A_83 : memref<4096x1024xf32, #tpu.memory_space<hbm>>) dst(%dma_wait3A_77 : memref<16x1024xf32, #tpu.memory_space<vmem>>)
    %parallel_loop3A = arith.constant 0 : i32
    %parallel_loop3A_84 = arith.constant 1024 : i32
    %parallel_loop3A_85 = arith.constant 1 : i32
    scf.for %parallel_loop3A_239 = %parallel_loop3A to %parallel_loop3A_84 step %parallel_loop3A_85  : i32 {
      %parallel_loop3A_240 = arith.constant 64 : i32
      %parallel_loop3A_241 = arith.divsi %parallel_loop3A_239, %parallel_loop3A_240 : i32
      %parallel_loop3A_242 = arith.constant 0 : i32
      %parallel_loop3A_243 = arith.cmpi sgt, %parallel_loop3A_239, %parallel_loop3A_242 : i32
      %parallel_loop3A_244 = arith.extui %parallel_loop3A_243 : i1 to i32
      %parallel_loop3A_245 = arith.constant 0 : i32
      %parallel_loop3A_246 = arith.cmpi slt, %parallel_loop3A_239, %parallel_loop3A_245 : i32
      %parallel_loop3A_247 = arith.extui %parallel_loop3A_246 : i1 to i32
      %parallel_loop3A_248 = arith.subi %parallel_loop3A_244, %parallel_loop3A_247 : i32
      %parallel_loop3A_249 = arith.constant 0 : i32
      %parallel_loop3A_250 = arith.cmpi sgt, %parallel_loop3A_240, %parallel_loop3A_249 : i32
      %parallel_loop3A_251 = arith.extui %parallel_loop3A_250 : i1 to i32
      %parallel_loop3A_252 = arith.constant 0 : i32
      %parallel_loop3A_253 = arith.cmpi slt, %parallel_loop3A_240, %parallel_loop3A_252 : i32
      %parallel_loop3A_254 = arith.extui %parallel_loop3A_253 : i1 to i32
      %parallel_loop3A_255 = arith.subi %parallel_loop3A_251, %parallel_loop3A_254 : i32
      %parallel_loop3A_256 = arith.cmpi ne, %parallel_loop3A_248, %parallel_loop3A_255 : i32
      %parallel_loop3A_257 = arith.remsi %parallel_loop3A_239, %parallel_loop3A_240 : i32
      %parallel_loop3A_258 = arith.constant 0 : i32
      %parallel_loop3A_259 = arith.cmpi ne, %parallel_loop3A_257, %parallel_loop3A_258 : i32
      %parallel_loop3A_260 = arith.andi %parallel_loop3A_256, %parallel_loop3A_259 : i1
      %parallel_loop3A_261 = arith.constant 1 : i32
      %parallel_loop3A_262 = arith.subi %parallel_loop3A_241, %parallel_loop3A_261 : i32
      %parallel_loop3A_263 = arith.select %parallel_loop3A_260, %parallel_loop3A_262, %parallel_loop3A_241 : i32
      %parallel_loop3A_264 = arith.constant 64 : i32
      %parallel_loop3A_265 = arith.constant 0 : i32
      %parallel_loop3A_266 = arith.cmpi eq, %parallel_loop3A_264, %parallel_loop3A_265 : i32
      %parallel_loop3A_267 = arith.constant 1 : i32
      %parallel_loop3A_268 = arith.select %parallel_loop3A_266, %parallel_loop3A_267, %parallel_loop3A_264 : i32
      %parallel_loop3A_269 = arith.remsi %parallel_loop3A_239, %parallel_loop3A_268 : i32
      %parallel_loop3A_270 = arith.constant 0 : i32
      %parallel_loop3A_271 = arith.cmpi ne, %parallel_loop3A_269, %parallel_loop3A_270 : i32
      %parallel_loop3A_272 = arith.constant 0 : i32
      %parallel_loop3A_273 = arith.cmpi slt, %parallel_loop3A_269, %parallel_loop3A_272 : i32
      %parallel_loop3A_274 = arith.constant 0 : i32
      %parallel_loop3A_275 = arith.cmpi slt, %parallel_loop3A_268, %parallel_loop3A_274 : i32
      %parallel_loop3A_276 = arith.xori %parallel_loop3A_273, %parallel_loop3A_275 : i1
      %parallel_loop3A_277 = arith.andi %parallel_loop3A_276, %parallel_loop3A_271 : i1
      %parallel_loop3A_278 = arith.addi %parallel_loop3A_269, %parallel_loop3A_268 : i32
      %parallel_loop3A_279 = arith.select %parallel_loop3A_277, %parallel_loop3A_278, %parallel_loop3A_269 : i32
      %parallel_loop3A_280 = arith.constant 0 : i32
      %parallel_loop3A_281 = arith.index_cast %parallel_loop3A_280 : i32 to index
      %parallel_loop3A_282 = arith.index_cast %parallel_loop3A_263 : i32 to index
      %parallel_loop3A_283 = arith.constant 0 : index
      %parallel_loop3A_284 = tpu.vector_load %arg12[%parallel_loop3A_281, %parallel_loop3A_282, %parallel_loop3A_283] {strides = array<i32>} : memref<2x16x16xf32, #tpu.memory_space<vmem>>, vector<1x1x16xf32>,
      %parallel_loop3A_285 = vector.shape_cast %parallel_loop3A_284 : vector<1x1x16xf32> to vector<16xf32>
      %parallel_loop3A_286 = arith.constant 0 : i32
      %parallel_loop3A_287 = arith.index_cast %parallel_loop3A_286 : i32 to index
      %parallel_loop3A_288 = arith.index_cast %parallel_loop3A_263 : i32 to index
      %parallel_loop3A_289 = arith.constant 0 : index
      %parallel_loop3A_290 = tpu.vector_load %arg13[%parallel_loop3A_287, %parallel_loop3A_288, %parallel_loop3A_289] {strides = array<i32>} : memref<2x16x16xf32, #tpu.memory_space<vmem>>, vector<1x1x16xf32>,
      %parallel_loop3A_291 = vector.shape_cast %parallel_loop3A_290 : vector<1x1x16xf32> to vector<16xf32>
      %parallel_loop3A_292 = arith.constant 16 : i32
      %parallel_loop3A_293 = arith.muli %parallel_loop3A_279, %parallel_loop3A_292 : i32
      %parallel_loop3A_294 = arith.constant 0 : i32
      %parallel_loop3A_295 = arith.index_cast %parallel_loop3A_294 : i32 to index
      %parallel_loop3A_296 = arith.index_cast %parallel_loop3A_263 : i32 to index
      %parallel_loop3A_297 = arith.index_cast %parallel_loop3A_293 : i32 to index
      %parallel_loop3A_298 = tpu.vector_load %arg10[%parallel_loop3A_295, %parallel_loop3A_296, %parallel_loop3A_297] {strides = array<i32>} : memref<2x16x1024xf32, #tpu.memory_space<vmem>>, vector<1x1x16xf32>,
      %parallel_loop3A_299 = vector.shape_cast %parallel_loop3A_298 : vector<1x1x16xf32> to vector<16xf32>
      %parallel_loop3A_300 = arith.mulf %parallel_loop3A_299, %parallel_loop3A_285 : vector<16xf32>
      %parallel_loop3A_301 = arith.constant 0 : i32
      %parallel_loop3A_302 = arith.index_cast %parallel_loop3A_301 : i32 to index
      %parallel_loop3A_303 = arith.index_cast %parallel_loop3A_263 : i32 to index
      %parallel_loop3A_304 = arith.index_cast %parallel_loop3A_293 : i32 to index
      %parallel_loop3A_305 = tpu.vector_load %arg11[%parallel_loop3A_302, %parallel_loop3A_303, %parallel_loop3A_304] {strides = array<i32>} : memref<2x16x1024xf32, #tpu.memory_space<vmem>>, vector<1x1x16xf32>,
      %parallel_loop3A_306 = vector.shape_cast %parallel_loop3A_305 : vector<1x1x16xf32> to vector<16xf32>
      %parallel_loop3A_307 = arith.mulf %parallel_loop3A_306, %parallel_loop3A_291 : vector<16xf32>
      %parallel_loop3A_308 = arith.addf %parallel_loop3A_300, %parallel_loop3A_307 : vector<16xf32>
      %parallel_loop3A_309 = arith.constant 0 : i32
      %parallel_loop3A_310 = arith.index_cast %parallel_loop3A_309 : i32 to index
      %parallel_loop3A_311 = arith.index_cast %parallel_loop3A_263 : i32 to index
      %parallel_loop3A_312 = arith.index_cast %parallel_loop3A_293 : i32 to index
      %parallel_loop3A_313 = tpu.vector_load %arg10[%parallel_loop3A_310, %parallel_loop3A_311, %parallel_loop3A_312] {strides = array<i32>} : memref<2x16x1024xf32, #tpu.memory_space<vmem>>, vector<1x1x16xf32>,
      %parallel_loop3A_314 = vector.shape_cast %parallel_loop3A_313 : vector<1x1x16xf32> to vector<16xf32>
      %parallel_loop3A_315 = vector.shape_cast %parallel_loop3A_308 : vector<16xf32> to vector<1x1x16xf32>
      tpu.vector_store %arg10[%parallel_loop3A_310, %parallel_loop3A_311, %parallel_loop3A_312], %parallel_loop3A_315 {strides = array<i32>} : memref<2x16x1024xf32, #tpu.memory_space<vmem>>, vector<1x1x16xf32>,
    } {sc.loop_unroll_factor = 8 : i64, sc.parallel_access}
    %add3A_86 = arith.constant 0 : i32
    %add3A_87 = arith.addi %mul3A_2, %add3A_86 : i32
    %run_scoped3A_88 = arith.constant 0 : i32
    "tpu.region"() ({
      %run_scoped3A_239 = tpu.sem_alloc : memref<!tpu.dma_semaphore, #tpu.memory_space<semaphore_mem>>
      %dma_start3A_240 = arith.constant 0 : i32
      %dma_start3A_241 = arith.constant 0 : i32
      %dma_start3A_242 = tpu.memref_slice %arg10[%run_scoped3A_88, %dma_start3A_240, %dma_start3A_241] : memref<2x16x1024xf32, #tpu.memory_space<vmem>> -> memref<1x16x1024xf32, #tpu.memory_space<vmem>>
      %dma_start3A_243 = tpu.memref_squeeze %dma_start3A_242 : memref<1x16x1024xf32, #tpu.memory_space<vmem>> -> memref<16x1024xf32, #tpu.memory_space<vmem>>
      %dma_start3A_244 = arith.constant 0 : i32
      %dma_start3A_245 = tpu.memref_slice %arg7[%add3A_87, %dma_start3A_244] : memref<2048x1024xf32, #tpu.memory_space<hbm>> -> memref<16x1024xf32, #tpu.memory_space<hbm>>
      %dma_start3A_246 = arith.constant 0 : i32
      %dma_start3A_247 = tpu.memref_slice %arg7[%add3A_87, %dma_start3A_246] : memref<2048x1024xf32, #tpu.memory_space<hbm>> -> memref<16x1024xf32, #tpu.memory_space<hbm>>
      %dma_start3A_248 = arith.constant 0 : i32
      %dma_start3A_249 = arith.constant 0 : i32
      %dma_start3A_250 = tpu.memref_slice %arg10[%run_scoped3A_88, %dma_start3A_248, %dma_start3A_249] : memref<2x16x1024xf32, #tpu.memory_space<vmem>> -> memref<1x16x1024xf32, #tpu.memory_space<vmem>>
      %dma_start3A_251 = tpu.memref_squeeze %dma_start3A_250 : memref<1x16x1024xf32, #tpu.memory_space<vmem>> -> memref<16x1024xf32, #tpu.memory_space<vmem>>
      tpu.enqueue_dma source(%dma_start3A_251 : memref<16x1024xf32, #tpu.memory_space<vmem>>) target(%dma_start3A_247 : memref<16x1024xf32, #tpu.memory_space<hbm>>) target_semaphore(%run_scoped3A_239 : memref<!tpu.dma_semaphore, #tpu.memory_space<semaphore_mem>>)
      %dma_wait3A_252 = arith.constant 0 : i32
      %dma_wait3A_253 = arith.constant 0 : i32
      %dma_wait3A_254 = tpu.memref_slice %arg10[%run_scoped3A_88, %dma_wait3A_252, %dma_wait3A_253] : memref<2x16x1024xf32, #tpu.memory_space<vmem>> -> memref<1x16x1024xf32, #tpu.memory_space<vmem>>
      %dma_wait3A_255 = tpu.memref_squeeze %dma_wait3A_254 : memref<1x16x1024xf32, #tpu.memory_space<vmem>> -> memref<16x1024xf32, #tpu.memory_space<vmem>>
      %dma_wait3A_256 = arith.constant 0 : i32
      %dma_wait3A_257 = tpu.memref_slice %arg7[%add3A_87, %dma_wait3A_256] : memref<2048x1024xf32, #tpu.memory_space<hbm>> -> memref<16x1024xf32, #tpu.memory_space<hbm>>
      %dma_wait3A_258 = arith.constant 0 : i32
      %dma_wait3A_259 = tpu.memref_slice %arg7[%add3A_87, %dma_wait3A_258] : memref<2048x1024xf32, #tpu.memory_space<hbm>> -> memref<16x1024xf32, #tpu.memory_space<hbm>>
      %dma_wait3A_260 = arith.constant 0 : i32
      %dma_wait3A_261 = arith.constant 0 : i32
      %dma_wait3A_262 = tpu.memref_slice %arg10[%run_scoped3A_88, %dma_wait3A_260, %dma_wait3A_261] : memref<2x16x1024xf32, #tpu.memory_space<vmem>> -> memref<1x16x1024xf32, #tpu.memory_space<vmem>>
      %dma_wait3A_263 = tpu.memref_squeeze %dma_wait3A_262 : memref<1x16x1024xf32, #tpu.memory_space<vmem>> -> memref<16x1024xf32, #tpu.memory_space<vmem>>
      tpu.wait_dma2 semaphore(%run_scoped3A_239 : memref<!tpu.dma_semaphore, #tpu.memory_space<semaphore_mem>>) src(%dma_wait3A_263 : memref<16x1024xf32, #tpu.memory_space<vmem>>) dst(%dma_wait3A_259 : memref<16x1024xf32, #tpu.memory_space<hbm>>)
      tpu.yield
    }) : () -> ()
    %add3A_89 = arith.constant 32 : i32
    %add3A_90 = arith.addi %mul3A_2, %add3A_89 : i32
    %run_scoped3A_91 = arith.constant 0 : i32
    "tpu.region"() ({
      %run_scoped3A_239 = tpu.sem_alloc : memref<!tpu.dma_semaphore, #tpu.memory_space<semaphore_mem>>
      %dma_start3A_240 = arith.constant 0 : i32
      %dma_start3A_241 = tpu.memref_slice %arg8[%run_scoped3A_91, %dma_start3A_240] : memref<2x16xi32, #tpu.memory_space<vmem>> -> memref<1x16xi32, #tpu.memory_space<vmem>>
      %dma_start3A_242 = tpu.memref_squeeze %dma_start3A_241 : memref<1x16xi32, #tpu.memory_space<vmem>> -> memref<16xi32, #tpu.memory_space<vmem>>
      %dma_start3A_243 = tpu.memref_slice %arg3[%add3A_90] : memref<2048xi32, #tpu.memory_space<hbm>> -> memref<16xi32, #tpu.memory_space<hbm>>
      %dma_start3A_244 = arith.constant 0 : i32
      %dma_start3A_245 = tpu.memref_slice %arg8[%run_scoped3A_91, %dma_start3A_244] : memref<2x16xi32, #tpu.memory_space<vmem>> -> memref<1x16xi32, #tpu.memory_space<vmem>>
      %dma_start3A_246 = tpu.memref_squeeze %dma_start3A_245 : memref<1x16xi32, #tpu.memory_space<vmem>> -> memref<16xi32, #tpu.memory_space<vmem>>
      %dma_start3A_247 = tpu.memref_slice %arg3[%add3A_90] : memref<2048xi32, #tpu.memory_space<hbm>> -> memref<16xi32, #tpu.memory_space<hbm>>
      tpu.enqueue_dma source(%dma_start3A_247 : memref<16xi32, #tpu.memory_space<hbm>>) target(%dma_start3A_246 : memref<16xi32, #tpu.memory_space<vmem>>) target_semaphore(%run_scoped3A_239 : memref<!tpu.dma_semaphore, #tpu.memory_space<semaphore_mem>>)
      %dma_wait3A_248 = arith.constant 0 : i32
      %dma_wait3A_249 = tpu.memref_slice %arg8[%run_scoped3A_91, %dma_wait3A_248] : memref<2x16xi32, #tpu.memory_space<vmem>> -> memref<1x16xi32, #tpu.memory_space<vmem>>
      %dma_wait3A_250 = tpu.memref_squeeze %dma_wait3A_249 : memref<1x16xi32, #tpu.memory_space<vmem>> -> memref<16xi32, #tpu.memory_space<vmem>>
      %dma_wait3A_251 = tpu.memref_slice %arg3[%add3A_90] : memref<2048xi32, #tpu.memory_space<hbm>> -> memref<16xi32, #tpu.memory_space<hbm>>
      %dma_wait3A_252 = arith.constant 0 : i32
      %dma_wait3A_253 = tpu.memref_slice %arg8[%run_scoped3A_91, %dma_wait3A_252] : memref<2x16xi32, #tpu.memory_space<vmem>> -> memref<1x16xi32, #tpu.memory_space<vmem>>
      %dma_wait3A_254 = tpu.memref_squeeze %dma_wait3A_253 : memref<1x16xi32, #tpu.memory_space<vmem>> -> memref<16xi32, #tpu.memory_space<vmem>>
      %dma_wait3A_255 = tpu.memref_slice %arg3[%add3A_90] : memref<2048xi32, #tpu.memory_space<hbm>> -> memref<16xi32, #tpu.memory_space<hbm>>
      tpu.wait_dma2 semaphore(%run_scoped3A_239 : memref<!tpu.dma_semaphore, #tpu.memory_space<semaphore_mem>>) src(%dma_wait3A_255 : memref<16xi32, #tpu.memory_space<hbm>>) dst(%dma_wait3A_254 : memref<16xi32, #tpu.memory_space<vmem>>)
      tpu.yield
    }) : () -> ()
    %run_scoped3A_92 = arith.constant 0 : i32
    "tpu.region"() ({
      %run_scoped3A_239 = tpu.sem_alloc : memref<!tpu.dma_semaphore, #tpu.memory_space<semaphore_mem>>
      %dma_start3A_240 = arith.constant 0 : i32
      %dma_start3A_241 = tpu.memref_slice %arg9[%run_scoped3A_92, %dma_start3A_240] : memref<2x16xi32, #tpu.memory_space<vmem>> -> memref<1x16xi32, #tpu.memory_space<vmem>>
      %dma_start3A_242 = tpu.memref_squeeze %dma_start3A_241 : memref<1x16xi32, #tpu.memory_space<vmem>> -> memref<16xi32, #tpu.memory_space<vmem>>
      %dma_start3A_243 = tpu.memref_slice %arg4[%add3A_90] : memref<2048xi32, #tpu.memory_space<hbm>> -> memref<16xi32, #tpu.memory_space<hbm>>
      %dma_start3A_244 = arith.constant 0 : i32
      %dma_start3A_245 = tpu.memref_slice %arg9[%run_scoped3A_92, %dma_start3A_244] : memref<2x16xi32, #tpu.memory_space<vmem>> -> memref<1x16xi32, #tpu.memory_space<vmem>>
      %dma_start3A_246 = tpu.memref_squeeze %dma_start3A_245 : memref<1x16xi32, #tpu.memory_space<vmem>> -> memref<16xi32, #tpu.memory_space<vmem>>
      %dma_start3A_247 = tpu.memref_slice %arg4[%add3A_90] : memref<2048xi32, #tpu.memory_space<hbm>> -> memref<16xi32, #tpu.memory_space<hbm>>
      tpu.enqueue_dma source(%dma_start3A_247 : memref<16xi32, #tpu.memory_space<hbm>>) target(%dma_start3A_246 : memref<16xi32, #tpu.memory_space<vmem>>) target_semaphore(%run_scoped3A_239 : memref<!tpu.dma_semaphore, #tpu.memory_space<semaphore_mem>>)
      %dma_wait3A_248 = arith.constant 0 : i32
      %dma_wait3A_249 = tpu.memref_slice %arg9[%run_scoped3A_92, %dma_wait3A_248] : memref<2x16xi32, #tpu.memory_space<vmem>> -> memref<1x16xi32, #tpu.memory_space<vmem>>
      %dma_wait3A_250 = tpu.memref_squeeze %dma_wait3A_249 : memref<1x16xi32, #tpu.memory_space<vmem>> -> memref<16xi32, #tpu.memory_space<vmem>>
      %dma_wait3A_251 = tpu.memref_slice %arg4[%add3A_90] : memref<2048xi32, #tpu.memory_space<hbm>> -> memref<16xi32, #tpu.memory_space<hbm>>
      %dma_wait3A_252 = arith.constant 0 : i32
      %dma_wait3A_253 = tpu.memref_slice %arg9[%run_scoped3A_92, %dma_wait3A_252] : memref<2x16xi32, #tpu.memory_space<vmem>> -> memref<1x16xi32, #tpu.memory_space<vmem>>
      %dma_wait3A_254 = tpu.memref_squeeze %dma_wait3A_253 : memref<1x16xi32, #tpu.memory_space<vmem>> -> memref<16xi32, #tpu.memory_space<vmem>>
      %dma_wait3A_255 = tpu.memref_slice %arg4[%add3A_90] : memref<2048xi32, #tpu.memory_space<hbm>> -> memref<16xi32, #tpu.memory_space<hbm>>
      tpu.wait_dma2 semaphore(%run_scoped3A_239 : memref<!tpu.dma_semaphore, #tpu.memory_space<semaphore_mem>>) src(%dma_wait3A_255 : memref<16xi32, #tpu.memory_space<hbm>>) dst(%dma_wait3A_254 : memref<16xi32, #tpu.memory_space<vmem>>)
      tpu.yield
    }) : () -> ()
    %run_scoped3A_93 = arith.constant 0 : i32
    "tpu.region"() ({
      %run_scoped3A_239 = tpu.sem_alloc : memref<!tpu.dma_semaphore, #tpu.memory_space<semaphore_mem>>
      %dma_start3A_240 = arith.constant 0 : i32
      %dma_start3A_241 = arith.constant 0 : i32
      %dma_start3A_242 = tpu.memref_slice %arg12[%run_scoped3A_93, %dma_start3A_240, %dma_start3A_241] : memref<2x16x16xf32, #tpu.memory_space<vmem>> -> memref<1x16x16xf32, #tpu.memory_space<vmem>>
      %dma_start3A_243 = tpu.memref_squeeze %dma_start3A_242 : memref<1x16x16xf32, #tpu.memory_space<vmem>> -> memref<16x16xf32, #tpu.memory_space<vmem>>
      %dma_start3A_244 = arith.constant 0 : i32
      %dma_start3A_245 = tpu.memref_slice %arg5[%add3A_90, %dma_start3A_244] : memref<2048x16xf32, #tpu.memory_space<hbm>> -> memref<16x16xf32, #tpu.memory_space<hbm>>
      %dma_start3A_246 = arith.constant 0 : i32
      %dma_start3A_247 = arith.constant 0 : i32
      %dma_start3A_248 = tpu.memref_slice %arg12[%run_scoped3A_93, %dma_start3A_246, %dma_start3A_247] : memref<2x16x16xf32, #tpu.memory_space<vmem>> -> memref<1x16x16xf32, #tpu.memory_space<vmem>>
      %dma_start3A_249 = tpu.memref_squeeze %dma_start3A_248 : memref<1x16x16xf32, #tpu.memory_space<vmem>> -> memref<16x16xf32, #tpu.memory_space<vmem>>
      %dma_start3A_250 = arith.constant 0 : i32
      %dma_start3A_251 = tpu.memref_slice %arg5[%add3A_90, %dma_start3A_250] : memref<2048x16xf32, #tpu.memory_space<hbm>> -> memref<16x16xf32, #tpu.memory_space<hbm>>
      tpu.enqueue_dma source(%dma_start3A_251 : memref<16x16xf32, #tpu.memory_space<hbm>>) target(%dma_start3A_249 : memref<16x16xf32, #tpu.memory_space<vmem>>) target_semaphore(%run_scoped3A_239 : memref<!tpu.dma_semaphore, #tpu.memory_space<semaphore_mem>>)
      %dma_wait3A_252 = arith.constant 0 : i32
      %dma_wait3A_253 = arith.constant 0 : i32
      %dma_wait3A_254 = tpu.memref_slice %arg12[%run_scoped3A_93, %dma_wait3A_252, %dma_wait3A_253] : memref<2x16x16xf32, #tpu.memory_space<vmem>> -> memref<1x16x16xf32, #tpu.memory_space<vmem>>
      %dma_wait3A_255 = tpu.memref_squeeze %dma_wait3A_254 : memref<1x16x16xf32, #tpu.memory_space<vmem>> -> memref<16x16xf32, #tpu.memory_space<vmem>>
      %dma_wait3A_256 = arith.constant 0 : i32
      %dma_wait3A_257 = tpu.memref_slice %arg5[%add3A_90, %dma_wait3A_256] : memref<2048x16xf32, #tpu.memory_space<hbm>> -> memref<16x16xf32, #tpu.memory_space<hbm>>
      %dma_wait3A_258 = arith.constant 0 : i32
      %dma_wait3A_259 = arith.constant 0 : i32
      %dma_wait3A_260 = tpu.memref_slice %arg12[%run_scoped3A_93, %dma_wait3A_258, %dma_wait3A_259] : memref<2x16x16xf32, #tpu.memory_space<vmem>> -> memref<1x16x16xf32, #tpu.memory_space<vmem>>
      %dma_wait3A_261 = tpu.memref_squeeze %dma_wait3A_260 : memref<1x16x16xf32, #tpu.memory_space<vmem>> -> memref<16x16xf32, #tpu.memory_space<vmem>>
      %dma_wait3A_262 = arith.constant 0 : i32
      %dma_wait3A_263 = tpu.memref_slice %arg5[%add3A_90, %dma_wait3A_262] : memref<2048x16xf32, #tpu.memory_space<hbm>> -> memref<16x16xf32, #tpu.memory_space<hbm>>
      tpu.wait_dma2 semaphore(%run_scoped3A_239 : memref<!tpu.dma_semaphore, #tpu.memory_space<semaphore_mem>>) src(%dma_wait3A_263 : memref<16x16xf32, #tpu.memory_space<hbm>>) dst(%dma_wait3A_261 : memref<16x16xf32, #tpu.memory_space<vmem>>)
      tpu.yield
    }) : () -> ()
    %run_scoped3A_94 = arith.constant 0 : i32
    "tpu.region"() ({
      %run_scoped3A_239 = tpu.sem_alloc : memref<!tpu.dma_semaphore, #tpu.memory_space<semaphore_mem>>
      %dma_start3A_240 = arith.constant 0 : i32
      %dma_start3A_241 = arith.constant 0 : i32
      %dma_start3A_242 = tpu.memref_slice %arg13[%run_scoped3A_94, %dma_start3A_240, %dma_start3A_241] : memref<2x16x16xf32, #tpu.memory_space<vmem>> -> memref<1x16x16xf32, #tpu.memory_space<vmem>>
      %dma_start3A_243 = tpu.memref_squeeze %dma_start3A_242 : memref<1x16x16xf32, #tpu.memory_space<vmem>> -> memref<16x16xf32, #tpu.memory_space<vmem>>
      %dma_start3A_244 = arith.constant 0 : i32
      %dma_start3A_245 = tpu.memref_slice %arg6[%add3A_90, %dma_start3A_244] : memref<2048x16xf32, #tpu.memory_space<hbm>> -> memref<16x16xf32, #tpu.memory_space<hbm>>
      %dma_start3A_246 = arith.constant 0 : i32
      %dma_start3A_247 = arith.constant 0 : i32
      %dma_start3A_248 = tpu.memref_slice %arg13[%run_scoped3A_94, %dma_start3A_246, %dma_start3A_247] : memref<2x16x16xf32, #tpu.memory_space<vmem>> -> memref<1x16x16xf32, #tpu.memory_space<vmem>>
      %dma_start3A_249 = tpu.memref_squeeze %dma_start3A_248 : memref<1x16x16xf32, #tpu.memory_space<vmem>> -> memref<16x16xf32, #tpu.memory_space<vmem>>
      %dma_start3A_250 = arith.constant 0 : i32
      %dma_start3A_251 = tpu.memref_slice %arg6[%add3A_90, %dma_start3A_250] : memref<2048x16xf32, #tpu.memory_space<hbm>> -> memref<16x16xf32, #tpu.memory_space<hbm>>
      tpu.enqueue_dma source(%dma_start3A_251 : memref<16x16xf32, #tpu.memory_space<hbm>>) target(%dma_start3A_249 : memref<16x16xf32, #tpu.memory_space<vmem>>) target_semaphore(%run_scoped3A_239 : memref<!tpu.dma_semaphore, #tpu.memory_space<semaphore_mem>>)
      %dma_wait3A_252 = arith.constant 0 : i32
      %dma_wait3A_253 = arith.constant 0 : i32
      %dma_wait3A_254 = tpu.memref_slice %arg13[%run_scoped3A_94, %dma_wait3A_252, %dma_wait3A_253] : memref<2x16x16xf32, #tpu.memory_space<vmem>> -> memref<1x16x16xf32, #tpu.memory_space<vmem>>
      %dma_wait3A_255 = tpu.memref_squeeze %dma_wait3A_254 : memref<1x16x16xf32, #tpu.memory_space<vmem>> -> memref<16x16xf32, #tpu.memory_space<vmem>>
      %dma_wait3A_256 = arith.constant 0 : i32
      %dma_wait3A_257 = tpu.memref_slice %arg6[%add3A_90, %dma_wait3A_256] : memref<2048x16xf32, #tpu.memory_space<hbm>> -> memref<16x16xf32, #tpu.memory_space<hbm>>
      %dma_wait3A_258 = arith.constant 0 : i32
      %dma_wait3A_259 = arith.constant 0 : i32
      %dma_wait3A_260 = tpu.memref_slice %arg13[%run_scoped3A_94, %dma_wait3A_258, %dma_wait3A_259] : memref<2x16x16xf32, #tpu.memory_space<vmem>> -> memref<1x16x16xf32, #tpu.memory_space<vmem>>
      %dma_wait3A_261 = tpu.memref_squeeze %dma_wait3A_260 : memref<1x16x16xf32, #tpu.memory_space<vmem>> -> memref<16x16xf32, #tpu.memory_space<vmem>>
      %dma_wait3A_262 = arith.constant 0 : i32
      %dma_wait3A_263 = tpu.memref_slice %arg6[%add3A_90, %dma_wait3A_262] : memref<2048x16xf32, #tpu.memory_space<hbm>> -> memref<16x16xf32, #tpu.memory_space<hbm>>
      tpu.wait_dma2 semaphore(%run_scoped3A_239 : memref<!tpu.dma_semaphore, #tpu.memory_space<semaphore_mem>>) src(%dma_wait3A_263 : memref<16x16xf32, #tpu.memory_space<hbm>>) dst(%dma_wait3A_261 : memref<16x16xf32, #tpu.memory_space<vmem>>)
      tpu.yield
    }) : () -> ()
    %dma_start3A_95 = arith.constant 0 : i32
    %dma_start3A_96 = arith.constant 0 : i32
    %dma_start3A_97 = arith.constant 0 : i32
    %dma_start3A_98 = arith.constant 0 : i32
    %dma_start3A_99 = tpu.memref_slice %arg10[%dma_start3A_96, %dma_start3A_97, %dma_start3A_98] : memref<2x16x1024xf32, #tpu.memory_space<vmem>> -> memref<1x16x1024xf32, #tpu.memory_space<vmem>>
    %dma_start3A_100 = tpu.memref_squeeze %dma_start3A_99 : memref<1x16x1024xf32, #tpu.memory_space<vmem>> -> memref<16x1024xf32, #tpu.memory_space<vmem>>
    %dma_start3A_101 = arith.constant 0 : i32
    %dma_start3A_102 = tpu.memref_slice %arg8[%dma_start3A_95, %dma_start3A_101] : memref<2x16xi32, #tpu.memory_space<vmem>> -> memref<1x16xi32, #tpu.memory_space<vmem>>
    %dma_start3A_103 = tpu.memref_squeeze %dma_start3A_102 : memref<1x16xi32, #tpu.memory_space<vmem>> -> memref<16xi32, #tpu.memory_space<vmem>>
    %dma_start3A_104 = arith.constant 0 : i32
    %dma_start3A_105 = arith.constant 0 : i32
    %dma_start3A_106 = tpu.memref_slice %arg2[%dma_start3A_104, %dma_start3A_105] : memref<4096x1024xf32, #tpu.memory_space<hbm>> -> memref<4096x1024xf32, #tpu.memory_space<hbm>>
    tpu.enqueue_indirect_dma source(%dma_start3A_106 : memref<4096x1024xf32, #tpu.memory_space<hbm>>) target(%dma_start3A_100 : memref<16x1024xf32, #tpu.memory_space<vmem>>) offsets(%dma_start3A_103 : memref<16xi32, #tpu.memory_space<vmem>>) semaphore(%arg14 : memref<!tpu.dma_semaphore, #tpu.memory_space<semaphore_mem>>)
    %dma_start3A_107 = arith.constant 0 : i32
    %dma_start3A_108 = arith.constant 0 : i32
    %dma_start3A_109 = arith.constant 0 : i32
    %dma_start3A_110 = arith.constant 0 : i32
    %dma_start3A_111 = tpu.memref_slice %arg11[%dma_start3A_108, %dma_start3A_109, %dma_start3A_110] : memref<2x16x1024xf32, #tpu.memory_space<vmem>> -> memref<1x16x1024xf32, #tpu.memory_space<vmem>>
    %dma_start3A_112 = tpu.memref_squeeze %dma_start3A_111 : memref<1x16x1024xf32, #tpu.memory_space<vmem>> -> memref<16x1024xf32, #tpu.memory_space<vmem>>
    %dma_start3A_113 = arith.constant 0 : i32
    %dma_start3A_114 = tpu.memref_slice %arg9[%dma_start3A_107, %dma_start3A_113] : memref<2x16xi32, #tpu.memory_space<vmem>> -> memref<1x16xi32, #tpu.memory_space<vmem>>
    %dma_start3A_115 = tpu.memref_squeeze %dma_start3A_114 : memref<1x16xi32, #tpu.memory_space<vmem>> -> memref<16xi32, #tpu.memory_space<vmem>>
    %dma_start3A_116 = arith.constant 0 : i32
    %dma_start3A_117 = arith.constant 0 : i32
    %dma_start3A_118 = tpu.memref_slice %arg2[%dma_start3A_116, %dma_start3A_117] : memref<4096x1024xf32, #tpu.memory_space<hbm>> -> memref<4096x1024xf32, #tpu.memory_space<hbm>>
    tpu.enqueue_indirect_dma source(%dma_start3A_118 : memref<4096x1024xf32, #tpu.memory_space<hbm>>) target(%dma_start3A_112 : memref<16x1024xf32, #tpu.memory_space<vmem>>) offsets(%dma_start3A_115 : memref<16xi32, #tpu.memory_space<vmem>>) semaphore(%arg14 : memref<!tpu.dma_semaphore, #tpu.memory_space<semaphore_mem>>)
    %dma_wait3A_119 = arith.constant 1 : i32
    %dma_wait3A_120 = arith.constant 1 : i32
    %dma_wait3A_121 = arith.constant 0 : i32
    %dma_wait3A_122 = arith.constant 0 : i32
    %dma_wait3A_123 = tpu.memref_slice %arg10[%dma_wait3A_120, %dma_wait3A_121, %dma_wait3A_122] : memref<2x16x1024xf32, #tpu.memory_space<vmem>> -> memref<1x16x1024xf32, #tpu.memory_space<vmem>>
    %dma_wait3A_124 = tpu.memref_squeeze %dma_wait3A_123 : memref<1x16x1024xf32, #tpu.memory_space<vmem>> -> memref<16x1024xf32, #tpu.memory_space<vmem>>
    %dma_wait3A_125 = arith.constant 0 : i32
    %dma_wait3A_126 = tpu.memref_slice %arg8[%dma_wait3A_119, %dma_wait3A_125] : memref<2x16xi32, #tpu.memory_space<vmem>> -> memref<1x16xi32, #tpu.memory_space<vmem>>
    %dma_wait3A_127 = tpu.memref_squeeze %dma_wait3A_126 : memref<1x16xi32, #tpu.memory_space<vmem>> -> memref<16xi32, #tpu.memory_space<vmem>>
    %dma_wait3A_128 = arith.constant 0 : i32
    %dma_wait3A_129 = arith.constant 0 : i32
    %dma_wait3A_130 = tpu.memref_slice %arg2[%dma_wait3A_128, %dma_wait3A_129] : memref<4096x1024xf32, #tpu.memory_space<hbm>> -> memref<4096x1024xf32, #tpu.memory_space<hbm>>
    tpu.wait_indirect_dma semaphore(%arg14 : memref<!tpu.dma_semaphore, #tpu.memory_space<semaphore_mem>>) src(%dma_wait3A_130 : memref<4096x1024xf32, #tpu.memory_space<hbm>>) dst(%dma_wait3A_124 : memref<16x1024xf32, #tpu.memory_space<vmem>>)
    %dma_wait3A_131 = arith.constant 1 : i32
    %dma_wait3A_132 = arith.constant 1 : i32
    %dma_wait3A_133 = arith.constant 0 : i32
    %dma_wait3A_134 = arith.constant 0 : i32
    %dma_wait3A_135 = tpu.memref_slice %arg11[%dma_wait3A_132, %dma_wait3A_133, %dma_wait3A_134] : memref<2x16x1024xf32, #tpu.memory_space<vmem>> -> memref<1x16x1024xf32, #tpu.memory_space<vmem>>
    %dma_wait3A_136 = tpu.memref_squeeze %dma_wait3A_135 : memref<1x16x1024xf32, #tpu.memory_space<vmem>> -> memref<16x1024xf32, #tpu.memory_space<vmem>>
    %dma_wait3A_137 = arith.constant 0 : i32
    %dma_wait3A_138 = tpu.memref_slice %arg9[%dma_wait3A_131, %dma_wait3A_137] : memref<2x16xi32, #tpu.memory_space<vmem>> -> memref<1x16xi32, #tpu.memory_space<vmem>>
    %dma_wait3A_139 = tpu.memref_squeeze %dma_wait3A_138 : memref<1x16xi32, #tpu.memory_space<vmem>> -> memref<16xi32, #tpu.memory_space<vmem>>
    %dma_wait3A_140 = arith.constant 0 : i32
    %dma_wait3A_141 = arith.constant 0 : i32
    %dma_wait3A_142 = tpu.memref_slice %arg2[%dma_wait3A_140, %dma_wait3A_141] : memref<4096x1024xf32, #tpu.memory_space<hbm>> -> memref<4096x1024xf32, #tpu.memory_space<hbm>>
    tpu.wait_indirect_dma semaphore(%arg14 : memref<!tpu.dma_semaphore, #tpu.memory_space<semaphore_mem>>) src(%dma_wait3A_142 : memref<4096x1024xf32, #tpu.memory_space<hbm>>) dst(%dma_wait3A_136 : memref<16x1024xf32, #tpu.memory_space<vmem>>)
    %parallel_loop3A_143 = arith.constant 0 : i32
    %parallel_loop3A_144 = arith.constant 1024 : i32
    %parallel_loop3A_145 = arith.constant 1 : i32
    scf.for %parallel_loop3A_239 = %parallel_loop3A_143 to %parallel_loop3A_144 step %parallel_loop3A_145  : i32 {
      %parallel_loop3A_240 = arith.constant 64 : i32
      %parallel_loop3A_241 = arith.divsi %parallel_loop3A_239, %parallel_loop3A_240 : i32
      %parallel_loop3A_242 = arith.constant 0 : i32
      %parallel_loop3A_243 = arith.cmpi sgt, %parallel_loop3A_239, %parallel_loop3A_242 : i32
      %parallel_loop3A_244 = arith.extui %parallel_loop3A_243 : i1 to i32
      %parallel_loop3A_245 = arith.constant 0 : i32
      %parallel_loop3A_246 = arith.cmpi slt, %parallel_loop3A_239, %parallel_loop3A_245 : i32
      %parallel_loop3A_247 = arith.extui %parallel_loop3A_246 : i1 to i32
      %parallel_loop3A_248 = arith.subi %parallel_loop3A_244, %parallel_loop3A_247 : i32
      %parallel_loop3A_249 = arith.constant 0 : i32
      %parallel_loop3A_250 = arith.cmpi sgt, %parallel_loop3A_240, %parallel_loop3A_249 : i32
      %parallel_loop3A_251 = arith.extui %parallel_loop3A_250 : i1 to i32
      %parallel_loop3A_252 = arith.constant 0 : i32
      %parallel_loop3A_253 = arith.cmpi slt, %parallel_loop3A_240, %parallel_loop3A_252 : i32
      %parallel_loop3A_254 = arith.extui %parallel_loop3A_253 : i1 to i32
      %parallel_loop3A_255 = arith.subi %parallel_loop3A_251, %parallel_loop3A_254 : i32
      %parallel_loop3A_256 = arith.cmpi ne, %parallel_loop3A_248, %parallel_loop3A_255 : i32
      %parallel_loop3A_257 = arith.remsi %parallel_loop3A_239, %parallel_loop3A_240 : i32
      %parallel_loop3A_258 = arith.constant 0 : i32
      %parallel_loop3A_259 = arith.cmpi ne, %parallel_loop3A_257, %parallel_loop3A_258 : i32
      %parallel_loop3A_260 = arith.andi %parallel_loop3A_256, %parallel_loop3A_259 : i1
      %parallel_loop3A_261 = arith.constant 1 : i32
      %parallel_loop3A_262 = arith.subi %parallel_loop3A_241, %parallel_loop3A_261 : i32
      %parallel_loop3A_263 = arith.select %parallel_loop3A_260, %parallel_loop3A_262, %parallel_loop3A_241 : i32
      %parallel_loop3A_264 = arith.constant 64 : i32
      %parallel_loop3A_265 = arith.constant 0 : i32
      %parallel_loop3A_266 = arith.cmpi eq, %parallel_loop3A_264, %parallel_loop3A_265 : i32
      %parallel_loop3A_267 = arith.constant 1 : i32
      %parallel_loop3A_268 = arith.select %parallel_loop3A_266, %parallel_loop3A_267, %parallel_loop3A_264 : i32
      %parallel_loop3A_269 = arith.remsi %parallel_loop3A_239, %parallel_loop3A_268 : i32
      %parallel_loop3A_270 = arith.constant 0 : i32
      %parallel_loop3A_271 = arith.cmpi ne, %parallel_loop3A_269, %parallel_loop3A_270 : i32
      %parallel_loop3A_272 = arith.constant 0 : i32
      %parallel_loop3A_273 = arith.cmpi slt, %parallel_loop3A_269, %parallel_loop3A_272 : i32
      %parallel_loop3A_274 = arith.constant 0 : i32
      %parallel_loop3A_275 = arith.cmpi slt, %parallel_loop3A_268, %parallel_loop3A_274 : i32
      %parallel_loop3A_276 = arith.xori %parallel_loop3A_273, %parallel_loop3A_275 : i1
      %parallel_loop3A_277 = arith.andi %parallel_loop3A_276, %parallel_loop3A_271 : i1
      %parallel_loop3A_278 = arith.addi %parallel_loop3A_269, %parallel_loop3A_268 : i32
      %parallel_loop3A_279 = arith.select %parallel_loop3A_277, %parallel_loop3A_278, %parallel_loop3A_269 : i32
      %parallel_loop3A_280 = arith.constant 1 : i32
      %parallel_loop3A_281 = arith.index_cast %parallel_loop3A_280 : i32 to index
      %parallel_loop3A_282 = arith.index_cast %parallel_loop3A_263 : i32 to index
      %parallel_loop3A_283 = arith.constant 0 : index
      %parallel_loop3A_284 = tpu.vector_load %arg12[%parallel_loop3A_281, %parallel_loop3A_282, %parallel_loop3A_283] {strides = array<i32>} : memref<2x16x16xf32, #tpu.memory_space<vmem>>, vector<1x1x16xf32>,
      %parallel_loop3A_285 = vector.shape_cast %parallel_loop3A_284 : vector<1x1x16xf32> to vector<16xf32>
      %parallel_loop3A_286 = arith.constant 1 : i32
      %parallel_loop3A_287 = arith.index_cast %parallel_loop3A_286 : i32 to index
      %parallel_loop3A_288 = arith.index_cast %parallel_loop3A_263 : i32 to index
      %parallel_loop3A_289 = arith.constant 0 : index
      %parallel_loop3A_290 = tpu.vector_load %arg13[%parallel_loop3A_287, %parallel_loop3A_288, %parallel_loop3A_289] {strides = array<i32>} : memref<2x16x16xf32, #tpu.memory_space<vmem>>, vector<1x1x16xf32>,
      %parallel_loop3A_291 = vector.shape_cast %parallel_loop3A_290 : vector<1x1x16xf32> to vector<16xf32>
      %parallel_loop3A_292 = arith.constant 16 : i32
      %parallel_loop3A_293 = arith.muli %parallel_loop3A_279, %parallel_loop3A_292 : i32
      %parallel_loop3A_294 = arith.constant 1 : i32
      %parallel_loop3A_295 = arith.index_cast %parallel_loop3A_294 : i32 to index
      %parallel_loop3A_296 = arith.index_cast %parallel_loop3A_263 : i32 to index
      %parallel_loop3A_297 = arith.index_cast %parallel_loop3A_293 : i32 to index
      %parallel_loop3A_298 = tpu.vector_load %arg10[%parallel_loop3A_295, %parallel_loop3A_296, %parallel_loop3A_297] {strides = array<i32>} : memref<2x16x1024xf32, #tpu.memory_space<vmem>>, vector<1x1x16xf32>,
      %parallel_loop3A_299 = vector.shape_cast %parallel_loop3A_298 : vector<1x1x16xf32> to vector<16xf32>
      %parallel_loop3A_300 = arith.mulf %parallel_loop3A_299, %parallel_loop3A_285 : vector<16xf32>
      %parallel_loop3A_301 = arith.constant 1 : i32
      %parallel_loop3A_302 = arith.index_cast %parallel_loop3A_301 : i32 to index
      %parallel_loop3A_303 = arith.index_cast %parallel_loop3A_263 : i32 to index
      %parallel_loop3A_304 = arith.index_cast %parallel_loop3A_293 : i32 to index
      %parallel_loop3A_305 = tpu.vector_load %arg11[%parallel_loop3A_302, %parallel_loop3A_303, %parallel_loop3A_304] {strides = array<i32>} : memref<2x16x1024xf32, #tpu.memory_space<vmem>>, vector<1x1x16xf32>,
      %parallel_loop3A_306 = vector.shape_cast %parallel_loop3A_305 : vector<1x1x16xf32> to vector<16xf32>
      %parallel_loop3A_307 = arith.mulf %parallel_loop3A_306, %parallel_loop3A_291 : vector<16xf32>
      %parallel_loop3A_308 = arith.addf %parallel_loop3A_300, %parallel_loop3A_307 : vector<16xf32>
      %parallel_loop3A_309 = arith.constant 1 : i32
      %parallel_loop3A_310 = arith.index_cast %parallel_loop3A_309 : i32 to index
      %parallel_loop3A_311 = arith.index_cast %parallel_loop3A_263 : i32 to index
      %parallel_loop3A_312 = arith.index_cast %parallel_loop3A_293 : i32 to index
      %parallel_loop3A_313 = tpu.vector_load %arg10[%parallel_loop3A_310, %parallel_loop3A_311, %parallel_loop3A_312] {strides = array<i32>} : memref<2x16x1024xf32, #tpu.memory_space<vmem>>, vector<1x1x16xf32>,
      %parallel_loop3A_314 = vector.shape_cast %parallel_loop3A_313 : vector<1x1x16xf32> to vector<16xf32>
      %parallel_loop3A_315 = vector.shape_cast %parallel_loop3A_308 : vector<16xf32> to vector<1x1x16xf32>
      tpu.vector_store %arg10[%parallel_loop3A_310, %parallel_loop3A_311, %parallel_loop3A_312], %parallel_loop3A_315 {strides = array<i32>} : memref<2x16x1024xf32, #tpu.memory_space<vmem>>, vector<1x1x16xf32>,
    } {sc.loop_unroll_factor = 8 : i64, sc.parallel_access}
    %add3A_146 = arith.constant 16 : i32
    %add3A_147 = arith.addi %mul3A_2, %add3A_146 : i32
    %run_scoped3A_148 = arith.constant 1 : i32
    "tpu.region"() ({
      %run_scoped3A_239 = tpu.sem_alloc : memref<!tpu.dma_semaphore, #tpu.memory_space<semaphore_mem>>
      %dma_start3A_240 = arith.constant 0 : i32
      %dma_start3A_241 = arith.constant 0 : i32
      %dma_start3A_242 = tpu.memref_slice %arg10[%run_scoped3A_148, %dma_start3A_240, %dma_start3A_241] : memref<2x16x1024xf32, #tpu.memory_space<vmem>> -> memref<1x16x1024xf32, #tpu.memory_space<vmem>>
      %dma_start3A_243 = tpu.memref_squeeze %dma_start3A_242 : memref<1x16x1024xf32, #tpu.memory_space<vmem>> -> memref<16x1024xf32, #tpu.memory_space<vmem>>
      %dma_start3A_244 = arith.constant 0 : i32
      %dma_start3A_245 = tpu.memref_slice %arg7[%add3A_147, %dma_start3A_244] : memref<2048x1024xf32, #tpu.memory_space<hbm>> -> memref<16x1024xf32, #tpu.memory_space<hbm>>
      %dma_start3A_246 = arith.constant 0 : i32
      %dma_start3A_247 = tpu.memref_slice %arg7[%add3A_147, %dma_start3A_246] : memref<2048x1024xf32, #tpu.memory_space<hbm>> -> memref<16x1024xf32, #tpu.memory_space<hbm>>
      %dma_start3A_248 = arith.constant 0 : i32
      %dma_start3A_249 = arith.constant 0 : i32
      %dma_start3A_250 = tpu.memref_slice %arg10[%run_scoped3A_148, %dma_start3A_248, %dma_start3A_249] : memref<2x16x1024xf32, #tpu.memory_space<vmem>> -> memref<1x16x1024xf32, #tpu.memory_space<vmem>>
      %dma_start3A_251 = tpu.memref_squeeze %dma_start3A_250 : memref<1x16x1024xf32, #tpu.memory_space<vmem>> -> memref<16x1024xf32, #tpu.memory_space<vmem>>
      tpu.enqueue_dma source(%dma_start3A_251 : memref<16x1024xf32, #tpu.memory_space<vmem>>) target(%dma_start3A_247 : memref<16x1024xf32, #tpu.memory_space<hbm>>) target_semaphore(%run_scoped3A_239 : memref<!tpu.dma_semaphore, #tpu.memory_space<semaphore_mem>>)
      %dma_wait3A_252 = arith.constant 0 : i32
      %dma_wait3A_253 = arith.constant 0 : i32
      %dma_wait3A_254 = tpu.memref_slice %arg10[%run_scoped3A_148, %dma_wait3A_252, %dma_wait3A_253] : memref<2x16x1024xf32, #tpu.memory_space<vmem>> -> memref<1x16x1024xf32, #tpu.memory_space<vmem>>
      %dma_wait3A_255 = tpu.memref_squeeze %dma_wait3A_254 : memref<1x16x1024xf32, #tpu.memory_space<vmem>> -> memref<16x1024xf32, #tpu.memory_space<vmem>>
      %dma_wait3A_256 = arith.constant 0 : i32
      %dma_wait3A_257 = tpu.memref_slice %arg7[%add3A_147, %dma_wait3A_256] : memref<2048x1024xf32, #tpu.memory_space<hbm>> -> memref<16x1024xf32, #tpu.memory_space<hbm>>
      %dma_wait3A_258 = arith.constant 0 : i32
      %dma_wait3A_259 = tpu.memref_slice %arg7[%add3A_147, %dma_wait3A_258] : memref<2048x1024xf32, #tpu.memory_space<hbm>> -> memref<16x1024xf32, #tpu.memory_space<hbm>>
      %dma_wait3A_260 = arith.constant 0 : i32
      %dma_wait3A_261 = arith.constant 0 : i32
      %dma_wait3A_262 = tpu.memref_slice %arg10[%run_scoped3A_148, %dma_wait3A_260, %dma_wait3A_261] : memref<2x16x1024xf32, #tpu.memory_space<vmem>> -> memref<1x16x1024xf32, #tpu.memory_space<vmem>>
      %dma_wait3A_263 = tpu.memref_squeeze %dma_wait3A_262 : memref<1x16x1024xf32, #tpu.memory_space<vmem>> -> memref<16x1024xf32, #tpu.memory_space<vmem>>
      tpu.wait_dma2 semaphore(%run_scoped3A_239 : memref<!tpu.dma_semaphore, #tpu.memory_space<semaphore_mem>>) src(%dma_wait3A_263 : memref<16x1024xf32, #tpu.memory_space<vmem>>) dst(%dma_wait3A_259 : memref<16x1024xf32, #tpu.memory_space<hbm>>)
      tpu.yield
    }) : () -> ()
    %add3A_149 = arith.constant 48 : i32
    %add3A_150 = arith.addi %mul3A_2, %add3A_149 : i32
    %run_scoped3A_151 = arith.constant 1 : i32
    "tpu.region"() ({
      %run_scoped3A_239 = tpu.sem_alloc : memref<!tpu.dma_semaphore, #tpu.memory_space<semaphore_mem>>
      %dma_start3A_240 = arith.constant 0 : i32
      %dma_start3A_241 = tpu.memref_slice %arg8[%run_scoped3A_151, %dma_start3A_240] : memref<2x16xi32, #tpu.memory_space<vmem>> -> memref<1x16xi32, #tpu.memory_space<vmem>>
      %dma_start3A_242 = tpu.memref_squeeze %dma_start3A_241 : memref<1x16xi32, #tpu.memory_space<vmem>> -> memref<16xi32, #tpu.memory_space<vmem>>
      %dma_start3A_243 = tpu.memref_slice %arg3[%add3A_150] : memref<2048xi32, #tpu.memory_space<hbm>> -> memref<16xi32, #tpu.memory_space<hbm>>
      %dma_start3A_244 = arith.constant 0 : i32
      %dma_start3A_245 = tpu.memref_slice %arg8[%run_scoped3A_151, %dma_start3A_244] : memref<2x16xi32, #tpu.memory_space<vmem>> -> memref<1x16xi32, #tpu.memory_space<vmem>>
      %dma_start3A_246 = tpu.memref_squeeze %dma_start3A_245 : memref<1x16xi32, #tpu.memory_space<vmem>> -> memref<16xi32, #tpu.memory_space<vmem>>
      %dma_start3A_247 = tpu.memref_slice %arg3[%add3A_150] : memref<2048xi32, #tpu.memory_space<hbm>> -> memref<16xi32, #tpu.memory_space<hbm>>
      tpu.enqueue_dma source(%dma_start3A_247 : memref<16xi32, #tpu.memory_space<hbm>>) target(%dma_start3A_246 : memref<16xi32, #tpu.memory_space<vmem>>) target_semaphore(%run_scoped3A_239 : memref<!tpu.dma_semaphore, #tpu.memory_space<semaphore_mem>>)
      %dma_wait3A_248 = arith.constant 0 : i32
      %dma_wait3A_249 = tpu.memref_slice %arg8[%run_scoped3A_151, %dma_wait3A_248] : memref<2x16xi32, #tpu.memory_space<vmem>> -> memref<1x16xi32, #tpu.memory_space<vmem>>
      %dma_wait3A_250 = tpu.memref_squeeze %dma_wait3A_249 : memref<1x16xi32, #tpu.memory_space<vmem>> -> memref<16xi32, #tpu.memory_space<vmem>>
      %dma_wait3A_251 = tpu.memref_slice %arg3[%add3A_150] : memref<2048xi32, #tpu.memory_space<hbm>> -> memref<16xi32, #tpu.memory_space<hbm>>
      %dma_wait3A_252 = arith.constant 0 : i32
      %dma_wait3A_253 = tpu.memref_slice %arg8[%run_scoped3A_151, %dma_wait3A_252] : memref<2x16xi32, #tpu.memory_space<vmem>> -> memref<1x16xi32, #tpu.memory_space<vmem>>
      %dma_wait3A_254 = tpu.memref_squeeze %dma_wait3A_253 : memref<1x16xi32, #tpu.memory_space<vmem>> -> memref<16xi32, #tpu.memory_space<vmem>>
      %dma_wait3A_255 = tpu.memref_slice %arg3[%add3A_150] : memref<2048xi32, #tpu.memory_space<hbm>> -> memref<16xi32, #tpu.memory_space<hbm>>
      tpu.wait_dma2 semaphore(%run_scoped3A_239 : memref<!tpu.dma_semaphore, #tpu.memory_space<semaphore_mem>>) src(%dma_wait3A_255 : memref<16xi32, #tpu.memory_space<hbm>>) dst(%dma_wait3A_254 : memref<16xi32, #tpu.memory_space<vmem>>)
      tpu.yield
    }) : () -> ()
    %run_scoped3A_152 = arith.constant 1 : i32
    "tpu.region"() ({
      %run_scoped3A_239 = tpu.sem_alloc : memref<!tpu.dma_semaphore, #tpu.memory_space<semaphore_mem>>
      %dma_start3A_240 = arith.constant 0 : i32
      %dma_start3A_241 = tpu.memref_slice %arg9[%run_scoped3A_152, %dma_start3A_240] : memref<2x16xi32, #tpu.memory_space<vmem>> -> memref<1x16xi32, #tpu.memory_space<vmem>>
      %dma_start3A_242 = tpu.memref_squeeze %dma_start3A_241 : memref<1x16xi32, #tpu.memory_space<vmem>> -> memref<16xi32, #tpu.memory_space<vmem>>
      %dma_start3A_243 = tpu.memref_slice %arg4[%add3A_150] : memref<2048xi32, #tpu.memory_space<hbm>> -> memref<16xi32, #tpu.memory_space<hbm>>
      %dma_start3A_244 = arith.constant 0 : i32
      %dma_start3A_245 = tpu.memref_slice %arg9[%run_scoped3A_152, %dma_start3A_244] : memref<2x16xi32, #tpu.memory_space<vmem>> -> memref<1x16xi32, #tpu.memory_space<vmem>>
      %dma_start3A_246 = tpu.memref_squeeze %dma_start3A_245 : memref<1x16xi32, #tpu.memory_space<vmem>> -> memref<16xi32, #tpu.memory_space<vmem>>
      %dma_start3A_247 = tpu.memref_slice %arg4[%add3A_150] : memref<2048xi32, #tpu.memory_space<hbm>> -> memref<16xi32, #tpu.memory_space<hbm>>
      tpu.enqueue_dma source(%dma_start3A_247 : memref<16xi32, #tpu.memory_space<hbm>>) target(%dma_start3A_246 : memref<16xi32, #tpu.memory_space<vmem>>) target_semaphore(%run_scoped3A_239 : memref<!tpu.dma_semaphore, #tpu.memory_space<semaphore_mem>>)
      %dma_wait3A_248 = arith.constant 0 : i32
      %dma_wait3A_249 = tpu.memref_slice %arg9[%run_scoped3A_152, %dma_wait3A_248] : memref<2x16xi32, #tpu.memory_space<vmem>> -> memref<1x16xi32, #tpu.memory_space<vmem>>
      %dma_wait3A_250 = tpu.memref_squeeze %dma_wait3A_249 : memref<1x16xi32, #tpu.memory_space<vmem>> -> memref<16xi32, #tpu.memory_space<vmem>>
      %dma_wait3A_251 = tpu.memref_slice %arg4[%add3A_150] : memref<2048xi32, #tpu.memory_space<hbm>> -> memref<16xi32, #tpu.memory_space<hbm>>
      %dma_wait3A_252 = arith.constant 0 : i32
      %dma_wait3A_253 = tpu.memref_slice %arg9[%run_scoped3A_152, %dma_wait3A_252] : memref<2x16xi32, #tpu.memory_space<vmem>> -> memref<1x16xi32, #tpu.memory_space<vmem>>
      %dma_wait3A_254 = tpu.memref_squeeze %dma_wait3A_253 : memref<1x16xi32, #tpu.memory_space<vmem>> -> memref<16xi32, #tpu.memory_space<vmem>>
      %dma_wait3A_255 = tpu.memref_slice %arg4[%add3A_150] : memref<2048xi32, #tpu.memory_space<hbm>> -> memref<16xi32, #tpu.memory_space<hbm>>
      tpu.wait_dma2 semaphore(%run_scoped3A_239 : memref<!tpu.dma_semaphore, #tpu.memory_space<semaphore_mem>>) src(%dma_wait3A_255 : memref<16xi32, #tpu.memory_space<hbm>>) dst(%dma_wait3A_254 : memref<16xi32, #tpu.memory_space<vmem>>)
      tpu.yield
    }) : () -> ()
    %run_scoped3A_153 = arith.constant 1 : i32
    "tpu.region"() ({
      %run_scoped3A_239 = tpu.sem_alloc : memref<!tpu.dma_semaphore, #tpu.memory_space<semaphore_mem>>
      %dma_start3A_240 = arith.constant 0 : i32
      %dma_start3A_241 = arith.constant 0 : i32
      %dma_start3A_242 = tpu.memref_slice %arg12[%run_scoped3A_153, %dma_start3A_240, %dma_start3A_241] : memref<2x16x16xf32, #tpu.memory_space<vmem>> -> memref<1x16x16xf32, #tpu.memory_space<vmem>>
      %dma_start3A_243 = tpu.memref_squeeze %dma_start3A_242 : memref<1x16x16xf32, #tpu.memory_space<vmem>> -> memref<16x16xf32, #tpu.memory_space<vmem>>
      %dma_start3A_244 = arith.constant 0 : i32
      %dma_start3A_245 = tpu.memref_slice %arg5[%add3A_150, %dma_start3A_244] : memref<2048x16xf32, #tpu.memory_space<hbm>> -> memref<16x16xf32, #tpu.memory_space<hbm>>
      %dma_start3A_246 = arith.constant 0 : i32
      %dma_start3A_247 = arith.constant 0 : i32
      %dma_start3A_248 = tpu.memref_slice %arg12[%run_scoped3A_153, %dma_start3A_246, %dma_start3A_247] : memref<2x16x16xf32, #tpu.memory_space<vmem>> -> memref<1x16x16xf32, #tpu.memory_space<vmem>>
      %dma_start3A_249 = tpu.memref_squeeze %dma_start3A_248 : memref<1x16x16xf32, #tpu.memory_space<vmem>> -> memref<16x16xf32, #tpu.memory_space<vmem>>
      %dma_start3A_250 = arith.constant 0 : i32
      %dma_start3A_251 = tpu.memref_slice %arg5[%add3A_150, %dma_start3A_250] : memref<2048x16xf32, #tpu.memory_space<hbm>> -> memref<16x16xf32, #tpu.memory_space<hbm>>
      tpu.enqueue_dma source(%dma_start3A_251 : memref<16x16xf32, #tpu.memory_space<hbm>>) target(%dma_start3A_249 : memref<16x16xf32, #tpu.memory_space<vmem>>) target_semaphore(%run_scoped3A_239 : memref<!tpu.dma_semaphore, #tpu.memory_space<semaphore_mem>>)
      %dma_wait3A_252 = arith.constant 0 : i32
      %dma_wait3A_253 = arith.constant 0 : i32
      %dma_wait3A_254 = tpu.memref_slice %arg12[%run_scoped3A_153, %dma_wait3A_252, %dma_wait3A_253] : memref<2x16x16xf32, #tpu.memory_space<vmem>> -> memref<1x16x16xf32, #tpu.memory_space<vmem>>
      %dma_wait3A_255 = tpu.memref_squeeze %dma_wait3A_254 : memref<1x16x16xf32, #tpu.memory_space<vmem>> -> memref<16x16xf32, #tpu.memory_space<vmem>>
      %dma_wait3A_256 = arith.constant 0 : i32
      %dma_wait3A_257 = tpu.memref_slice %arg5[%add3A_150, %dma_wait3A_256] : memref<2048x16xf32, #tpu.memory_space<hbm>> -> memref<16x16xf32, #tpu.memory_space<hbm>>
      %dma_wait3A_258 = arith.constant 0 : i32
      %dma_wait3A_259 = arith.constant 0 : i32
      %dma_wait3A_260 = tpu.memref_slice %arg12[%run_scoped3A_153, %dma_wait3A_258, %dma_wait3A_259] : memref<2x16x16xf32, #tpu.memory_space<vmem>> -> memref<1x16x16xf32, #tpu.memory_space<vmem>>
      %dma_wait3A_261 = tpu.memref_squeeze %dma_wait3A_260 : memref<1x16x16xf32, #tpu.memory_space<vmem>> -> memref<16x16xf32, #tpu.memory_space<vmem>>
      %dma_wait3A_262 = arith.constant 0 : i32
      %dma_wait3A_263 = tpu.memref_slice %arg5[%add3A_150, %dma_wait3A_262] : memref<2048x16xf32, #tpu.memory_space<hbm>> -> memref<16x16xf32, #tpu.memory_space<hbm>>
      tpu.wait_dma2 semaphore(%run_scoped3A_239 : memref<!tpu.dma_semaphore, #tpu.memory_space<semaphore_mem>>) src(%dma_wait3A_263 : memref<16x16xf32, #tpu.memory_space<hbm>>) dst(%dma_wait3A_261 : memref<16x16xf32, #tpu.memory_space<vmem>>)
      tpu.yield
    }) : () -> ()
    %run_scoped3A_154 = arith.constant 1 : i32
    "tpu.region"() ({
      %run_scoped3A_239 = tpu.sem_alloc : memref<!tpu.dma_semaphore, #tpu.memory_space<semaphore_mem>>
      %dma_start3A_240 = arith.constant 0 : i32
      %dma_start3A_241 = arith.constant 0 : i32
      %dma_start3A_242 = tpu.memref_slice %arg13[%run_scoped3A_154, %dma_start3A_240, %dma_start3A_241] : memref<2x16x16xf32, #tpu.memory_space<vmem>> -> memref<1x16x16xf32, #tpu.memory_space<vmem>>
      %dma_start3A_243 = tpu.memref_squeeze %dma_start3A_242 : memref<1x16x16xf32, #tpu.memory_space<vmem>> -> memref<16x16xf32, #tpu.memory_space<vmem>>
      %dma_start3A_244 = arith.constant 0 : i32
      %dma_start3A_245 = tpu.memref_slice %arg6[%add3A_150, %dma_start3A_244] : memref<2048x16xf32, #tpu.memory_space<hbm>> -> memref<16x16xf32, #tpu.memory_space<hbm>>
      %dma_start3A_246 = arith.constant 0 : i32
      %dma_start3A_247 = arith.constant 0 : i32
      %dma_start3A_248 = tpu.memref_slice %arg13[%run_scoped3A_154, %dma_start3A_246, %dma_start3A_247] : memref<2x16x16xf32, #tpu.memory_space<vmem>> -> memref<1x16x16xf32, #tpu.memory_space<vmem>>
      %dma_start3A_249 = tpu.memref_squeeze %dma_start3A_248 : memref<1x16x16xf32, #tpu.memory_space<vmem>> -> memref<16x16xf32, #tpu.memory_space<vmem>>
      %dma_start3A_250 = arith.constant 0 : i32
      %dma_start3A_251 = tpu.memref_slice %arg6[%add3A_150, %dma_start3A_250] : memref<2048x16xf32, #tpu.memory_space<hbm>> -> memref<16x16xf32, #tpu.memory_space<hbm>>
      tpu.enqueue_dma source(%dma_start3A_251 : memref<16x16xf32, #tpu.memory_space<hbm>>) target(%dma_start3A_249 : memref<16x16xf32, #tpu.memory_space<vmem>>) target_semaphore(%run_scoped3A_239 : memref<!tpu.dma_semaphore, #tpu.memory_space<semaphore_mem>>)
      %dma_wait3A_252 = arith.constant 0 : i32
      %dma_wait3A_253 = arith.constant 0 : i32
      %dma_wait3A_254 = tpu.memref_slice %arg13[%run_scoped3A_154, %dma_wait3A_252, %dma_wait3A_253] : memref<2x16x16xf32, #tpu.memory_space<vmem>> -> memref<1x16x16xf32, #tpu.memory_space<vmem>>
      %dma_wait3A_255 = tpu.memref_squeeze %dma_wait3A_254 : memref<1x16x16xf32, #tpu.memory_space<vmem>> -> memref<16x16xf32, #tpu.memory_space<vmem>>
      %dma_wait3A_256 = arith.constant 0 : i32
      %dma_wait3A_257 = tpu.memref_slice %arg6[%add3A_150, %dma_wait3A_256] : memref<2048x16xf32, #tpu.memory_space<hbm>> -> memref<16x16xf32, #tpu.memory_space<hbm>>
      %dma_wait3A_258 = arith.constant 0 : i32
      %dma_wait3A_259 = arith.constant 0 : i32
      %dma_wait3A_260 = tpu.memref_slice %arg13[%run_scoped3A_154, %dma_wait3A_258, %dma_wait3A_259] : memref<2x16x16xf32, #tpu.memory_space<vmem>> -> memref<1x16x16xf32, #tpu.memory_space<vmem>>
      %dma_wait3A_261 = tpu.memref_squeeze %dma_wait3A_260 : memref<1x16x16xf32, #tpu.memory_space<vmem>> -> memref<16x16xf32, #tpu.memory_space<vmem>>
      %dma_wait3A_262 = arith.constant 0 : i32
      %dma_wait3A_263 = tpu.memref_slice %arg6[%add3A_150, %dma_wait3A_262] : memref<2048x16xf32, #tpu.memory_space<hbm>> -> memref<16x16xf32, #tpu.memory_space<hbm>>
      tpu.wait_dma2 semaphore(%run_scoped3A_239 : memref<!tpu.dma_semaphore, #tpu.memory_space<semaphore_mem>>) src(%dma_wait3A_263 : memref<16x16xf32, #tpu.memory_space<hbm>>) dst(%dma_wait3A_261 : memref<16x16xf32, #tpu.memory_space<vmem>>)
      tpu.yield
    }) : () -> ()
    %dma_start3A_155 = arith.constant 1 : i32
    %dma_start3A_156 = arith.constant 1 : i32
    %dma_start3A_157 = arith.constant 0 : i32
    %dma_start3A_158 = arith.constant 0 : i32
    %dma_start3A_159 = tpu.memref_slice %arg10[%dma_start3A_156, %dma_start3A_157, %dma_start3A_158] : memref<2x16x1024xf32, #tpu.memory_space<vmem>> -> memref<1x16x1024xf32, #tpu.memory_space<vmem>>
    %dma_start3A_160 = tpu.memref_squeeze %dma_start3A_159 : memref<1x16x1024xf32, #tpu.memory_space<vmem>> -> memref<16x1024xf32, #tpu.memory_space<vmem>>
    %dma_start3A_161 = arith.constant 0 : i32
    %dma_start3A_162 = tpu.memref_slice %arg8[%dma_start3A_155, %dma_start3A_161] : memref<2x16xi32, #tpu.memory_space<vmem>> -> memref<1x16xi32, #tpu.memory_space<vmem>>
    %dma_start3A_163 = tpu.memref_squeeze %dma_start3A_162 : memref<1x16xi32, #tpu.memory_space<vmem>> -> memref<16xi32, #tpu.memory_space<vmem>>
    %dma_start3A_164 = arith.constant 0 : i32
    %dma_start3A_165 = arith.constant 0 : i32
    %dma_start3A_166 = tpu.memref_slice %arg2[%dma_start3A_164, %dma_start3A_165] : memref<4096x1024xf32, #tpu.memory_space<hbm>> -> memref<4096x1024xf32, #tpu.memory_space<hbm>>
    tpu.enqueue_indirect_dma source(%dma_start3A_166 : memref<4096x1024xf32, #tpu.memory_space<hbm>>) target(%dma_start3A_160 : memref<16x1024xf32, #tpu.memory_space<vmem>>) offsets(%dma_start3A_163 : memref<16xi32, #tpu.memory_space<vmem>>) semaphore(%arg14 : memref<!tpu.dma_semaphore, #tpu.memory_space<semaphore_mem>>)
    %dma_start3A_167 = arith.constant 1 : i32
    %dma_start3A_168 = arith.constant 1 : i32
    %dma_start3A_169 = arith.constant 0 : i32
    %dma_start3A_170 = arith.constant 0 : i32
    %dma_start3A_171 = tpu.memref_slice %arg11[%dma_start3A_168, %dma_start3A_169, %dma_start3A_170] : memref<2x16x1024xf32, #tpu.memory_space<vmem>> -> memref<1x16x1024xf32, #tpu.memory_space<vmem>>
    %dma_start3A_172 = tpu.memref_squeeze %dma_start3A_171 : memref<1x16x1024xf32, #tpu.memory_space<vmem>> -> memref<16x1024xf32, #tpu.memory_space<vmem>>
    %dma_start3A_173 = arith.constant 0 : i32
    %dma_start3A_174 = tpu.memref_slice %arg9[%dma_start3A_167, %dma_start3A_173] : memref<2x16xi32, #tpu.memory_space<vmem>> -> memref<1x16xi32, #tpu.memory_space<vmem>>
    %dma_start3A_175 = tpu.memref_squeeze %dma_start3A_174 : memref<1x16xi32, #tpu.memory_space<vmem>> -> memref<16xi32, #tpu.memory_space<vmem>>
    %dma_start3A_176 = arith.constant 0 : i32
    %dma_start3A_177 = arith.constant 0 : i32
    %dma_start3A_178 = tpu.memref_slice %arg2[%dma_start3A_176, %dma_start3A_177] : memref<4096x1024xf32, #tpu.memory_space<hbm>> -> memref<4096x1024xf32, #tpu.memory_space<hbm>>
    tpu.enqueue_indirect_dma source(%dma_start3A_178 : memref<4096x1024xf32, #tpu.memory_space<hbm>>) target(%dma_start3A_172 : memref<16x1024xf32, #tpu.memory_space<vmem>>) offsets(%dma_start3A_175 : memref<16xi32, #tpu.memory_space<vmem>>) semaphore(%arg14 : memref<!tpu.dma_semaphore, #tpu.memory_space<semaphore_mem>>)
    %dma_wait3A_179 = arith.constant 0 : i32
    %dma_wait3A_180 = arith.constant 0 : i32
    %dma_wait3A_181 = arith.constant 0 : i32
    %dma_wait3A_182 = arith.constant 0 : i32
    %dma_wait3A_183 = tpu.memref_slice %arg10[%dma_wait3A_180, %dma_wait3A_181, %dma_wait3A_182] : memref<2x16x1024xf32, #tpu.memory_space<vmem>> -> memref<1x16x1024xf32, #tpu.memory_space<vmem>>
    %dma_wait3A_184 = tpu.memref_squeeze %dma_wait3A_183 : memref<1x16x1024xf32, #tpu.memory_space<vmem>> -> memref<16x1024xf32, #tpu.memory_space<vmem>>
    %dma_wait3A_185 = arith.constant 0 : i32
    %dma_wait3A_186 = tpu.memref_slice %arg8[%dma_wait3A_179, %dma_wait3A_185] : memref<2x16xi32, #tpu.memory_space<vmem>> -> memref<1x16xi32, #tpu.memory_space<vmem>>
    %dma_wait3A_187 = tpu.memref_squeeze %dma_wait3A_186 : memref<1x16xi32, #tpu.memory_space<vmem>> -> memref<16xi32, #tpu.memory_space<vmem>>
    %dma_wait3A_188 = arith.constant 0 : i32
    %dma_wait3A_189 = arith.constant 0 : i32
    %dma_wait3A_190 = tpu.memref_slice %arg2[%dma_wait3A_188, %dma_wait3A_189] : memref<4096x1024xf32, #tpu.memory_space<hbm>> -> memref<4096x1024xf32, #tpu.memory_space<hbm>>
    tpu.wait_indirect_dma semaphore(%arg14 : memref<!tpu.dma_semaphore, #tpu.memory_space<semaphore_mem>>) src(%dma_wait3A_190 : memref<4096x1024xf32, #tpu.memory_space<hbm>>) dst(%dma_wait3A_184 : memref<16x1024xf32, #tpu.memory_space<vmem>>)
    %dma_wait3A_191 = arith.constant 0 : i32
    %dma_wait3A_192 = arith.constant 0 : i32
    %dma_wait3A_193 = arith.constant 0 : i32
    %dma_wait3A_194 = arith.constant 0 : i32
    %dma_wait3A_195 = tpu.memref_slice %arg11[%dma_wait3A_192, %dma_wait3A_193, %dma_wait3A_194] : memref<2x16x1024xf32, #tpu.memory_space<vmem>> -> memref<1x16x1024xf32, #tpu.memory_space<vmem>>
    %dma_wait3A_196 = tpu.memref_squeeze %dma_wait3A_195 : memref<1x16x1024xf32, #tpu.memory_space<vmem>> -> memref<16x1024xf32, #tpu.memory_space<vmem>>
    %dma_wait3A_197 = arith.constant 0 : i32
    %dma_wait3A_198 = tpu.memref_slice %arg9[%dma_wait3A_191, %dma_wait3A_197] : memref<2x16xi32, #tpu.memory_space<vmem>> -> memref<1x16xi32, #tpu.memory_space<vmem>>
    %dma_wait3A_199 = tpu.memref_squeeze %dma_wait3A_198 : memref<1x16xi32, #tpu.memory_space<vmem>> -> memref<16xi32, #tpu.memory_space<vmem>>
    %dma_wait3A_200 = arith.constant 0 : i32
    %dma_wait3A_201 = arith.constant 0 : i32
    %dma_wait3A_202 = tpu.memref_slice %arg2[%dma_wait3A_200, %dma_wait3A_201] : memref<4096x1024xf32, #tpu.memory_space<hbm>> -> memref<4096x1024xf32, #tpu.memory_space<hbm>>
    tpu.wait_indirect_dma semaphore(%arg14 : memref<!tpu.dma_semaphore, #tpu.memory_space<semaphore_mem>>) src(%dma_wait3A_202 : memref<4096x1024xf32, #tpu.memory_space<hbm>>) dst(%dma_wait3A_196 : memref<16x1024xf32, #tpu.memory_space<vmem>>)
    %parallel_loop3A_203 = arith.constant 0 : i32
    %parallel_loop3A_204 = arith.constant 1024 : i32
    %parallel_loop3A_205 = arith.constant 1 : i32
    scf.for %parallel_loop3A_239 = %parallel_loop3A_203 to %parallel_loop3A_204 step %parallel_loop3A_205  : i32 {
      %parallel_loop3A_240 = arith.constant 64 : i32
      %parallel_loop3A_241 = arith.divsi %parallel_loop3A_239, %parallel_loop3A_240 : i32
      %parallel_loop3A_242 = arith.constant 0 : i32
      %parallel_loop3A_243 = arith.cmpi sgt, %parallel_loop3A_239, %parallel_loop3A_242 : i32
      %parallel_loop3A_244 = arith.extui %parallel_loop3A_243 : i1 to i32
      %parallel_loop3A_245 = arith.constant 0 : i32
      %parallel_loop3A_246 = arith.cmpi slt, %parallel_loop3A_239, %parallel_loop3A_245 : i32
      %parallel_loop3A_247 = arith.extui %parallel_loop3A_246 : i1 to i32
      %parallel_loop3A_248 = arith.subi %parallel_loop3A_244, %parallel_loop3A_247 : i32
      %parallel_loop3A_249 = arith.constant 0 : i32
      %parallel_loop3A_250 = arith.cmpi sgt, %parallel_loop3A_240, %parallel_loop3A_249 : i32
      %parallel_loop3A_251 = arith.extui %parallel_loop3A_250 : i1 to i32
      %parallel_loop3A_252 = arith.constant 0 : i32
      %parallel_loop3A_253 = arith.cmpi slt, %parallel_loop3A_240, %parallel_loop3A_252 : i32
      %parallel_loop3A_254 = arith.extui %parallel_loop3A_253 : i1 to i32
      %parallel_loop3A_255 = arith.subi %parallel_loop3A_251, %parallel_loop3A_254 : i32
      %parallel_loop3A_256 = arith.cmpi ne, %parallel_loop3A_248, %parallel_loop3A_255 : i32
      %parallel_loop3A_257 = arith.remsi %parallel_loop3A_239, %parallel_loop3A_240 : i32
      %parallel_loop3A_258 = arith.constant 0 : i32
      %parallel_loop3A_259 = arith.cmpi ne, %parallel_loop3A_257, %parallel_loop3A_258 : i32
      %parallel_loop3A_260 = arith.andi %parallel_loop3A_256, %parallel_loop3A_259 : i1
      %parallel_loop3A_261 = arith.constant 1 : i32
      %parallel_loop3A_262 = arith.subi %parallel_loop3A_241, %parallel_loop3A_261 : i32
      %parallel_loop3A_263 = arith.select %parallel_loop3A_260, %parallel_loop3A_262, %parallel_loop3A_241 : i32
      %parallel_loop3A_264 = arith.constant 64 : i32
      %parallel_loop3A_265 = arith.constant 0 : i32
      %parallel_loop3A_266 = arith.cmpi eq, %parallel_loop3A_264, %parallel_loop3A_265 : i32
      %parallel_loop3A_267 = arith.constant 1 : i32
      %parallel_loop3A_268 = arith.select %parallel_loop3A_266, %parallel_loop3A_267, %parallel_loop3A_264 : i32
      %parallel_loop3A_269 = arith.remsi %parallel_loop3A_239, %parallel_loop3A_268 : i32
      %parallel_loop3A_270 = arith.constant 0 : i32
      %parallel_loop3A_271 = arith.cmpi ne, %parallel_loop3A_269, %parallel_loop3A_270 : i32
      %parallel_loop3A_272 = arith.constant 0 : i32
      %parallel_loop3A_273 = arith.cmpi slt, %parallel_loop3A_269, %parallel_loop3A_272 : i32
      %parallel_loop3A_274 = arith.constant 0 : i32
      %parallel_loop3A_275 = arith.cmpi slt, %parallel_loop3A_268, %parallel_loop3A_274 : i32
      %parallel_loop3A_276 = arith.xori %parallel_loop3A_273, %parallel_loop3A_275 : i1
      %parallel_loop3A_277 = arith.andi %parallel_loop3A_276, %parallel_loop3A_271 : i1
      %parallel_loop3A_278 = arith.addi %parallel_loop3A_269, %parallel_loop3A_268 : i32
      %parallel_loop3A_279 = arith.select %parallel_loop3A_277, %parallel_loop3A_278, %parallel_loop3A_269 : i32
      %parallel_loop3A_280 = arith.constant 0 : i32
      %parallel_loop3A_281 = arith.index_cast %parallel_loop3A_280 : i32 to index
      %parallel_loop3A_282 = arith.index_cast %parallel_loop3A_263 : i32 to index
      %parallel_loop3A_283 = arith.constant 0 : index
      %parallel_loop3A_284 = tpu.vector_load %arg12[%parallel_loop3A_281, %parallel_loop3A_282, %parallel_loop3A_283] {strides = array<i32>} : memref<2x16x16xf32, #tpu.memory_space<vmem>>, vector<1x1x16xf32>,
      %parallel_loop3A_285 = vector.shape_cast %parallel_loop3A_284 : vector<1x1x16xf32> to vector<16xf32>
      %parallel_loop3A_286 = arith.constant 0 : i32
      %parallel_loop3A_287 = arith.index_cast %parallel_loop3A_286 : i32 to index
      %parallel_loop3A_288 = arith.index_cast %parallel_loop3A_263 : i32 to index
      %parallel_loop3A_289 = arith.constant 0 : index
      %parallel_loop3A_290 = tpu.vector_load %arg13[%parallel_loop3A_287, %parallel_loop3A_288, %parallel_loop3A_289] {strides = array<i32>} : memref<2x16x16xf32, #tpu.memory_space<vmem>>, vector<1x1x16xf32>,
      %parallel_loop3A_291 = vector.shape_cast %parallel_loop3A_290 : vector<1x1x16xf32> to vector<16xf32>
      %parallel_loop3A_292 = arith.constant 16 : i32
      %parallel_loop3A_293 = arith.muli %parallel_loop3A_279, %parallel_loop3A_292 : i32
      %parallel_loop3A_294 = arith.constant 0 : i32
      %parallel_loop3A_295 = arith.index_cast %parallel_loop3A_294 : i32 to index
      %parallel_loop3A_296 = arith.index_cast %parallel_loop3A_263 : i32 to index
      %parallel_loop3A_297 = arith.index_cast %parallel_loop3A_293 : i32 to index
      %parallel_loop3A_298 = tpu.vector_load %arg10[%parallel_loop3A_295, %parallel_loop3A_296, %parallel_loop3A_297] {strides = array<i32>} : memref<2x16x1024xf32, #tpu.memory_space<vmem>>, vector<1x1x16xf32>,
      %parallel_loop3A_299 = vector.shape_cast %parallel_loop3A_298 : vector<1x1x16xf32> to vector<16xf32>
      %parallel_loop3A_300 = arith.mulf %parallel_loop3A_299, %parallel_loop3A_285 : vector<16xf32>
      %parallel_loop3A_301 = arith.constant 0 : i32
      %parallel_loop3A_302 = arith.index_cast %parallel_loop3A_301 : i32 to index
      %parallel_loop3A_303 = arith.index_cast %parallel_loop3A_263 : i32 to index
      %parallel_loop3A_304 = arith.index_cast %parallel_loop3A_293 : i32 to index
      %parallel_loop3A_305 = tpu.vector_load %arg11[%parallel_loop3A_302, %parallel_loop3A_303, %parallel_loop3A_304] {strides = array<i32>} : memref<2x16x1024xf32, #tpu.memory_space<vmem>>, vector<1x1x16xf32>,
      %parallel_loop3A_306 = vector.shape_cast %parallel_loop3A_305 : vector<1x1x16xf32> to vector<16xf32>
      %parallel_loop3A_307 = arith.mulf %parallel_loop3A_306, %parallel_loop3A_291 : vector<16xf32>
      %parallel_loop3A_308 = arith.addf %parallel_loop3A_300, %parallel_loop3A_307 : vector<16xf32>
      %parallel_loop3A_309 = arith.constant 0 : i32
      %parallel_loop3A_310 = arith.index_cast %parallel_loop3A_309 : i32 to index
      %parallel_loop3A_311 = arith.index_cast %parallel_loop3A_263 : i32 to index
      %parallel_loop3A_312 = arith.index_cast %parallel_loop3A_293 : i32 to index
      %parallel_loop3A_313 = tpu.vector_load %arg10[%parallel_loop3A_310, %parallel_loop3A_311, %parallel_loop3A_312] {strides = array<i32>} : memref<2x16x1024xf32, #tpu.memory_space<vmem>>, vector<1x1x16xf32>,
      %parallel_loop3A_314 = vector.shape_cast %parallel_loop3A_313 : vector<1x1x16xf32> to vector<16xf32>
      %parallel_loop3A_315 = vector.shape_cast %parallel_loop3A_308 : vector<16xf32> to vector<1x1x16xf32>
      tpu.vector_store %arg10[%parallel_loop3A_310, %parallel_loop3A_311, %parallel_loop3A_312], %parallel_loop3A_315 {strides = array<i32>} : memref<2x16x1024xf32, #tpu.memory_space<vmem>>, vector<1x1x16xf32>,
    } {sc.loop_unroll_factor = 8 : i64, sc.parallel_access}
    %add3A_206 = arith.constant 32 : i32
    %add3A_207 = arith.addi %mul3A_2, %add3A_206 : i32
    %run_scoped3A_208 = arith.constant 0 : i32
    "tpu.region"() ({
      %run_scoped3A_239 = tpu.sem_alloc : memref<!tpu.dma_semaphore, #tpu.memory_space<semaphore_mem>>
      %dma_start3A_240 = arith.constant 0 : i32
      %dma_start3A_241 = arith.constant 0 : i32
      %dma_start3A_242 = tpu.memref_slice %arg10[%run_scoped3A_208, %dma_start3A_240, %dma_start3A_241] : memref<2x16x1024xf32, #tpu.memory_space<vmem>> -> memref<1x16x1024xf32, #tpu.memory_space<vmem>>
      %dma_start3A_243 = tpu.memref_squeeze %dma_start3A_242 : memref<1x16x1024xf32, #tpu.memory_space<vmem>> -> memref<16x1024xf32, #tpu.memory_space<vmem>>
      %dma_start3A_244 = arith.constant 0 : i32
      %dma_start3A_245 = tpu.memref_slice %arg7[%add3A_207, %dma_start3A_244] : memref<2048x1024xf32, #tpu.memory_space<hbm>> -> memref<16x1024xf32, #tpu.memory_space<hbm>>
      %dma_start3A_246 = arith.constant 0 : i32
      %dma_start3A_247 = tpu.memref_slice %arg7[%add3A_207, %dma_start3A_246] : memref<2048x1024xf32, #tpu.memory_space<hbm>> -> memref<16x1024xf32, #tpu.memory_space<hbm>>
      %dma_start3A_248 = arith.constant 0 : i32
      %dma_start3A_249 = arith.constant 0 : i32
      %dma_start3A_250 = tpu.memref_slice %arg10[%run_scoped3A_208, %dma_start3A_248, %dma_start3A_249] : memref<2x16x1024xf32, #tpu.memory_space<vmem>> -> memref<1x16x1024xf32, #tpu.memory_space<vmem>>
      %dma_start3A_251 = tpu.memref_squeeze %dma_start3A_250 : memref<1x16x1024xf32, #tpu.memory_space<vmem>> -> memref<16x1024xf32, #tpu.memory_space<vmem>>
      tpu.enqueue_dma source(%dma_start3A_251 : memref<16x1024xf32, #tpu.memory_space<vmem>>) target(%dma_start3A_247 : memref<16x1024xf32, #tpu.memory_space<hbm>>) target_semaphore(%run_scoped3A_239 : memref<!tpu.dma_semaphore, #tpu.memory_space<semaphore_mem>>)
      %dma_wait3A_252 = arith.constant 0 : i32
      %dma_wait3A_253 = arith.constant 0 : i32
      %dma_wait3A_254 = tpu.memref_slice %arg10[%run_scoped3A_208, %dma_wait3A_252, %dma_wait3A_253] : memref<2x16x1024xf32, #tpu.memory_space<vmem>> -> memref<1x16x1024xf32, #tpu.memory_space<vmem>>
      %dma_wait3A_255 = tpu.memref_squeeze %dma_wait3A_254 : memref<1x16x1024xf32, #tpu.memory_space<vmem>> -> memref<16x1024xf32, #tpu.memory_space<vmem>>
      %dma_wait3A_256 = arith.constant 0 : i32
      %dma_wait3A_257 = tpu.memref_slice %arg7[%add3A_207, %dma_wait3A_256] : memref<2048x1024xf32, #tpu.memory_space<hbm>> -> memref<16x1024xf32, #tpu.memory_space<hbm>>
      %dma_wait3A_258 = arith.constant 0 : i32
      %dma_wait3A_259 = tpu.memref_slice %arg7[%add3A_207, %dma_wait3A_258] : memref<2048x1024xf32, #tpu.memory_space<hbm>> -> memref<16x1024xf32, #tpu.memory_space<hbm>>
      %dma_wait3A_260 = arith.constant 0 : i32
      %dma_wait3A_261 = arith.constant 0 : i32
      %dma_wait3A_262 = tpu.memref_slice %arg10[%run_scoped3A_208, %dma_wait3A_260, %dma_wait3A_261] : memref<2x16x1024xf32, #tpu.memory_space<vmem>> -> memref<1x16x1024xf32, #tpu.memory_space<vmem>>
      %dma_wait3A_263 = tpu.memref_squeeze %dma_wait3A_262 : memref<1x16x1024xf32, #tpu.memory_space<vmem>> -> memref<16x1024xf32, #tpu.memory_space<vmem>>
      tpu.wait_dma2 semaphore(%run_scoped3A_239 : memref<!tpu.dma_semaphore, #tpu.memory_space<semaphore_mem>>) src(%dma_wait3A_263 : memref<16x1024xf32, #tpu.memory_space<vmem>>) dst(%dma_wait3A_259 : memref<16x1024xf32, #tpu.memory_space<hbm>>)
      tpu.yield
    }) : () -> ()
    %dma_wait3A_209 = arith.constant 1 : i32
    %dma_wait3A_210 = arith.constant 1 : i32
    %dma_wait3A_211 = arith.constant 0 : i32
    %dma_wait3A_212 = arith.constant 0 : i32
    %dma_wait3A_213 = tpu.memref_slice %arg10[%dma_wait3A_210, %dma_wait3A_211, %dma_wait3A_212] : memref<2x16x1024xf32, #tpu.memory_space<vmem>> -> memref<1x16x1024xf32, #tpu.memory_space<vmem>>
    %dma_wait3A_214 = tpu.memref_squeeze %dma_wait3A_213 : memref<1x16x1024xf32, #tpu.memory_space<vmem>> -> memref<16x1024xf32, #tpu.memory_space<vmem>>
    %dma_wait3A_215 = arith.constant 0 : i32
    %dma_wait3A_216 = tpu.memref_slice %arg8[%dma_wait3A_209, %dma_wait3A_215] : memref<2x16xi32, #tpu.memory_space<vmem>> -> memref<1x16xi32, #tpu.memory_space<vmem>>
    %dma_wait3A_217 = tpu.memref_squeeze %dma_wait3A_216 : memref<1x16xi32, #tpu.memory_space<vmem>> -> memref<16xi32, #tpu.memory_space<vmem>>
    %dma_wait3A_218 = arith.constant 0 : i32
    %dma_wait3A_219 = arith.constant 0 : i32
    %dma_wait3A_220 = tpu.memref_slice %arg2[%dma_wait3A_218, %dma_wait3A_219] : memref<4096x1024xf32, #tpu.memory_space<hbm>> -> memref<4096x1024xf32, #tpu.memory_space<hbm>>
    tpu.wait_indirect_dma semaphore(%arg14 : memref<!tpu.dma_semaphore, #tpu.memory_space<semaphore_mem>>) src(%dma_wait3A_220 : memref<4096x1024xf32, #tpu.memory_space<hbm>>) dst(%dma_wait3A_214 : memref<16x1024xf32, #tpu.memory_space<vmem>>)
    %dma_wait3A_221 = arith.constant 1 : i32
    %dma_wait3A_222 = arith.constant 1 : i32
    %dma_wait3A_223 = arith.constant 0 : i32
    %dma_wait3A_224 = arith.constant 0 : i32
    %dma_wait3A_225 = tpu.memref_slice %arg11[%dma_wait3A_222, %dma_wait3A_223, %dma_wait3A_224] : memref<2x16x1024xf32, #tpu.memory_space<vmem>> -> memref<1x16x1024xf32, #tpu.memory_space<vmem>>
    %dma_wait3A_226 = tpu.memref_squeeze %dma_wait3A_225 : memref<1x16x1024xf32, #tpu.memory_space<vmem>> -> memref<16x1024xf32, #tpu.memory_space<vmem>>
    %dma_wait3A_227 = arith.constant 0 : i32
    %dma_wait3A_228 = tpu.memref_slice %arg9[%dma_wait3A_221, %dma_wait3A_227] : memref<2x16xi32, #tpu.memory_space<vmem>> -> memref<1x16xi32, #tpu.memory_space<vmem>>
    %dma_wait3A_229 = tpu.memref_squeeze %dma_wait3A_228 : memref<1x16xi32, #tpu.memory_space<vmem>> -> memref<16xi32, #tpu.memory_space<vmem>>
    %dma_wait3A_230 = arith.constant 0 : i32
    %dma_wait3A_231 = arith.constant 0 : i32
    %dma_wait3A_232 = tpu.memref_slice %arg2[%dma_wait3A_230, %dma_wait3A_231] : memref<4096x1024xf32, #tpu.memory_space<hbm>> -> memref<4096x1024xf32, #tpu.memory_space<hbm>>
    tpu.wait_indirect_dma semaphore(%arg14 : memref<!tpu.dma_semaphore, #tpu.memory_space<semaphore_mem>>) src(%dma_wait3A_232 : memref<4096x1024xf32, #tpu.memory_space<hbm>>) dst(%dma_wait3A_226 : memref<16x1024xf32, #tpu.memory_space<vmem>>)
    %parallel_loop3A_233 = arith.constant 0 : i32
    %parallel_loop3A_234 = arith.constant 1024 : i32
    %parallel_loop3A_235 = arith.constant 1 : i32
    scf.for %parallel_loop3A_239 = %parallel_loop3A_233 to %parallel_loop3A_234 step %parallel_loop3A_235  : i32 {
      %parallel_loop3A_240 = arith.constant 64 : i32
      %parallel_loop3A_241 = arith.divsi %parallel_loop3A_239, %parallel_loop3A_240 : i32
      %parallel_loop3A_242 = arith.constant 0 : i32
      %parallel_loop3A_243 = arith.cmpi sgt, %parallel_loop3A_239, %parallel_loop3A_242 : i32
      %parallel_loop3A_244 = arith.extui %parallel_loop3A_243 : i1 to i32
      %parallel_loop3A_245 = arith.constant 0 : i32
      %parallel_loop3A_246 = arith.cmpi slt, %parallel_loop3A_239, %parallel_loop3A_245 : i32
      %parallel_loop3A_247 = arith.extui %parallel_loop3A_246 : i1 to i32
      %parallel_loop3A_248 = arith.subi %parallel_loop3A_244, %parallel_loop3A_247 : i32
      %parallel_loop3A_249 = arith.constant 0 : i32
      %parallel_loop3A_250 = arith.cmpi sgt, %parallel_loop3A_240, %parallel_loop3A_249 : i32
      %parallel_loop3A_251 = arith.extui %parallel_loop3A_250 : i1 to i32
      %parallel_loop3A_252 = arith.constant 0 : i32
      %parallel_loop3A_253 = arith.cmpi slt, %parallel_loop3A_240, %parallel_loop3A_252 : i32
      %parallel_loop3A_254 = arith.extui %parallel_loop3A_253 : i1 to i32
      %parallel_loop3A_255 = arith.subi %parallel_loop3A_251, %parallel_loop3A_254 : i32
      %parallel_loop3A_256 = arith.cmpi ne, %parallel_loop3A_248, %parallel_loop3A_255 : i32
      %parallel_loop3A_257 = arith.remsi %parallel_loop3A_239, %parallel_loop3A_240 : i32
      %parallel_loop3A_258 = arith.constant 0 : i32
      %parallel_loop3A_259 = arith.cmpi ne, %parallel_loop3A_257, %parallel_loop3A_258 : i32
      %parallel_loop3A_260 = arith.andi %parallel_loop3A_256, %parallel_loop3A_259 : i1
      %parallel_loop3A_261 = arith.constant 1 : i32
      %parallel_loop3A_262 = arith.subi %parallel_loop3A_241, %parallel_loop3A_261 : i32
      %parallel_loop3A_263 = arith.select %parallel_loop3A_260, %parallel_loop3A_262, %parallel_loop3A_241 : i32
      %parallel_loop3A_264 = arith.constant 64 : i32
      %parallel_loop3A_265 = arith.constant 0 : i32
      %parallel_loop3A_266 = arith.cmpi eq, %parallel_loop3A_264, %parallel_loop3A_265 : i32
      %parallel_loop3A_267 = arith.constant 1 : i32
      %parallel_loop3A_268 = arith.select %parallel_loop3A_266, %parallel_loop3A_267, %parallel_loop3A_264 : i32
      %parallel_loop3A_269 = arith.remsi %parallel_loop3A_239, %parallel_loop3A_268 : i32
      %parallel_loop3A_270 = arith.constant 0 : i32
      %parallel_loop3A_271 = arith.cmpi ne, %parallel_loop3A_269, %parallel_loop3A_270 : i32
      %parallel_loop3A_272 = arith.constant 0 : i32
      %parallel_loop3A_273 = arith.cmpi slt, %parallel_loop3A_269, %parallel_loop3A_272 : i32
      %parallel_loop3A_274 = arith.constant 0 : i32
      %parallel_loop3A_275 = arith.cmpi slt, %parallel_loop3A_268, %parallel_loop3A_274 : i32
      %parallel_loop3A_276 = arith.xori %parallel_loop3A_273, %parallel_loop3A_275 : i1
      %parallel_loop3A_277 = arith.andi %parallel_loop3A_276, %parallel_loop3A_271 : i1
      %parallel_loop3A_278 = arith.addi %parallel_loop3A_269, %parallel_loop3A_268 : i32
      %parallel_loop3A_279 = arith.select %parallel_loop3A_277, %parallel_loop3A_278, %parallel_loop3A_269 : i32
      %parallel_loop3A_280 = arith.constant 1 : i32
      %parallel_loop3A_281 = arith.index_cast %parallel_loop3A_280 : i32 to index
      %parallel_loop3A_282 = arith.index_cast %parallel_loop3A_263 : i32 to index
      %parallel_loop3A_283 = arith.constant 0 : index
      %parallel_loop3A_284 = tpu.vector_load %arg12[%parallel_loop3A_281, %parallel_loop3A_282, %parallel_loop3A_283] {strides = array<i32>} : memref<2x16x16xf32, #tpu.memory_space<vmem>>, vector<1x1x16xf32>,
      %parallel_loop3A_285 = vector.shape_cast %parallel_loop3A_284 : vector<1x1x16xf32> to vector<16xf32>
      %parallel_loop3A_286 = arith.constant 1 : i32
      %parallel_loop3A_287 = arith.index_cast %parallel_loop3A_286 : i32 to index
      %parallel_loop3A_288 = arith.index_cast %parallel_loop3A_263 : i32 to index
      %parallel_loop3A_289 = arith.constant 0 : index
      %parallel_loop3A_290 = tpu.vector_load %arg13[%parallel_loop3A_287, %parallel_loop3A_288, %parallel_loop3A_289] {strides = array<i32>} : memref<2x16x16xf32, #tpu.memory_space<vmem>>, vector<1x1x16xf32>,
      %parallel_loop3A_291 = vector.shape_cast %parallel_loop3A_290 : vector<1x1x16xf32> to vector<16xf32>
      %parallel_loop3A_292 = arith.constant 16 : i32
      %parallel_loop3A_293 = arith.muli %parallel_loop3A_279, %parallel_loop3A_292 : i32
      %parallel_loop3A_294 = arith.constant 1 : i32
      %parallel_loop3A_295 = arith.index_cast %parallel_loop3A_294 : i32 to index
      %parallel_loop3A_296 = arith.index_cast %parallel_loop3A_263 : i32 to index
      %parallel_loop3A_297 = arith.index_cast %parallel_loop3A_293 : i32 to index
      %parallel_loop3A_298 = tpu.vector_load %arg10[%parallel_loop3A_295, %parallel_loop3A_296, %parallel_loop3A_297] {strides = array<i32>} : memref<2x16x1024xf32, #tpu.memory_space<vmem>>, vector<1x1x16xf32>,
      %parallel_loop3A_299 = vector.shape_cast %parallel_loop3A_298 : vector<1x1x16xf32> to vector<16xf32>
      %parallel_loop3A_300 = arith.mulf %parallel_loop3A_299, %parallel_loop3A_285 : vector<16xf32>
      %parallel_loop3A_301 = arith.constant 1 : i32
      %parallel_loop3A_302 = arith.index_cast %parallel_loop3A_301 : i32 to index
      %parallel_loop3A_303 = arith.index_cast %parallel_loop3A_263 : i32 to index
      %parallel_loop3A_304 = arith.index_cast %parallel_loop3A_293 : i32 to index
      %parallel_loop3A_305 = tpu.vector_load %arg11[%parallel_loop3A_302, %parallel_loop3A_303, %parallel_loop3A_304] {strides = array<i32>} : memref<2x16x1024xf32, #tpu.memory_space<vmem>>, vector<1x1x16xf32>,
      %parallel_loop3A_306 = vector.shape_cast %parallel_loop3A_305 : vector<1x1x16xf32> to vector<16xf32>
      %parallel_loop3A_307 = arith.mulf %parallel_loop3A_306, %parallel_loop3A_291 : vector<16xf32>
      %parallel_loop3A_308 = arith.addf %parallel_loop3A_300, %parallel_loop3A_307 : vector<16xf32>
      %parallel_loop3A_309 = arith.constant 1 : i32
      %parallel_loop3A_310 = arith.index_cast %parallel_loop3A_309 : i32 to index
      %parallel_loop3A_311 = arith.index_cast %parallel_loop3A_263 : i32 to index
      %parallel_loop3A_312 = arith.index_cast %parallel_loop3A_293 : i32 to index
      %parallel_loop3A_313 = tpu.vector_load %arg10[%parallel_loop3A_310, %parallel_loop3A_311, %parallel_loop3A_312] {strides = array<i32>} : memref<2x16x1024xf32, #tpu.memory_space<vmem>>, vector<1x1x16xf32>,
      %parallel_loop3A_314 = vector.shape_cast %parallel_loop3A_313 : vector<1x1x16xf32> to vector<16xf32>
      %parallel_loop3A_315 = vector.shape_cast %parallel_loop3A_308 : vector<16xf32> to vector<1x1x16xf32>
      tpu.vector_store %arg10[%parallel_loop3A_310, %parallel_loop3A_311, %parallel_loop3A_312], %parallel_loop3A_315 {strides = array<i32>} : memref<2x16x1024xf32, #tpu.memory_space<vmem>>, vector<1x1x16xf32>,
    } {sc.loop_unroll_factor = 8 : i64, sc.parallel_access}
    %add3A_236 = arith.constant 48 : i32
    %add3A_237 = arith.addi %mul3A_2, %add3A_236 : i32
    %run_scoped3A_238 = arith.constant 1 : i32
    "tpu.region"() ({
      %run_scoped3A_239 = tpu.sem_alloc : memref<!tpu.dma_semaphore, #tpu.memory_space<semaphore_mem>>
      %dma_start3A_240 = arith.constant 0 : i32
      %dma_start3A_241 = arith.constant 0 : i32
      %dma_start3A_242 = tpu.memref_slice %arg10[%run_scoped3A_238, %dma_start3A_240, %dma_start3A_241] : memref<2x16x1024xf32, #tpu.memory_space<vmem>> -> memref<1x16x1024xf32, #tpu.memory_space<vmem>>
      %dma_start3A_243 = tpu.memref_squeeze %dma_start3A_242 : memref<1x16x1024xf32, #tpu.memory_space<vmem>> -> memref<16x1024xf32, #tpu.memory_space<vmem>>
      %dma_start3A_244 = arith.constant 0 : i32
      %dma_start3A_245 = tpu.memref_slice %arg7[%add3A_237, %dma_start3A_244] : memref<2048x1024xf32, #tpu.memory_space<hbm>> -> memref<16x1024xf32, #tpu.memory_space<hbm>>
      %dma_start3A_246 = arith.constant 0 : i32
      %dma_start3A_247 = tpu.memref_slice %arg7[%add3A_237, %dma_start3A_246] : memref<2048x1024xf32, #tpu.memory_space<hbm>> -> memref<16x1024xf32, #tpu.memory_space<hbm>>
      %dma_start3A_248 = arith.constant 0 : i32
      %dma_start3A_249 = arith.constant 0 : i32
      %dma_start3A_250 = tpu.memref_slice %arg10[%run_scoped3A_238, %dma_start3A_248, %dma_start3A_249] : memref<2x16x1024xf32, #tpu.memory_space<vmem>> -> memref<1x16x1024xf32, #tpu.memory_space<vmem>>
      %dma_start3A_251 = tpu.memref_squeeze %dma_start3A_250 : memref<1x16x1024xf32, #tpu.memory_space<vmem>> -> memref<16x1024xf32, #tpu.memory_space<vmem>>
      tpu.enqueue_dma source(%dma_start3A_251 : memref<16x1024xf32, #tpu.memory_space<vmem>>) target(%dma_start3A_247 : memref<16x1024xf32, #tpu.memory_space<hbm>>) target_semaphore(%run_scoped3A_239 : memref<!tpu.dma_semaphore, #tpu.memory_space<semaphore_mem>>)
      %dma_wait3A_252 = arith.constant 0 : i32
      %dma_wait3A_253 = arith.constant 0 : i32
      %dma_wait3A_254 = tpu.memref_slice %arg10[%run_scoped3A_238, %dma_wait3A_252, %dma_wait3A_253] : memref<2x16x1024xf32, #tpu.memory_space<vmem>> -> memref<1x16x1024xf32, #tpu.memory_space<vmem>>
      %dma_wait3A_255 = tpu.memref_squeeze %dma_wait3A_254 : memref<1x16x1024xf32, #tpu.memory_space<vmem>> -> memref<16x1024xf32, #tpu.memory_space<vmem>>
      %dma_wait3A_256 = arith.constant 0 : i32
      %dma_wait3A_257 = tpu.memref_slice %arg7[%add3A_237, %dma_wait3A_256] : memref<2048x1024xf32, #tpu.memory_space<hbm>> -> memref<16x1024xf32, #tpu.memory_space<hbm>>
      %dma_wait3A_258 = arith.constant 0 : i32
      %dma_wait3A_259 = tpu.memref_slice %arg7[%add3A_237, %dma_wait3A_258] : memref<2048x1024xf32, #tpu.memory_space<hbm>> -> memref<16x1024xf32, #tpu.memory_space<hbm>>
      %dma_wait3A_260 = arith.constant 0 : i32
      %dma_wait3A_261 = arith.constant 0 : i32
      %dma_wait3A_262 = tpu.memref_slice %arg10[%run_scoped3A_238, %dma_wait3A_260, %dma_wait3A_261] : memref<2x16x1024xf32, #tpu.memory_space<vmem>> -> memref<1x16x1024xf32, #tpu.memory_space<vmem>>
      %dma_wait3A_263 = tpu.memref_squeeze %dma_wait3A_262 : memref<1x16x1024xf32, #tpu.memory_space<vmem>> -> memref<16x1024xf32, #tpu.memory_space<vmem>>
      tpu.wait_dma2 semaphore(%run_scoped3A_239 : memref<!tpu.dma_semaphore, #tpu.memory_space<semaphore_mem>>) src(%dma_wait3A_263 : memref<16x1024xf32, #tpu.memory_space<vmem>>) dst(%dma_wait3A_259 : memref<16x1024xf32, #tpu.memory_space<hbm>>)
      tpu.yield
    }) : () -> ()
    return
  }
}

#map = affine_map<(d0, d1) -> (0, 0)>
#map1 = affine_map<(d0, d1) -> (0)>
module attributes {stable_mosaic.version = 14 : i64} {
  func.func @_dispatch_body(%arg0: i32, %arg1: i32, %arg2: memref<2048x1024xf32, #tpu.memory_space<hbm>>, %arg3: memref<2048xi32, #tpu.memory_space<hbm>>, %arg4: memref<2048xi32, #tpu.memory_space<hbm>>, %arg5: memref<4608x1024xf32, #tpu.memory_space<hbm>>, %arg6: memref<64xi32, #tpu.memory_space<vmem>>, %arg7: memref<64xi32, #tpu.memory_space<vmem>>, %arg8: memref<64x1024xf32, #tpu.memory_space<vmem>>, %arg9: memref<!tpu.dma_semaphore, #tpu.memory_space<semaphore_mem>>) attributes {dimension_semantics = [#tpu.dimension_semantics<core_parallel>, #tpu.dimension_semantics<subcore_parallel>], iteration_bounds = array<i64: 2, 16>, scalar_prefetch = 0 : i64, scratch_operands = 4 : i64, tpu.core_type = #tpu.core_type<sc_vector_subcore>, window_params = [{transform_indices = #map}, {transform_indices = #map1}, {transform_indices = #map1}, {transform_indices = #map}]} {
    %mul3A = arith.constant 2 : i32
    %mul3A_0 = arith.muli %arg1, %mul3A : i32
    %add3A = arith.addi %mul3A_0, %arg0 : i32
    %mul3A_1 = arith.constant 64 : i32
    %mul3A_2 = arith.muli %add3A, %mul3A_1 : i32
    "tpu.region"() ({
      %run_scoped3A = tpu.sem_alloc : memref<!tpu.dma_semaphore, #tpu.memory_space<semaphore_mem>>
      %dma_start3A_13 = tpu.memref_slice %arg3[%mul3A_2] : memref<2048xi32, #tpu.memory_space<hbm>> -> memref<64xi32, #tpu.memory_space<hbm>>
      %dma_start3A_14 = tpu.memref_slice %arg3[%mul3A_2] : memref<2048xi32, #tpu.memory_space<hbm>> -> memref<64xi32, #tpu.memory_space<hbm>>
      tpu.enqueue_dma source(%dma_start3A_14 : memref<64xi32, #tpu.memory_space<hbm>>) target(%arg6 : memref<64xi32, #tpu.memory_space<vmem>>) target_semaphore(%run_scoped3A : memref<!tpu.dma_semaphore, #tpu.memory_space<semaphore_mem>>)
      %dma_wait3A_15 = tpu.memref_slice %arg3[%mul3A_2] : memref<2048xi32, #tpu.memory_space<hbm>> -> memref<64xi32, #tpu.memory_space<hbm>>
      %dma_wait3A_16 = tpu.memref_slice %arg3[%mul3A_2] : memref<2048xi32, #tpu.memory_space<hbm>> -> memref<64xi32, #tpu.memory_space<hbm>>
      tpu.wait_dma2 semaphore(%run_scoped3A : memref<!tpu.dma_semaphore, #tpu.memory_space<semaphore_mem>>) src(%dma_wait3A_16 : memref<64xi32, #tpu.memory_space<hbm>>) dst(%arg6 : memref<64xi32, #tpu.memory_space<vmem>>)
      tpu.yield
    }) : () -> ()
    "tpu.region"() ({
      %run_scoped3A = tpu.sem_alloc : memref<!tpu.dma_semaphore, #tpu.memory_space<semaphore_mem>>
      %dma_start3A_13 = tpu.memref_slice %arg4[%mul3A_2] : memref<2048xi32, #tpu.memory_space<hbm>> -> memref<64xi32, #tpu.memory_space<hbm>>
      %dma_start3A_14 = tpu.memref_slice %arg4[%mul3A_2] : memref<2048xi32, #tpu.memory_space<hbm>> -> memref<64xi32, #tpu.memory_space<hbm>>
      tpu.enqueue_dma source(%dma_start3A_14 : memref<64xi32, #tpu.memory_space<hbm>>) target(%arg7 : memref<64xi32, #tpu.memory_space<vmem>>) target_semaphore(%run_scoped3A : memref<!tpu.dma_semaphore, #tpu.memory_space<semaphore_mem>>)
      %dma_wait3A_15 = tpu.memref_slice %arg4[%mul3A_2] : memref<2048xi32, #tpu.memory_space<hbm>> -> memref<64xi32, #tpu.memory_space<hbm>>
      %dma_wait3A_16 = tpu.memref_slice %arg4[%mul3A_2] : memref<2048xi32, #tpu.memory_space<hbm>> -> memref<64xi32, #tpu.memory_space<hbm>>
      tpu.wait_dma2 semaphore(%run_scoped3A : memref<!tpu.dma_semaphore, #tpu.memory_space<semaphore_mem>>) src(%dma_wait3A_16 : memref<64xi32, #tpu.memory_space<hbm>>) dst(%arg7 : memref<64xi32, #tpu.memory_space<vmem>>)
      tpu.yield
    }) : () -> ()
    "tpu.region"() ({
      %run_scoped3A = tpu.sem_alloc : memref<!tpu.dma_semaphore, #tpu.memory_space<semaphore_mem>>
      %dma_start3A_13 = arith.constant 0 : i32
      %dma_start3A_14 = tpu.memref_slice %arg2[%mul3A_2, %dma_start3A_13] : memref<2048x1024xf32, #tpu.memory_space<hbm>> -> memref<64x1024xf32, #tpu.memory_space<hbm>>
      %dma_start3A_15 = arith.constant 0 : i32
      %dma_start3A_16 = tpu.memref_slice %arg2[%mul3A_2, %dma_start3A_15] : memref<2048x1024xf32, #tpu.memory_space<hbm>> -> memref<64x1024xf32, #tpu.memory_space<hbm>>
      tpu.enqueue_dma source(%dma_start3A_16 : memref<64x1024xf32, #tpu.memory_space<hbm>>) target(%arg8 : memref<64x1024xf32, #tpu.memory_space<vmem>>) target_semaphore(%run_scoped3A : memref<!tpu.dma_semaphore, #tpu.memory_space<semaphore_mem>>)
      %dma_wait3A_17 = arith.constant 0 : i32
      %dma_wait3A_18 = tpu.memref_slice %arg2[%mul3A_2, %dma_wait3A_17] : memref<2048x1024xf32, #tpu.memory_space<hbm>> -> memref<64x1024xf32, #tpu.memory_space<hbm>>
      %dma_wait3A_19 = arith.constant 0 : i32
      %dma_wait3A_20 = tpu.memref_slice %arg2[%mul3A_2, %dma_wait3A_19] : memref<2048x1024xf32, #tpu.memory_space<hbm>> -> memref<64x1024xf32, #tpu.memory_space<hbm>>
      tpu.wait_dma2 semaphore(%run_scoped3A : memref<!tpu.dma_semaphore, #tpu.memory_space<semaphore_mem>>) src(%dma_wait3A_20 : memref<64x1024xf32, #tpu.memory_space<hbm>>) dst(%arg8 : memref<64x1024xf32, #tpu.memory_space<vmem>>)
      tpu.yield
    }) : () -> ()
    %dma_start3A = arith.constant 0 : i32
    %dma_start3A_3 = arith.constant 0 : i32
    %dma_start3A_4 = tpu.memref_slice %arg5[%dma_start3A, %dma_start3A_3] : memref<4608x1024xf32, #tpu.memory_space<hbm>> -> memref<4608x1024xf32, #tpu.memory_space<hbm>>
    tpu.enqueue_indirect_dma source(%arg8 : memref<64x1024xf32, #tpu.memory_space<vmem>>) target(%dma_start3A_4 : memref<4608x1024xf32, #tpu.memory_space<hbm>>) offsets(%arg6 : memref<64xi32, #tpu.memory_space<vmem>>) semaphore(%arg9 : memref<!tpu.dma_semaphore, #tpu.memory_space<semaphore_mem>>)
    %dma_wait3A = arith.constant 0 : i32
    %dma_wait3A_5 = arith.constant 0 : i32
    %dma_wait3A_6 = tpu.memref_slice %arg5[%dma_wait3A, %dma_wait3A_5] : memref<4608x1024xf32, #tpu.memory_space<hbm>> -> memref<4608x1024xf32, #tpu.memory_space<hbm>>
    tpu.wait_indirect_dma semaphore(%arg9 : memref<!tpu.dma_semaphore, #tpu.memory_space<semaphore_mem>>) src(%arg8 : memref<64x1024xf32, #tpu.memory_space<vmem>>) dst(%dma_wait3A_6 : memref<4608x1024xf32, #tpu.memory_space<hbm>>)
    %dma_start3A_7 = arith.constant 0 : i32
    %dma_start3A_8 = arith.constant 0 : i32
    %dma_start3A_9 = tpu.memref_slice %arg5[%dma_start3A_7, %dma_start3A_8] : memref<4608x1024xf32, #tpu.memory_space<hbm>> -> memref<4608x1024xf32, #tpu.memory_space<hbm>>
    tpu.enqueue_indirect_dma source(%arg8 : memref<64x1024xf32, #tpu.memory_space<vmem>>) target(%dma_start3A_9 : memref<4608x1024xf32, #tpu.memory_space<hbm>>) offsets(%arg7 : memref<64xi32, #tpu.memory_space<vmem>>) semaphore(%arg9 : memref<!tpu.dma_semaphore, #tpu.memory_space<semaphore_mem>>)
    %dma_wait3A_10 = arith.constant 0 : i32
    %dma_wait3A_11 = arith.constant 0 : i32
    %dma_wait3A_12 = tpu.memref_slice %arg5[%dma_wait3A_10, %dma_wait3A_11] : memref<4608x1024xf32, #tpu.memory_space<hbm>> -> memref<4608x1024xf32, #tpu.memory_space<hbm>>
    tpu.wait_indirect_dma semaphore(%arg9 : memref<!tpu.dma_semaphore, #tpu.memory_space<semaphore_mem>>) src(%arg8 : memref<64x1024xf32, #tpu.memory_space<vmem>>) dst(%dma_wait3A_12 : memref<4608x1024xf32, #tpu.memory_space<hbm>>)
    return
  }
}

module attributes {stable_mosaic.version = 14 : i64} {
  func.func @_ffn_body(%arg0: i32, %arg1: i32, %arg2: memref<512x1024xf32, #tpu.memory_space<vmem>>, %arg3: memref<1x1024x512xf32, #tpu.memory_space<vmem>>, %arg4: memref<1x1x512xf32, #tpu.memory_space<vmem>>, %arg5: memref<1x512x1024xf32, #tpu.memory_space<vmem>>, %arg6: memref<1x1x1024xf32, #tpu.memory_space<vmem>>, %arg7: memref<512x1024xf32, #tpu.memory_space<vmem>>) attributes {dimension_semantics = [#tpu.dimension_semantics<arbitrary>, #tpu.dimension_semantics<arbitrary>], iteration_bounds = array<i64: 8, 4>, scalar_prefetch = 0 : i64, scratch_operands = 0 : i64, tpu.core_type = #tpu.core_type<tc>, window_params = [{transform_indices = @transform_0, window_bounds = array<i64: 512, 1024>}, {transform_indices = @transform_1, window_bounds = array<i64: 1, 1024, 512>}, {transform_indices = @transform_2, window_bounds = array<i64: 1, 1, 512>}, {transform_indices = @transform_3, window_bounds = array<i64: 1, 512, 1024>}, {transform_indices = @transform_4, window_bounds = array<i64: 1, 1, 1024>}, {transform_indices = @transform_5, window_bounds = array<i64: 512, 1024>}]} {
    %get3A = arith.constant 0 : index
    %get3A_0 = arith.constant 0 : index
    %get3A_1 = arith.constant 0 : index
    %get3A_2 = vector.load %arg3[%get3A, %get3A_0, %get3A_1] : memref<1x1024x512xf32, #tpu.memory_space<vmem>>, vector<1x1024x512xf32>
    %get3A_3 = vector.shape_cast %get3A_2 : vector<1x1024x512xf32> to vector<1024x512xf32>
    %convert_element_type3A = arith.truncf %get3A_3 : vector<1024x512xf32> to vector<1024x512xbf16>
    %get3A_4 = arith.constant 0 : index
    %get3A_5 = arith.constant 0 : index
    %get3A_6 = vector.load %arg2[%get3A_4, %get3A_5] : memref<512x1024xf32, #tpu.memory_space<vmem>>, vector<512x1024xf32>
    %convert_element_type3A_7 = arith.truncf %get3A_6 : vector<512x1024xf32> to vector<512x1024xbf16>
    %dot_general3A = arith.constant dense<0.000000e+00> : vector<512x512xf32>
    %dot_general3A_8 = tpu.matmul %convert_element_type3A_7, %convert_element_type3A, %dot_general3A {dimension_numbers = #tpu.dot_dimension_numbers<[1], [0], [0], [1], [0, 0, 1, 1], [], []>, transpose_lhs_hint = false} : vector<512x1024xbf16>, vector<1024x512xbf16>, vector<512x512xf32> -> vector<512x512xf32>
    %get3A_9 = arith.constant 0 : index
    %get3A_10 = arith.constant 0 : index
    %get3A_11 = arith.constant 0 : index
    %get3A_12 = vector.load %arg4[%get3A_9, %get3A_10, %get3A_11] : memref<1x1x512xf32, #tpu.memory_space<vmem>>, vector<1x1x512xf32>
    %get3A_13 = vector.shape_cast %get3A_12 : vector<1x1x512xf32> to vector<1x512xf32>
    %add3A = vector.broadcast %get3A_13 : vector<1x512xf32> to vector<512x512xf32>
    %add3A_14 = arith.addf %dot_general3A_8, %add3A : vector<512x512xf32>
    %max3A = arith.constant 0.000000e+00 : f32
    %max3A_15 = vector.broadcast %max3A : f32 to vector<512x512xf32>
    %max3A_16 = arith.maximumf %add3A_14, %max3A_15 : vector<512x512xf32>
    %get3A_17 = arith.constant 0 : index
    %get3A_18 = arith.constant 0 : index
    %get3A_19 = arith.constant 0 : index
    %get3A_20 = vector.load %arg5[%get3A_17, %get3A_18, %get3A_19] : memref<1x512x1024xf32, #tpu.memory_space<vmem>>, vector<1x512x1024xf32>
    %get3A_21 = vector.shape_cast %get3A_20 : vector<1x512x1024xf32> to vector<512x1024xf32>
    %convert_element_type3A_22 = arith.truncf %get3A_21 : vector<512x1024xf32> to vector<512x1024xbf16>
    %convert_element_type3A_23 = arith.truncf %max3A_16 : vector<512x512xf32> to vector<512x512xbf16>
    %dot_general3A_24 = arith.constant dense<0.000000e+00> : vector<512x1024xf32>
    %dot_general3A_25 = tpu.matmul %convert_element_type3A_23, %convert_element_type3A_22, %dot_general3A_24 {dimension_numbers = #tpu.dot_dimension_numbers<[1], [0], [0], [1], [0, 0, 1, 1], [], []>, transpose_lhs_hint = false} : vector<512x512xbf16>, vector<512x1024xbf16>, vector<512x1024xf32> -> vector<512x1024xf32>
    %eq3A = arith.constant 0 : i32
    %eq3A_26 = arith.cmpi eq, %arg1, %eq3A : i32
    %convert_element_type3A_27 = arith.extui %eq3A_26 : i1 to i32
    %cond3A = arith.constant 0 : i32
    %cond3A_28 = arith.cmpi ne, %convert_element_type3A_27, %cond3A : i32
    scf.if %cond3A_28 {
      %get3A_33 = arith.constant 0 : index
      %get3A_34 = arith.constant 0 : index
      %get3A_35 = arith.constant 0 : index
      %get3A_36 = vector.load %arg6[%get3A_33, %get3A_34, %get3A_35] : memref<1x1x1024xf32, #tpu.memory_space<vmem>>, vector<1x1x1024xf32>
      %get3A_37 = vector.shape_cast %get3A_36 : vector<1x1x1024xf32> to vector<1x1024xf32>
      %add3A_38 = vector.broadcast %get3A_37 : vector<1x1024xf32> to vector<512x1024xf32>
      %add3A_39 = arith.addf %dot_general3A_25, %add3A_38 : vector<512x1024xf32>
      %swap3A = arith.constant 0 : index
      %swap3A_40 = arith.constant 0 : index
      %swap3A_41 = vector.load %arg7[%swap3A, %swap3A_40] : memref<512x1024xf32, #tpu.memory_space<vmem>>, vector<512x1024xf32>
      tpu.vector_store %arg7[%swap3A, %swap3A_40], %add3A_39 {strides = array<i32>} : memref<512x1024xf32, #tpu.memory_space<vmem>>, vector<512x1024xf32>,
    } else {
    }
    %ne3A = arith.constant 0 : i32
    %ne3A_29 = arith.cmpi ne, %arg1, %ne3A : i32
    %convert_element_type3A_30 = arith.extui %ne3A_29 : i1 to i32
    %cond3A_31 = arith.constant 0 : i32
    %cond3A_32 = arith.cmpi ne, %convert_element_type3A_30, %cond3A_31 : i32
    scf.if %cond3A_32 {
      %get3A_33 = arith.constant 0 : index
      %get3A_34 = arith.constant 0 : index
      %get3A_35 = vector.load %arg7[%get3A_33, %get3A_34] : memref<512x1024xf32, #tpu.memory_space<vmem>>, vector<512x1024xf32>
      %add3A_36 = arith.addf %get3A_35, %dot_general3A_25 : vector<512x1024xf32>
      %swap3A = arith.constant 0 : index
      %swap3A_37 = arith.constant 0 : index
      %swap3A_38 = vector.load %arg7[%swap3A, %swap3A_37] : memref<512x1024xf32, #tpu.memory_space<vmem>>, vector<512x1024xf32>
      tpu.vector_store %arg7[%swap3A, %swap3A_37], %add3A_36 {strides = array<i32>} : memref<512x1024xf32, #tpu.memory_space<vmem>>, vector<512x1024xf32>,
    } else {
    }
    return
  }
  func.func @transform_0(%arg0: i32, %arg1: i32) -> (i32, i32) {
    %c0_i32 = arith.constant 0 : i32
    %c0_i32_0 = arith.constant 0 : i32
    return %arg0, %c0_i32 : i32, i32
  }
  func.func @transform_1(%arg0: i32, %arg1: i32) -> (i32, i32, i32) {
    %c0_i32 = arith.constant 0 : i32
    %c0_i32_0 = arith.constant 0 : i32
    return %arg0, %c0_i32, %arg1 : i32, i32, i32
  }
  func.func @transform_2(%arg0: i32, %arg1: i32) -> (i32, i32, i32) {
    %c0_i32 = arith.constant 0 : i32
    %c0_i32_0 = arith.constant 0 : i32
    return %arg0, %c0_i32, %arg1 : i32, i32, i32
  }
  func.func @transform_3(%arg0: i32, %arg1: i32) -> (i32, i32, i32) {
    %c0_i32 = arith.constant 0 : i32
    %c0_i32_0 = arith.constant 0 : i32
    return %arg0, %arg1, %c0_i32 : i32, i32, i32
  }
  func.func @transform_4(%arg0: i32, %arg1: i32) -> (i32, i32, i32) {
    %c0_i32 = arith.constant 0 : i32
    %c0_i32_0 = arith.constant 0 : i32
    %c0_i32_1 = arith.constant 0 : i32
    return %arg0, %c0_i32, %c0_i32_0 : i32, i32, i32
  }
  func.func @transform_5(%arg0: i32, %arg1: i32) -> (i32, i32) {
    %c0_i32 = arith.constant 0 : i32
    %c0_i32_0 = arith.constant 0 : i32
    return %arg0, %c0_i32 : i32, i32
  }
}

module attributes {stable_mosaic.version = 14 : i64} {
  func.func @_gating_body(%arg0: memref<2048x1x1024xf32, #tpu.memory_space<vmem>>, %arg1: memref<1024x8xf32, #tpu.memory_space<vmem>>, %arg2: memref<2048xi32, #tpu.memory_space<vmem>>, %arg3: memref<2048xi32, #tpu.memory_space<vmem>>, %arg4: memref<2048xi32, #tpu.memory_space<vmem>>, %arg5: memref<2048xi32, #tpu.memory_space<vmem>>, %arg6: memref<2048x16xf32, #tpu.memory_space<vmem>>, %arg7: memref<2048x16xf32, #tpu.memory_space<vmem>>, %arg8: memref<1x1xf32, #tpu.memory_space<vmem>>, %arg9: memref<1x8xi32, #tpu.memory_space<vmem>>) attributes {dimension_semantics = [], scalar_prefetch = 0 : i64, scratch_operands = 0 : i64, tpu.core_type = #tpu.core_type<tc>} {
    %get3A = arith.constant 0 : index
    %get3A_0 = arith.constant 0 : index
    %get3A_1 = arith.constant 0 : index
    %get3A_2 = vector.load %arg0[%get3A, %get3A_0, %get3A_1] : memref<2048x1x1024xf32, #tpu.memory_space<vmem>>, vector<2048x1x1024xf32>
    %reshape3A = vector.shape_cast %get3A_2 : vector<2048x1x1024xf32> to vector<2048x1024xf32>
    %get3A_3 = arith.constant 0 : index
    %get3A_4 = arith.constant 0 : index
    %get3A_5 = vector.load %arg1[%get3A_3, %get3A_4] : memref<1024x8xf32, #tpu.memory_space<vmem>>, vector<1024x8xf32>
    %dot_general3A = arith.constant dense<0.000000e+00> : vector<2048x8xf32>
    %dot_general3A_6 = tpu.matmul %reshape3A, %get3A_5, %dot_general3A {dimension_numbers = #tpu.dot_dimension_numbers<[1], [0], [0], [1], [0, 0, 1, 1], [], []>, transpose_lhs_hint = false} : vector<2048x1024xf32>, vector<1024x8xf32>, vector<2048x8xf32> -> vector<2048x8xf32>
    %reduce_max3A = arith.constant dense<0xFF800000> : vector<2048xf32>
    %reduce_max3A_7 = vector.multi_reduction <maximumf>, %dot_general3A_6, %reduce_max3A [1] : vector<2048x8xf32> to vector<2048xf32>
    %broadcast_in_dim3A = vector.shape_cast %reduce_max3A_7 : vector<2048xf32> to vector<2048x1xf32>
    %sub3A = vector.broadcast %broadcast_in_dim3A : vector<2048x1xf32> to vector<2048x8xf32>
    %sub3A_8 = arith.subf %dot_general3A_6, %sub3A : vector<2048x8xf32>
    %exp3A = math.exp %sub3A_8 : vector<2048x8xf32>
    %reduce_sum3A = arith.constant dense<0.000000e+00> : vector<2048xf32>
    %reduce_sum3A_9 = vector.multi_reduction <add>, %exp3A, %reduce_sum3A [1] : vector<2048x8xf32> to vector<2048xf32>
    %broadcast_in_dim3A_10 = vector.shape_cast %reduce_sum3A_9 : vector<2048xf32> to vector<2048x1xf32>
    %div3A = vector.broadcast %broadcast_in_dim3A_10 : vector<2048x1xf32> to vector<2048x8xf32>
    %div3A_11 = arith.divf %exp3A, %div3A : vector<2048x8xf32>
    %iota3A = tpu.iota {dimensions = array<i32: 1>} : vector<2048x8xi32>
    %reduce_max3A_12 = arith.constant dense<0xFF800000> : vector<2048xf32>
    %reduce_max3A_13 = vector.multi_reduction <maximumf>, %div3A_11, %reduce_max3A_12 [1] : vector<2048x8xf32> to vector<2048xf32>
    %broadcast_in_dim3A_14 = vector.shape_cast %reduce_max3A_13 : vector<2048xf32> to vector<2048x1xf32>
    %eq3A = vector.broadcast %broadcast_in_dim3A_14 : vector<2048x1xf32> to vector<2048x8xf32>
    %eq3A_15 = arith.cmpf oeq, %div3A_11, %eq3A : vector<2048x8xf32>
    %jit3A = arith.constant 8 : i32
    %broadcast_in_dim3A_16 = vector.broadcast %jit3A : i32 to vector<2048x8xi32>
    %select_n3A = arith.select %eq3A_15, %iota3A, %broadcast_in_dim3A_16 : vector<2048x8xi1>, vector<2048x8xi32>
    %reduce_min3A = arith.constant dense<2147483647> : vector<2048xi32>
    %reduce_min3A_17 = vector.multi_reduction <minsi>, %select_n3A, %reduce_min3A [1] : vector<2048x8xi32> to vector<2048xi32>
    %broadcast_in_dim3A_18 = vector.shape_cast %reduce_min3A_17 : vector<2048xi32> to vector<2048x1xi32>
    %eq3A_19 = vector.broadcast %broadcast_in_dim3A_18 : vector<2048x1xi32> to vector<2048x8xi32>
    %eq3A_20 = arith.cmpi eq, %iota3A, %eq3A_19 : vector<2048x8xi32>
    %jit3A_21 = arith.constant 0xFF800000 : f32
    %broadcast_in_dim3A_22 = vector.broadcast %jit3A_21 : f32 to vector<2048x8xf32>
    %select_n3A_23 = arith.select %eq3A_20, %broadcast_in_dim3A_22, %dot_general3A_6 : vector<2048x8xi1>, vector<2048x8xf32>
    %reduce_max3A_24 = arith.constant dense<0xFF800000> : vector<2048xf32>
    %reduce_max3A_25 = vector.multi_reduction <maximumf>, %select_n3A_23, %reduce_max3A_24 [1] : vector<2048x8xf32> to vector<2048xf32>
    %broadcast_in_dim3A_26 = vector.shape_cast %reduce_max3A_25 : vector<2048xf32> to vector<2048x1xf32>
    %eq3A_27 = vector.broadcast %broadcast_in_dim3A_26 : vector<2048x1xf32> to vector<2048x8xf32>
    %eq3A_28 = arith.cmpf oeq, %select_n3A_23, %eq3A_27 : vector<2048x8xf32>
    %jit3A_29 = arith.constant 8 : i32
    %broadcast_in_dim3A_30 = vector.broadcast %jit3A_29 : i32 to vector<2048x8xi32>
    %select_n3A_31 = arith.select %eq3A_28, %iota3A, %broadcast_in_dim3A_30 : vector<2048x8xi1>, vector<2048x8xi32>
    %reduce_min3A_32 = arith.constant dense<2147483647> : vector<2048xi32>
    %reduce_min3A_33 = vector.multi_reduction <minsi>, %select_n3A_31, %reduce_min3A_32 [1] : vector<2048x8xi32> to vector<2048xi32>
    %broadcast_in_dim3A_34 = vector.shape_cast %reduce_min3A_33 : vector<2048xi32> to vector<2048x1xi32>
    %eq3A_35 = vector.broadcast %broadcast_in_dim3A_34 : vector<2048x1xi32> to vector<2048x8xi32>
    %eq3A_36 = arith.cmpi eq, %iota3A, %eq3A_35 : vector<2048x8xi32>
    %convert_element_type3A = arith.extui %eq3A_20 : vector<2048x8xi1> to vector<2048x8xi32>
    %convert_element_type3A_37 = arith.sitofp %convert_element_type3A : vector<2048x8xi32> to vector<2048x8xf32>
    %convert_element_type3A_38 = arith.extui %eq3A_36 : vector<2048x8xi1> to vector<2048x8xi32>
    %convert_element_type3A_39 = arith.sitofp %convert_element_type3A_38 : vector<2048x8xi32> to vector<2048x8xf32>
    %reduce_sum3A_40 = arith.constant dense<0.000000e+00> : vector<8xf32>
    %reduce_sum3A_41 = vector.multi_reduction <add>, %div3A_11, %reduce_sum3A_40 [0] : vector<2048x8xf32> to vector<8xf32>
    %broadcast_in_dim3A_42 = vector.shape_cast %reduce_sum3A_41 : vector<8xf32> to vector<1x8xf32>
    %div3A_43 = arith.constant 2.048000e+03 : f32
    %div3A_44 = vector.broadcast %div3A_43 : f32 to vector<1x8xf32>
    %div3A_45 = arith.divf %broadcast_in_dim3A_42, %div3A_44 : vector<1x8xf32>
    %reduce_sum3A_46 = arith.constant dense<0.000000e+00> : vector<8xf32>
    %reduce_sum3A_47 = vector.multi_reduction <add>, %convert_element_type3A_37, %reduce_sum3A_46 [0] : vector<2048x8xf32> to vector<8xf32>
    %broadcast_in_dim3A_48 = vector.shape_cast %reduce_sum3A_47 : vector<8xf32> to vector<1x8xf32>
    %div3A_49 = arith.constant 2.048000e+03 : f32
    %div3A_50 = vector.broadcast %div3A_49 : f32 to vector<1x8xf32>
    %div3A_51 = arith.divf %broadcast_in_dim3A_48, %div3A_50 : vector<1x8xf32>
    %mul3A = arith.mulf %div3A_45, %div3A_51 : vector<1x8xf32>
    %reduce_sum3A_52 = arith.constant dense<0.000000e+00> : vector<1xf32>
    %reduce_sum3A_53 = vector.multi_reduction <add>, %mul3A, %reduce_sum3A_52 [1] : vector<1x8xf32> to vector<1xf32>
    %broadcast_in_dim3A_54 = vector.shape_cast %reduce_sum3A_53 : vector<1xf32> to vector<1x1xf32>
    %mul3A_55 = arith.constant 8.000000e+00 : f32
    %mul3A_56 = vector.broadcast %mul3A_55 : f32 to vector<1x1xf32>
    %mul3A_57 = arith.mulf %broadcast_in_dim3A_54, %mul3A_56 : vector<1x1xf32>
    %swap3A = arith.constant 0 : index
    %swap3A_58 = arith.constant 0 : index
    %swap3A_59 = vector.load %arg8[%swap3A, %swap3A_58] : memref<1x1xf32, #tpu.memory_space<vmem>>, vector<1x1xf32>
    tpu.vector_store %arg8[%swap3A, %swap3A_58], %mul3A_57 {strides = array<i32>} : memref<1x1xf32, #tpu.memory_space<vmem>>, vector<1x1xf32>,
    %concatenate3A = tpu.concatenate %convert_element_type3A_37, %convert_element_type3A_39 in 1 : vector<2048x8xf32>, vector<2048x8xf32> -> vector<2048x16xf32>
    %convert_element_type3A_60 = arith.truncf %concatenate3A : vector<2048x16xf32> to vector<2048x16xbf16>
    %iota3A_61 = tpu.iota {dimensions = array<i32: 0>} : vector<512x2048xi32>
    %add3A = arith.constant 0 : i32
    %add3A_62 = vector.broadcast %add3A : i32 to vector<512x2048xi32>
    %add3A_63 = arith.addi %iota3A_61, %add3A_62 : vector<512x2048xi32>
    %iota3A_64 = tpu.iota {dimensions = array<i32: 1>} : vector<512x2048xi32>
    %le3A = arith.cmpi sle, %iota3A_64, %add3A_63 : vector<512x2048xi32>
    %convert_element_type3A_65 = arith.extui %le3A : vector<512x2048xi1> to vector<512x2048xi32>
    %convert_element_type3A_66 = arith.sitofp %convert_element_type3A_65 : vector<512x2048xi32> to vector<512x2048xf32>
    %convert_element_type3A_67 = arith.truncf %convert_element_type3A_66 : vector<512x2048xf32> to vector<512x2048xbf16>
    %dot_general3A_68 = arith.constant dense<0.000000e+00> : vector<512x16xf32>
    %dot_general3A_69 = tpu.matmul %convert_element_type3A_67, %convert_element_type3A_60, %dot_general3A_68 {dimension_numbers = #tpu.dot_dimension_numbers<[1], [0], [0], [1], [0, 0, 1, 1], [], []>, transpose_lhs_hint = false} : vector<512x2048xbf16>, vector<2048x16xbf16>, vector<512x16xf32> -> vector<512x16xf32>
    %iota3A_70 = tpu.iota {dimensions = array<i32: 0>} : vector<512x2048xi32>
    %add3A_71 = arith.constant 512 : i32
    %add3A_72 = vector.broadcast %add3A_71 : i32 to vector<512x2048xi32>
    %add3A_73 = arith.addi %iota3A_70, %add3A_72 : vector<512x2048xi32>
    %iota3A_74 = tpu.iota {dimensions = array<i32: 1>} : vector<512x2048xi32>
    %le3A_75 = arith.cmpi sle, %iota3A_74, %add3A_73 : vector<512x2048xi32>
    %convert_element_type3A_76 = arith.extui %le3A_75 : vector<512x2048xi1> to vector<512x2048xi32>
    %convert_element_type3A_77 = arith.sitofp %convert_element_type3A_76 : vector<512x2048xi32> to vector<512x2048xf32>
    %convert_element_type3A_78 = arith.truncf %convert_element_type3A_77 : vector<512x2048xf32> to vector<512x2048xbf16>
    %dot_general3A_79 = arith.constant dense<0.000000e+00> : vector<512x16xf32>
    %dot_general3A_80 = tpu.matmul %convert_element_type3A_78, %convert_element_type3A_60, %dot_general3A_79 {dimension_numbers = #tpu.dot_dimension_numbers<[1], [0], [0], [1], [0, 0, 1, 1], [], []>, transpose_lhs_hint = false} : vector<512x2048xbf16>, vector<2048x16xbf16>, vector<512x16xf32> -> vector<512x16xf32>
    %iota3A_81 = tpu.iota {dimensions = array<i32: 0>} : vector<512x2048xi32>
    %add3A_82 = arith.constant 1024 : i32
    %add3A_83 = vector.broadcast %add3A_82 : i32 to vector<512x2048xi32>
    %add3A_84 = arith.addi %iota3A_81, %add3A_83 : vector<512x2048xi32>
    %iota3A_85 = tpu.iota {dimensions = array<i32: 1>} : vector<512x2048xi32>
    %le3A_86 = arith.cmpi sle, %iota3A_85, %add3A_84 : vector<512x2048xi32>
    %convert_element_type3A_87 = arith.extui %le3A_86 : vector<512x2048xi1> to vector<512x2048xi32>
    %convert_element_type3A_88 = arith.sitofp %convert_element_type3A_87 : vector<512x2048xi32> to vector<512x2048xf32>
    %convert_element_type3A_89 = arith.truncf %convert_element_type3A_88 : vector<512x2048xf32> to vector<512x2048xbf16>
    %dot_general3A_90 = arith.constant dense<0.000000e+00> : vector<512x16xf32>
    %dot_general3A_91 = tpu.matmul %convert_element_type3A_89, %convert_element_type3A_60, %dot_general3A_90 {dimension_numbers = #tpu.dot_dimension_numbers<[1], [0], [0], [1], [0, 0, 1, 1], [], []>, transpose_lhs_hint = false} : vector<512x2048xbf16>, vector<2048x16xbf16>, vector<512x16xf32> -> vector<512x16xf32>
    %iota3A_92 = tpu.iota {dimensions = array<i32: 0>} : vector<512x2048xi32>
    %add3A_93 = arith.constant 1536 : i32
    %add3A_94 = vector.broadcast %add3A_93 : i32 to vector<512x2048xi32>
    %add3A_95 = arith.addi %iota3A_92, %add3A_94 : vector<512x2048xi32>
    %iota3A_96 = tpu.iota {dimensions = array<i32: 1>} : vector<512x2048xi32>
    %le3A_97 = arith.cmpi sle, %iota3A_96, %add3A_95 : vector<512x2048xi32>
    %convert_element_type3A_98 = arith.extui %le3A_97 : vector<512x2048xi1> to vector<512x2048xi32>
    %convert_element_type3A_99 = arith.sitofp %convert_element_type3A_98 : vector<512x2048xi32> to vector<512x2048xf32>
    %convert_element_type3A_100 = arith.truncf %convert_element_type3A_99 : vector<512x2048xf32> to vector<512x2048xbf16>
    %dot_general3A_101 = arith.constant dense<0.000000e+00> : vector<512x16xf32>
    %dot_general3A_102 = tpu.matmul %convert_element_type3A_100, %convert_element_type3A_60, %dot_general3A_101 {dimension_numbers = #tpu.dot_dimension_numbers<[1], [0], [0], [1], [0, 0, 1, 1], [], []>, transpose_lhs_hint = false} : vector<512x2048xbf16>, vector<2048x16xbf16>, vector<512x16xf32> -> vector<512x16xf32>
    %concatenate3A_103 = tpu.concatenate %dot_general3A_69, %dot_general3A_80, %dot_general3A_91, %dot_general3A_102 in 0 : vector<512x16xf32>, vector<512x16xf32>, vector<512x16xf32>, vector<512x16xf32> -> vector<2048x16xf32>
    %reduce_sum3A_104 = arith.constant dense<0.000000e+00> : vector<8xf32>
    %reduce_sum3A_105 = vector.multi_reduction <add>, %convert_element_type3A_37, %reduce_sum3A_104 [0] : vector<2048x8xf32> to vector<8xf32>
    %broadcast_in_dim3A_106 = vector.shape_cast %reduce_sum3A_105 : vector<8xf32> to vector<1x8xf32>
    %slice3A = vector.extract_strided_slice %concatenate3A_103 {offsets = [0, 0], sizes = [2048, 8], strides = [1, 1]} : vector<2048x16xf32> to vector<2048x8xf32>
    %sub3A_107 = arith.constant 1.000000e+00 : f32
    %sub3A_108 = vector.broadcast %sub3A_107 : f32 to vector<2048x8xf32>
    %sub3A_109 = arith.subf %slice3A, %sub3A_108 : vector<2048x8xf32>
    %slice3A_110 = vector.extract_strided_slice %concatenate3A_103 {offsets = [0, 8], sizes = [2048, 8], strides = [1, 1]} : vector<2048x16xf32> to vector<2048x8xf32>
    %sub3A_111 = arith.constant 1.000000e+00 : f32
    %sub3A_112 = vector.broadcast %sub3A_111 : f32 to vector<2048x8xf32>
    %sub3A_113 = arith.subf %slice3A_110, %sub3A_112 : vector<2048x8xf32>
    %add3A_114 = vector.broadcast %broadcast_in_dim3A_106 : vector<1x8xf32> to vector<2048x8xf32>
    %add3A_115 = arith.addf %sub3A_113, %add3A_114 : vector<2048x8xf32>
    %lt3A = arith.constant 5.120000e+02 : f32
    %lt3A_116 = vector.broadcast %lt3A : f32 to vector<2048x8xf32>
    %lt3A_117 = arith.cmpf olt, %sub3A_109, %lt3A_116 : vector<2048x8xf32>
    %convert_element_type3A_118 = arith.extui %lt3A_117 : vector<2048x8xi1> to vector<2048x8xi32>
    %convert_element_type3A_119 = arith.sitofp %convert_element_type3A_118 : vector<2048x8xi32> to vector<2048x8xf32>
    %mul3A_120 = arith.mulf %convert_element_type3A_37, %convert_element_type3A_119 : vector<2048x8xf32>
    %lt3A_121 = arith.constant 5.120000e+02 : f32
    %lt3A_122 = vector.broadcast %lt3A_121 : f32 to vector<2048x8xf32>
    %lt3A_123 = arith.cmpf olt, %add3A_115, %lt3A_122 : vector<2048x8xf32>
    %convert_element_type3A_124 = arith.extui %lt3A_123 : vector<2048x8xi1> to vector<2048x8xi32>
    %convert_element_type3A_125 = arith.sitofp %convert_element_type3A_124 : vector<2048x8xi32> to vector<2048x8xf32>
    %mul3A_126 = arith.mulf %convert_element_type3A_39, %convert_element_type3A_125 : vector<2048x8xf32>
    %add3A_127 = arith.addf %mul3A_120, %mul3A_126 : vector<2048x8xf32>
    %reduce_sum3A_128 = arith.constant dense<0.000000e+00> : vector<8xf32>
    %reduce_sum3A_129 = vector.multi_reduction <add>, %add3A_127, %reduce_sum3A_128 [0] : vector<2048x8xf32> to vector<8xf32>
    %convert_element_type3A_130 = arith.fptosi %reduce_sum3A_129 : vector<8xf32> to vector<8xi32>
    %swap3A_131 = arith.constant 0 : index
    %swap3A_132 = arith.constant 0 : index
    %swap3A_133 = vector.load %arg9[%swap3A_131, %swap3A_132] : memref<1x8xi32, #tpu.memory_space<vmem>>, vector<1x8xi32>
    %swap3A_134 = vector.shape_cast %swap3A_133 : vector<1x8xi32> to vector<8xi32>
    %swap3A_135 = vector.shape_cast %convert_element_type3A_130 : vector<8xi32> to vector<1x8xi32>
    tpu.vector_store %arg9[%swap3A_131, %swap3A_132], %swap3A_135 {strides = array<i32>} : memref<1x8xi32, #tpu.memory_space<vmem>>, vector<1x8xi32>,
    %mul3A_136 = arith.mulf %sub3A_109, %mul3A_120 : vector<2048x8xf32>
    %reduce_sum3A_137 = arith.constant dense<0.000000e+00> : vector<2048xf32>
    %reduce_sum3A_138 = vector.multi_reduction <add>, %mul3A_136, %reduce_sum3A_137 [1] : vector<2048x8xf32> to vector<2048xf32>
    %broadcast_in_dim3A_139 = vector.shape_cast %reduce_sum3A_138 : vector<2048xf32> to vector<2048x1xf32>
    %mul3A_140 = arith.mulf %add3A_115, %mul3A_126 : vector<2048x8xf32>
    %reduce_sum3A_141 = arith.constant dense<0.000000e+00> : vector<2048xf32>
    %reduce_sum3A_142 = vector.multi_reduction <add>, %mul3A_140, %reduce_sum3A_141 [1] : vector<2048x8xf32> to vector<2048xf32>
    %broadcast_in_dim3A_143 = vector.shape_cast %reduce_sum3A_142 : vector<2048xf32> to vector<2048x1xf32>
    %reduce_sum3A_144 = arith.constant dense<0.000000e+00> : vector<2048xf32>
    %reduce_sum3A_145 = vector.multi_reduction <add>, %mul3A_120, %reduce_sum3A_144 [1] : vector<2048x8xf32> to vector<2048xf32>
    %broadcast_in_dim3A_146 = vector.shape_cast %reduce_sum3A_145 : vector<2048xf32> to vector<2048x1xf32>
    %reduce_sum3A_147 = arith.constant dense<0.000000e+00> : vector<2048xf32>
    %reduce_sum3A_148 = vector.multi_reduction <add>, %mul3A_126, %reduce_sum3A_147 [1] : vector<2048x8xf32> to vector<2048xf32>
    %broadcast_in_dim3A_149 = vector.shape_cast %reduce_sum3A_148 : vector<2048xf32> to vector<2048x1xf32>
    %mul3A_150 = arith.mulf %div3A_11, %mul3A_120 : vector<2048x8xf32>
    %reduce_sum3A_151 = arith.constant dense<0.000000e+00> : vector<2048xf32>
    %reduce_sum3A_152 = vector.multi_reduction <add>, %mul3A_150, %reduce_sum3A_151 [1] : vector<2048x8xf32> to vector<2048xf32>
    %broadcast_in_dim3A_153 = vector.shape_cast %reduce_sum3A_152 : vector<2048xf32> to vector<2048x1xf32>
    %mul3A_154 = arith.mulf %div3A_11, %mul3A_126 : vector<2048x8xf32>
    %reduce_sum3A_155 = arith.constant dense<0.000000e+00> : vector<2048xf32>
    %reduce_sum3A_156 = vector.multi_reduction <add>, %mul3A_154, %reduce_sum3A_155 [1] : vector<2048x8xf32> to vector<2048xf32>
    %broadcast_in_dim3A_157 = vector.shape_cast %reduce_sum3A_156 : vector<2048xf32> to vector<2048x1xf32>
    %add3A_158 = arith.addf %broadcast_in_dim3A_153, %broadcast_in_dim3A_157 : vector<2048x1xf32>
    %max3A = arith.constant 9.99999971E-10 : f32
    %max3A_159 = vector.broadcast %max3A : f32 to vector<2048x1xf32>
    %max3A_160 = arith.maximumf %add3A_158, %max3A_159 : vector<2048x1xf32>
    %div3A_161 = arith.divf %broadcast_in_dim3A_153, %max3A_160 : vector<2048x1xf32>
    %broadcast_in_dim3A_162 = vector.shape_cast %div3A_161 : vector<2048x1xf32> to vector<2048x1xf32>
    %broadcast_in_dim3A_163 = vector.broadcast %broadcast_in_dim3A_162 : vector<2048x1xf32> to vector<2048x16xf32>
    %swap3A_164 = arith.constant 0 : index
    %swap3A_165 = arith.constant 0 : index
    %swap3A_166 = vector.load %arg6[%swap3A_164, %swap3A_165] : memref<2048x16xf32, #tpu.memory_space<vmem>>, vector<2048x16xf32>
    tpu.vector_store %arg6[%swap3A_164, %swap3A_165], %broadcast_in_dim3A_163 {strides = array<i32>} : memref<2048x16xf32, #tpu.memory_space<vmem>>, vector<2048x16xf32>,
    %div3A_167 = arith.divf %broadcast_in_dim3A_157, %max3A_160 : vector<2048x1xf32>
    %broadcast_in_dim3A_168 = vector.shape_cast %div3A_167 : vector<2048x1xf32> to vector<2048x1xf32>
    %broadcast_in_dim3A_169 = vector.broadcast %broadcast_in_dim3A_168 : vector<2048x1xf32> to vector<2048x16xf32>
    %swap3A_170 = arith.constant 0 : index
    %swap3A_171 = arith.constant 0 : index
    %swap3A_172 = vector.load %arg7[%swap3A_170, %swap3A_171] : memref<2048x16xf32, #tpu.memory_space<vmem>>, vector<2048x16xf32>
    tpu.vector_store %arg7[%swap3A_170, %swap3A_171], %broadcast_in_dim3A_169 {strides = array<i32>} : memref<2048x16xf32, #tpu.memory_space<vmem>>, vector<2048x16xf32>,
    %mul3A_173 = arith.constant 512 : i32
    %mul3A_174 = vector.broadcast %mul3A_173 : i32 to vector<2048x1xi32>
    %mul3A_175 = arith.muli %broadcast_in_dim3A_18, %mul3A_174 : vector<2048x1xi32>
    %convert_element_type3A_176 = arith.fptosi %broadcast_in_dim3A_139 : vector<2048x1xf32> to vector<2048x1xi32>
    %add3A_177 = arith.addi %mul3A_175, %convert_element_type3A_176 : vector<2048x1xi32>
    %mul3A_178 = arith.constant 512 : i32
    %mul3A_179 = vector.broadcast %mul3A_178 : i32 to vector<2048x1xi32>
    %mul3A_180 = arith.muli %broadcast_in_dim3A_34, %mul3A_179 : vector<2048x1xi32>
    %convert_element_type3A_181 = arith.fptosi %broadcast_in_dim3A_143 : vector<2048x1xf32> to vector<2048x1xi32>
    %add3A_182 = arith.addi %mul3A_180, %convert_element_type3A_181 : vector<2048x1xi32>
    %reshape3A_183 = vector.shape_cast %add3A_177 : vector<2048x1xi32> to vector<2048xi32>
    %swap3A_184 = arith.constant 0 : index
    %swap3A_185 = vector.load %arg4[%swap3A_184] : memref<2048xi32, #tpu.memory_space<vmem>>, vector<2048xi32>
    tpu.vector_store %arg4[%swap3A_184], %reshape3A_183 {strides = array<i32>} : memref<2048xi32, #tpu.memory_space<vmem>>, vector<2048xi32>,
    %reshape3A_186 = vector.shape_cast %add3A_182 : vector<2048x1xi32> to vector<2048xi32>
    %swap3A_187 = arith.constant 0 : index
    %swap3A_188 = vector.load %arg5[%swap3A_187] : memref<2048xi32, #tpu.memory_space<vmem>>, vector<2048xi32>
    tpu.vector_store %arg5[%swap3A_187], %reshape3A_186 {strides = array<i32>} : memref<2048xi32, #tpu.memory_space<vmem>>, vector<2048xi32>,
    %gt3A = arith.constant 5.000000e-01 : f32
    %gt3A_189 = vector.broadcast %gt3A : f32 to vector<2048x1xf32>
    %gt3A_190 = arith.cmpf ogt, %broadcast_in_dim3A_146, %gt3A_189 : vector<2048x1xf32>
    %jit3A_191 = arith.constant 4096 : i32
    %broadcast_in_dim3A_192 = vector.broadcast %jit3A_191 : i32 to vector<2048x1xi32>
    %select_n3A_193 = arith.select %gt3A_190, %add3A_177, %broadcast_in_dim3A_192 : vector<2048x1xi1>, vector<2048x1xi32>
    %reshape3A_194 = vector.shape_cast %select_n3A_193 : vector<2048x1xi32> to vector<2048xi32>
    %swap3A_195 = arith.constant 0 : index
    %swap3A_196 = vector.load %arg2[%swap3A_195] : memref<2048xi32, #tpu.memory_space<vmem>>, vector<2048xi32>
    tpu.vector_store %arg2[%swap3A_195], %reshape3A_194 {strides = array<i32>} : memref<2048xi32, #tpu.memory_space<vmem>>, vector<2048xi32>,
    %gt3A_197 = arith.constant 5.000000e-01 : f32
    %gt3A_198 = vector.broadcast %gt3A_197 : f32 to vector<2048x1xf32>
    %gt3A_199 = arith.cmpf ogt, %broadcast_in_dim3A_149, %gt3A_198 : vector<2048x1xf32>
    %jit3A_200 = arith.constant 4096 : i32
    %broadcast_in_dim3A_201 = vector.broadcast %jit3A_200 : i32 to vector<2048x1xi32>
    %select_n3A_202 = arith.select %gt3A_199, %add3A_182, %broadcast_in_dim3A_201 : vector<2048x1xi1>, vector<2048x1xi32>
    %reshape3A_203 = vector.shape_cast %select_n3A_202 : vector<2048x1xi32> to vector<2048xi32>
    %swap3A_204 = arith.constant 0 : index
    %swap3A_205 = vector.load %arg3[%swap3A_204] : memref<2048xi32, #tpu.memory_space<vmem>>, vector<2048xi32>
    tpu.vector_store %arg3[%swap3A_204], %reshape3A_203 {strides = array<i32>} : memref<2048xi32, #tpu.memory_space<vmem>>, vector<2048xi32>,
    return
  }
}

</mosaic_0001>

<sc_bundles>
// kernel: kernel.6.cloned.1.call-start
scs
__scs_entry_jumppad:
0x0: {  	(pc) =	sbr.rel $0x88, $3  }
0x1: {  	(tag) =	ssettag $0x0;
	lr =	simm.s32 $0x1  }
0x2: {  	[smem:$0x3F9B] =	sst lr;
	_ =	strace $0xD0000000  }
0x3: {  	_ = 	snop  }
0x4: {  	_ = 	snop  }
0x5: {  	_ = 	snop  }
0x6: {  	_ = 	snop  }
0x7: {  	_ = 	snop  }
__scs_overlays_trampoline_lowered:
0x8: {  	[smem:$0x3FAA] =	sst s0  }
0x9: {  	[smem:$0x3FAB] =	sst s1  }
0xa: {  	[smem:$0x3FAC] =	sst s2  }
0xb: {  	[smem:$0x3FAD] =	sst s3  }
0xc: {  	[smem:$0x3FAE] =	sst s4  }
0xd: {  	[smem:$0x3FAF] =	sst s5  }
0xe: {  	[smem:$0x3FB0] =	sst s6  }
0xf: {  	[smem:$0x3FB1] =	sst s7  }
0x10: {  	[smem:$0x3FB2] =	sst s8  }
0x11: {  	[smem:$0x3FB3] =	sst s9;
	s0 =	simm.s32 @!p0 $0x0  }
0x12: {  	s1 =	sld [smem:$0x3F99];
	s0 =	simm.s32 @p0 $0x1  }
0x13: {  	[smem:$0x3FB4] =	sst s0;
	s0 =	simm.s32 @!p1 $0x0  }
0x14: {  	s2 =	sld [smem:$0x3F98];
	s0 =	simm.s32 @p1 $0x1  }
0x15: {  	[smem:$0x3FB5] =	sst s0;
	s0 =	simm.s32 @!p2 $0x0  }
0x16: {  	s3 =	sld [smem:$0x3FDB];
	s0 =	simm.s32 @p2 $0x1  }
0x17: {  	s4 =	simm.s32 $0x1BF5;
	[smem:$0x3FB7] =	sst s0  }
0x18: {  	s0 =	sld [smem:$0x3F9A];
	_ =	swait.ge [sflag:s4], $0x0  }
0x19: {  	s7 =	sld [smem:$0x3F9B]  }
0x1a: {  	s8 =	sadd.s32 $0xFFFFE003, lr  }
0x1b: {  	s9 =	sadd.s32 $0xFFFFFEF7, lr;
	s5 =	simm.s32 $0xFFFFFFFF;
	p2 =	slt.u32 s8, $0xFFFFF086  }
0x1c: {  	p1 =	slt.u32 s9, $0xF7A;
	s5 =	simm.s32 @!p2 $0x0  }
0x1d: {  	s5 =	simm.s32 @p1 $0x1;
	p0 =	seq.s32 s7, s2  }
0x1e: {  	s7 =	smul.u32 @!p0 $0xF7A, s2;
	p2 =	seq.s32 @!p0 s5, $0x0  }
0x1f: {  	s9 =	smul.u32 $0xF7A, s1;
	s8 =	simm.s32 @!p0 $0x1BF5;
	p2 =	por !p2, p0  }
0x20: {  	[sflag:s8] =	ssyncset.s32 @!p0 $0xFFFFF086;
	s6 =	sadd.s32 @!p0 s3, s7;
	s7 =	simm.s32 @!p0 $0x108  }
0x21: {  	s3 =	sadd.s32 s3, s9;
	s6 =	sadd.s32 @!p0 $0x88, s6;
	s7 =	simm.s32 @p2 $0x1082  }
0x22: {  	[simem:s7], [sflag:s8] =	dma.local @!p0 [hbm:s6], $0xF7A  }
0x23: {  	s9 =	sor.u32 $0xD0000000, s2;
	s6 =	simm.s32 $0x108;
	_ =	swait.ge @!p0 [sflag:s8], $0x0  }
0x24: {  	s3 =	sadd.s32 $0x88, s3;
	s6 =	simm.s32 @!p1 $0x1082;
	[sflag:s4] =	ssyncset.s32 $0xFFFFF086  }
0x25: {  	[simem:s6], [sflag:s4] =	dma.local [hbm:s3], $0xF7A  }
0x26: {  	[smem:$0x3F9B] =	sst s1;
	(tag) =	ssettag s2;
	_ =	strace s9  }
0x27: {  	s1 =	sld [smem:$0x3FAB]  }
0x28: {  	s2 =	sld [smem:$0x3FAC]  }
0x29: {  	s4 =	sld [smem:$0x3FAE]  }
0x2a: {  	p0 =	seq.s32 s5, $0x0;
	s5 =	sld [smem:$0x3FAF]  }
0x2b: {  	s6 =	sld [smem:$0x3FB0]  }
0x2c: {  	s7 =	sld [smem:$0x3FB1]  }
0x2d: {  	s3 =	simm.s32 $0x108;
	s8 =	sld [smem:$0x3FB2]  }
0x2e: {  	s3 =	simm.s32 @!p0 $0x1082;
	s9 =	sld [smem:$0x3FB3]  }
0x2f: {  	lr =	sadd.s32 s0, s3;
	s0 =	sld [smem:$0x3FAA]  }
0x30: {  	s3 =	sld [smem:$0x3FAD]  }
0x31: {  	[smem:$0x3FB6] =	sst s10  }
0x32: {  	s10 =	sld [smem:$0x3FB4];
	_ =	sdelay $0x3  }
0x33: {  	p0 =	seq.s32 s10, $0x1;
	s10 =	sld [smem:$0x3FB6];
	_ =	sdelay $0x3  }
0x34: {  	[smem:$0x3FB6] =	sst s10  }
0x35: {  	s10 =	sld [smem:$0x3FB5];
	_ =	sdelay $0x3  }
0x36: {  	p1 =	seq.s32 s10, $0x1;
	s10 =	sld [smem:$0x3FB6];
	_ =	sdelay $0x3  }
0x37: {  	[smem:$0x3FB6] =	sst s10  }
0x38: {  	s10 =	sld [smem:$0x3FB7]  }
0x39: {  	_ = 	snop;
	(pc) =	sbr.ind lr, $3  }
0x3a: {  	_ = 	snop  }
0x3b: {  	_ = 	snop  }
0x3c: {  	p2 =	seq.s32 s10, $0x1;
	s10 =	sld [smem:$0x3FB6]  }
0x3d: {  	_ =	shalt  }
0x3e: {  	_ =	shalt  }
0x3f: {  	_ =	shalt  }
0x40: {  	_ =	shalt  }
0x41: {  	_ =	shalt  }
0x42: {  	_ =	shalt  }
0x43: {  	_ =	shalt  }
0x44: {  	_ =	shalt  }
0x45: {  	_ =	shalt  }
0x46: {  	_ =	shalt  }
0x47: {  	_ =	shalt  }
0x48: {  	_ =	shalt  }
0x49: {  	_ =	shalt  }
0x4a: {  	_ =	shalt  }
0x4b: {  	_ =	shalt  }
0x4c: {  	_ =	shalt  }
0x4d: {  	_ =	shalt  }
0x4e: {  	_ =	shalt  }
0x4f: {  	_ =	shalt  }
0x50: {  	_ =	shalt  }
0x51: {  	_ =	shalt  }
0x52: {  	_ =	shalt  }
0x53: {  	_ =	shalt  }
0x54: {  	_ =	shalt  }
0x55: {  	_ =	shalt  }
0x56: {  	_ =	shalt  }
0x57: {  	_ =	shalt  }
0x58: {  	_ =	shalt  }
0x59: {  	_ =	shalt  }
0x5a: {  	_ =	shalt  }
0x5b: {  	_ =	shalt  }
0x5c: {  	_ =	shalt  }
0x5d: {  	_ =	shalt  }
0x5e: {  	_ =	shalt  }
0x5f: {  	_ =	shalt  }
0x60: {  	_ =	shalt  }
0x61: {  	_ =	shalt  }
0x62: {  	_ =	shalt  }
0x63: {  	_ =	shalt  }
0x64: {  	_ =	shalt  }
0x65: {  	_ =	shalt  }
0x66: {  	_ =	shalt  }
0x67: {  	_ =	shalt  }
0x68: {  	_ =	shalt  }
0x69: {  	_ =	shalt  }
0x6a: {  	_ =	shalt  }
0x6b: {  	_ =	shalt  }
0x6c: {  	_ =	shalt  }
0x6d: {  	_ =	shalt  }
0x6e: {  	_ =	shalt  }
0x6f: {  	_ =	shalt  }
0x70: {  	_ =	shalt  }
0x71: {  	_ =	shalt  }
0x72: {  	_ =	shalt  }
0x73: {  	_ =	shalt  }
0x74: {  	_ =	shalt  }
0x75: {  	_ =	shalt  }
0x76: {  	_ =	shalt  }
0x77: {  	_ =	shalt  }
0x78: {  	_ =	shalt  }
0x79: {  	_ =	shalt  }
0x7a: {  	_ =	shalt  }
0x7b: {  	_ =	shalt  }
0x7c: {  	_ =	shalt  }
0x7d: {  	_ =	shalt  }
0x7e: {  	_ =	shalt  }
0x7f: {  	_ =	shalt  }
0x80: {  	_ =	shalt  }
0x81: {  	_ =	shalt  }
0x82: {  	_ =	shalt  }
0x83: {  	_ =	shalt  }
0x84: {  	_ =	shalt  }
0x85: {  	_ =	shalt  }
0x86: {  	_ =	shalt  }
0x87: {  	_ =	shalt  }
.Lfunc_end0:
.L_simem_size_0:
called_computation_lowered:
.L_overlay_start_0:
0x88: {  	s2 =	sld [smem:$0x3FD9]  }
0x89: {  	s3 =	sld [smem:$0x3FFE];
	_ =	sdelay $0x1  }
0x8a: {  	s1 =	srdreg.scid  }
0x8b: {  	s0 =	sand.u32 $0x1, s1  }
0x8c: {  	s14 =	sshll.u32 s0, $0xA;
	s2 =	sadd.s32 s3, s2  }
0x8d: {  	s2 =	sadd.s32 s2, s14  }
0x8e: {  	[smem:$0x3FC2] =	sst s2  }
0x8f: {  	_ = 	snop  }
0x90: {  	s2 =	sld [smem:$0x3FD0];
	_ =	sdelay $0x2  }
0x91: {  	s15 =	simm.s32 $0xA;
	s4 =	simm.s32 $0x10  }
0x92: {  	[smem:s4], [sflag:s15] =	dma.local [hbm:s2], $0x1  }
0x93: {  	_ =	swait.eq [sflag:s15], $0x1  }
0x94: {  	[sflag:s15] =	ssyncset.done $0x0  }
0x95: {  	[sflag:s15] =	ssyncadd.s32 $0xFFFFFFFF  }
0x96: {  	s16 =	sld [smem:$0x10];
	(tm) =	ssettm $0x1  }
0x97: {  	s17 =	sld [smem:$0x3FFB];
	_ =	sdelay $0x3  }
0x98: {  	_ =	strace s17  }
0x99: {  	s3 =	sld [smem:$0x3FFC];
	_ =	sdelay $0x3  }
0x9a: {  	_ =	strace s3  }
0x9b: {  	s3 =	sld [smem:$0x3FFD];
	_ =	sdelay $0x3  }
0x9c: {  	_ =	strace s3  }
0x9d: {  	_ =	strace $0x8FFFFFFF  }
0x9e: {  	s18 =	sld [smem:$0x3FDB];
	_ =	sdelay $0x1  }
0x9f: {  	s19 =	simm.s32 $_scs_section_size  }
0xa0: {  	s5 =	simm.s32 $_size__tile_overlayer_lowered;
	s6 =	simm.s32 $_tile_overlayer_lowered  }
0xa1: {  	s22 =	simm.s32 $0x1BFF;
	s21 =	sshll.u32 s6, $0x1;
	s3 =	sadd.s32 s19, s18  }
0xa2: {  	s7 =	simm.s32 $0x0;
	s20 =	sshll.u32 s5, $0x1;
	s5 =	sadd.s32 s21, s3  }
0xa3: {  	[timem:s7], [sflag:s22] =	dma.local [hbm:s5], s20  }
0xa4: {  	_ =	swait.ge [sflag:s22], s20  }
0xa5: {  	s4 =	ssub.s32 $0x0, s20;
	[sflag:s22] =	ssyncset.done $0x0  }
0xa6: {  	[sflag:s22] =	ssyncadd.s32 s4;
	_ =	sdelay $0x1  }
0xa7: {  	s23 =	simm.s32 $0x1B8B  }
0xa8: {  	_ =	swait.ge [sflag:s23], $0x1  }
0xa9: {  	[sflag:s23] =	ssyncset.done $0x0  }
0xaa: {  	s25 =	simm.s32 $0x1B8E;
	s24 =	sld [smem:$0x3FFE];
	[sflag:s23] =	ssyncadd.s32 $0xFFFFFFFF  }
0xab: {  	s26 =	simm.s32 $execute0_lowered;
	[smem:$0x3FD2] =	sst s25  }
0xac: {  	s5 =	sshll.u32 s26, $0x1;
	_ =	strace $0x80000046;
	[dreg:$0x1] =	wrdreg $0xFFFFFFFF  }
0xad: {  	s28 =	simm.s32 $_size_execute0_lowered;
	s3 =	sadd.s32 s3, s5;
	[dreg:$0x0] =	wrdreg $0x0  }
0xae: {  	s5 =	sshll.u32 s28, $0x1;
	[dreg:$0x2] =	wrdreg s3  }
0xaf: {  	[dreg:$0x3] =	wrdreg s5  }
0xb0: {  	[dreg:$0x4] =	wrdreg $0xC0  }
0xb1: {  	_ =	task [dreg:s7], $0x5FFFF  }
0xb2: {  	[dreg:$0x1] =	wrdreg $0xFFFFFFFF  }
0xb3: {  	[dreg:$0x0] =	wrdreg $0x60  }
0xb4: {  	[dreg:$0x2] =	wrdreg s16  }
0xb5: {  	[dreg:$0x3] =	wrdreg s24  }
0xb6: {  	[dreg:$0x4] =	wrdreg $0x9  }
0xb7: {  	_ =	task.clear_ibuf [dreg:s7], $0x5FFFF;
	_ =	strace $0x90000046  }
0xb8: {  	s29 =	simm.s32 $0x9;
	_ =	strace $0x80000048  }
0xb9: {  	_ =	swait.ge [sflag:s29], $0x1  }
0xba: {  	[sflag:s29] =	ssyncadd.s32 $0xFFFFFFFF  }
0xbb: {  	_ =	strace $0x90000048  }
0xbc: {  	_ =	sfence  }
0xbd: {  	s30 =	sld [smem:$0x0];
	_ =	sdelay $0x2  }
0xbe: {  	s31 =	sshll.u32 s1, $0xD;
	s1 =	sshrl.u32 s1, $0x2  }
0xbf: {  	s3 =	sand.u32 $0x4000, s31;
	s1 =	sadd.s32 s1, s30  }
0xc0: {  	s0 =	sor.u32 s3, s0;
	s1 =	sshll.u32 s1, $0x11  }
0xc1: {  	s0 =	sor.u32 s1, s0  }
0xc2: {  	s0 =	sadd.s32 $0x8F2B, s0  }
0xc3: {  	[sflag:s0] =	ssyncadd.remote.s32 $0x1  }
0xc4: {  	_ =	sfence.sel $0xFFFF  }
0xc5: {  	[dreg:$0x0] =	wrdreg $0xFFFFFFFF;
	(pc) =	sbr.abs _section_cstart, $3  }
0xc6: {  	[dreg:$0x1] =	wrdreg $0xFFFFFFFF  }
0xc7: {  	_ =	task.clear_ibuf [dreg:s7], $0x2FFFF;
	_ =	strace $0x9FFFFFFF  }
0xc8: {  	(tm) =	ssettm $0x7FFFFFFF  }
0xc9: {  	_ =	shalt  }
tec
execute0_lowered:
.L_overlay_start_1:
0x0: {  	(tag) =	ssettag $0x1  }
0x1: {  	s0 =	srdreg.scid;
	s1 =	rddreg [dreg:$0x0]  }
0x2: {  	s2 =	stileid.u32;
	s6 =	rddreg [dreg:$0x1];
	s26 =	simm.s32 $0x80  }
0x3: {  	s8 =	simm.s32 $0x2;
	s18 =	simm.s32 $0x1;
	s21 =	simm.s32 $0x1900  }
0x4: {  	s22 =	simm.s32 $0x2100;
	s23 =	simm.s32 $0x2900;
	s24 =	simm.s32 $0x3100  }
0x5: {  	s28 =	simm.s32 $0x4900;
	s29 =	simm.s32 $0x5100;
	s30 =	simm.s32 $0x5900  }
0x6: {  	s31 =	simm.s32 $0x6100;
	s10 =	simm.s32 $0x7900;
	s11 =	simm.s32 $0x8100  }
0x7: {  	s12 =	simm.s32 $0x8900;
	s13 =	simm.s32 $0x9100;
	s14 =	simm.s32 $0x9900  }
0x8: {  	s15 =	simm.s32 $0xA100;
	s16 =	simm.s32 $0xA900;
	s17 =	simm.s32 $0xB100  }
0x9: {  	s0 =	sand.u32 $0x1, s0;
	s3 =	sshll.u32 s2, $0x7;
	s2 =	simm.s32 $0x0  }
0xa: {  	s4 =	sshll.u32 s0, $0x6;
	[smem:$0x7FF] =	sst s2;
	s0 =	ssub.s32 $0x2, s0  }
0xb: {  	s4 =	sor.u32 s4, s3;
	_ =	strace $0x80000047;
	s25 =	sshrl.u32 s0, $0x1  }
0xc: {  	[dreg:$0x6] =	wrdreg s26;
	s3 =	sshrl.u32 s4, $0x3;
	s4 =	sshll.u32 s4, $0x7  }
0xd: {  	s26 =	simm.s32 $0x4100;
	s5 =	sadd.s32 s3, s6;
	s1 =	sadd.s32 s1, s4  }
0xe: {  	s0 =	ssub.s32 s0, s25;
	s7 =	sadd.s32 $0x2400, s5;
	[dreg:$0x5] =	wrdreg s1  }
0xf: {  	v2 =	vlaneseq.u32;
	s25 =	simm.s32 $0x3900;
	s5 =	sadd.s32 $0x2600, s5;
	[dreg:$0x3] =	wrdreg s7  }
0x10: {  	vm0 =	vmmov $0xffff;
	v1 =	vshrl.u32 v2, $0x3;
	s3 =	sadd.s32 $0x12C00, s6;
	s4 =	sadd.s32 $0x12D00, s6;
	[dreg:$0x4] =	wrdreg s5  }
0x11: {  	v0 =	vand.u32 $0x7, v2;
	v2 =	vor.u32 $0x8, v2;
	v1 =	vmul.u32 $0x8, v1;
	s5 =	sadd.s32 $0x12E00, s6;
	s6 =	sadd.s32 $0x12F00, s6;
	s7 =	smax.u32 s0, $0x1  }
.LBB2_1:
0x12: {  	s19 =	rddreg [dreg:$0x3]  }
0x13: {  	[tilespmem:s2], [sflag:$0x2] =	stream.linear.gather [hbm4b:s19+s2], $0x40, $0x38;
	[tilespmem:$0x10100] =	vst v63  }
0x14: {  	_ =	swait.ge [sflag:s8], $0x40  }
0x15: {  	s1 =	rddreg [dreg:$0x4];
	[sflag:s8] =	ssyncset.done $0x0  }
0x16: {  	s20 =	rddreg [dreg:$0x6];
	[sflag:s8] =	ssyncadd.s32 $0xFFFFFFC0  }
0x17: {  	[tilespmem:s20], [sflag:$0x2] =	stream.linear.gather [hbm4b:s1+s2], $0x40, $0x38;
	[tilespmem:$0x10100] =	vst v63  }
0x18: {  	_ =	swait.ge [sflag:s8], $0x40  }
0x19: {  	[sflag:s8] =	ssyncset.done $0x0  }
0x1a: {  	s0 =	simm.s32 $0x100;
	s9 =	rddreg [dreg:$0x5];
	[sflag:s8] =	ssyncadd.s32 $0xFFFFFFC0  }
0x1b: {  	[tilespmem:s0], [sflag:$0x2] =	stream.linear.gather [hbm4b:s9+s2], $0x10000, $0x38;
	[tilespmem:$0x10100] =	vst v63  }
0x1c: {  	_ =	swait.ge [sflag:s8], $0x10000  }
0x1d: {  	[sflag:s8] =	ssyncset.done $0x0  }
0x1e: {  	[sflag:s8] =	ssyncadd.s32 $0xFFFF0000  }
0x1f: {  	v3 =	vld [tilespmem:$0x0];
	_ =	sdelay $0x4  }
0x20: {  	v4 =	vshll.u32 v3, $0x3  }
0x21: {  	v3 =	vand.u32 $0x7, v3;
	v4 =	vand.u32 $0xFFFFFFC0, v4  }
0x22: {  	v3 =	vor.u32 v3, v4  }
0x23: {  	v4 =	vperm.xlane v3, v0;
	_ =	sdelay $0x1  }
0x24: {  	v4 =	vadd.s32 v1, v4;
	_ =	sdelay $0x4  }
0x25: {  	[hbm4b:s3+s2] =	stream.indirect_vreg.scatter [tilespmem:s0], [sflag:$0x1], $0x80, v4, vm0, $0xb8;
	[tilespmem:$0x10100] =	vst v63  }
0x26: {  	s19 =	simm.s32 $0x900;
	v3 =	vperm.xlane v3, v2  }
0x27: {  	[hbm4b:s4+s2] =	stream.indirect_vreg.scatter [tilespmem:s19], [sflag:$0x1], $0x80, v4, vm0, $0xb8;
	[tilespmem:$0x10100] =	vst v63  }
0x28: {  	s20 =	simm.s32 $0x1100;
	v3 =	vadd.s32 v1, v3  }
0x29: {  	[hbm4b:s5+s2] =	stream.indirect_vreg.scatter [tilespmem:s20], [sflag:$0x1], $0x80, v4, vm0, $0xb8;
	[tilespmem:$0x10100] =	vst v63  }
0x2a: {  	_ = 	snop  }
0x2b: {  	[hbm4b:s6+s2] =	stream.indirect_vreg.scatter [tilespmem:s21], [sflag:$0x1], $0x80, v4, vm0, $0xb8;
	[tilespmem:$0x10100] =	vst v63  }
0x2c: {  	_ = 	snop  }
0x2d: {  	[hbm4b:s3+s2] =	stream.indirect_vreg.scatter [tilespmem:s22], [sflag:$0x1], $0x80, v3, vm0, $0xb8;
	[tilespmem:$0x10100] =	vst v63  }
0x2e: {  	_ = 	snop  }
0x2f: {  	[hbm4b:s4+s2] =	stream.indirect_vreg.scatter [tilespmem:s23], [sflag:$0x1], $0x80, v3, vm0, $0xb8;
	[tilespmem:$0x10100] =	vst v63  }
0x30: {  	_ = 	snop  }
0x31: {  	[hbm4b:s5+s2] =	stream.indirect_vreg.scatter [tilespmem:s24], [sflag:$0x1], $0x80, v3, vm0, $0xb8;
	[tilespmem:$0x10100] =	vst v63  }
0x32: {  	_ = 	snop  }
0x33: {  	[hbm4b:s6+s2] =	stream.indirect_vreg.scatter [tilespmem:s25], [sflag:$0x1], $0x80, v3, vm0, $0xb8;
	[tilespmem:$0x10100] =	vst v63  }
0x34: {  	v3 =	vld [tilespmem:$0x10];
	_ =	sdelay $0x4  }
0x35: {  	v57 =	vshll.u32 v3, $0x3  }
0x36: {  	v3 =	vand.u32 $0x7, v3;
	v4 =	vand.u32 $0xFFFFFFC0, v57  }
0x37: {  	v3 =	vor.u32 v3, v4  }
0x38: {  	v4 =	vperm.xlane v3, v0;
	_ =	sdelay $0x1  }
0x39: {  	v4 =	vadd.s32 v1, v4;
	_ =	sdelay $0x4  }
0x3a: {  	[hbm4b:s3+s2] =	stream.indirect_vreg.scatter [tilespmem:s26], [sflag:$0x1], $0x80, v4, vm0, $0xb8;
	[tilespmem:$0x10100] =	vst v63  }
0x3b: {  	v3 =	vperm.xlane v3, v2  }
0x3c: {  	[hbm4b:s4+s2] =	stream.indirect_vreg.scatter [tilespmem:s28], [sflag:$0x1], $0x80, v4, vm0, $0xb8;
	[tilespmem:$0x10100] =	vst v63  }
0x3d: {  	v3 =	vadd.s32 v1, v3  }
0x3e: {  	[hbm4b:s5+s2] =	stream.indirect_vreg.scatter [tilespmem:s29], [sflag:$0x1], $0x80, v4, vm0, $0xb8;
	[tilespmem:$0x10100] =	vst v63  }
0x3f: {  	_ = 	snop  }
0x40: {  	[hbm4b:s6+s2] =	stream.indirect_vreg.scatter [tilespmem:s30], [sflag:$0x1], $0x80, v4, vm0, $0xb8;
	[tilespmem:$0x10100] =	vst v63  }
0x41: {  	_ = 	snop  }
0x42: {  	[hbm4b:s3+s2] =	stream.indirect_vreg.scatter [tilespmem:s31], [sflag:$0x1], $0x80, v3, vm0, $0xb8;
	[tilespmem:$0x10100] =	vst v63  }
0x43: {  	s1 =	simm.s32 $0x6900  }
0x44: {  	[hbm4b:s4+s2] =	stream.indirect_vreg.scatter [tilespmem:s1], [sflag:$0x1], $0x80, v3, vm0, $0xb8;
	[tilespmem:$0x10100] =	vst v63  }
0x45: {  	s9 =	simm.s32 $0x7100  }
0x46: {  	[hbm4b:s5+s2] =	stream.indirect_vreg.scatter [tilespmem:s9], [sflag:$0x1], $0x80, v3, vm0, $0xb8;
	[tilespmem:$0x10100] =	vst v63  }
0x47: {  	_ = 	snop  }
0x48: {  	[hbm4b:s6+s2] =	stream.indirect_vreg.scatter [tilespmem:s10], [sflag:$0x1], $0x80, v3, vm0, $0xb8;
	[tilespmem:$0x10100] =	vst v63  }
0x49: {  	v3 =	vld [tilespmem:$0x20];
	_ =	sdelay $0x4  }
0x4a: {  	v58 =	vshll.u32 v3, $0x3  }
0x4b: {  	v3 =	vand.u32 $0x7, v3;
	v4 =	vand.u32 $0xFFFFFFC0, v58  }
0x4c: {  	v3 =	vor.u32 v3, v4  }
0x4d: {  	v4 =	vperm.xlane v3, v0;
	_ =	sdelay $0x1  }
0x4e: {  	v4 =	vadd.s32 v1, v4;
	_ =	sdelay $0x4  }
0x4f: {  	[hbm4b:s3+s2] =	stream.indirect_vreg.scatter [tilespmem:s11], [sflag:$0x1], $0x80, v4, vm0, $0xb8;
	[tilespmem:$0x10100] =	vst v63  }
0x50: {  	v3 =	vperm.xlane v3, v2  }
0x51: {  	[hbm4b:s4+s2] =	stream.indirect_vreg.scatter [tilespmem:s12], [sflag:$0x1], $0x80, v4, vm0, $0xb8;
	[tilespmem:$0x10100] =	vst v63  }
0x52: {  	v3 =	vadd.s32 v1, v3  }
0x53: {  	[hbm4b:s5+s2] =	stream.indirect_vreg.scatter [tilespmem:s13], [sflag:$0x1], $0x80, v4, vm0, $0xb8;
	[tilespmem:$0x10100] =	vst v63  }
0x54: {  	_ = 	snop  }
0x55: {  	[hbm4b:s6+s2] =	stream.indirect_vreg.scatter [tilespmem:s14], [sflag:$0x1], $0x80, v4, vm0, $0xb8;
	[tilespmem:$0x10100] =	vst v63  }
0x56: {  	_ = 	snop  }
0x57: {  	[hbm4b:s3+s2] =	stream.indirect_vreg.scatter [tilespmem:s15], [sflag:$0x1], $0x80, v3, vm0, $0xb8;
	[tilespmem:$0x10100] =	vst v63  }
0x58: {  	_ = 	snop  }
0x59: {  	[hbm4b:s4+s2] =	stream.indirect_vreg.scatter [tilespmem:s16], [sflag:$0x1], $0x80, v3, vm0, $0xb8;
	[tilespmem:$0x10100] =	vst v63  }
0x5a: {  	_ = 	snop  }
0x5b: {  	[hbm4b:s5+s2] =	stream.indirect_vreg.scatter [tilespmem:s17], [sflag:$0x1], $0x80, v3, vm0, $0xb8;
	[tilespmem:$0x10100] =	vst v63  }
0x5c: {  	s9 =	simm.s32 $0xB900  }
0x5d: {  	[hbm4b:s6+s2] =	stream.indirect_vreg.scatter [tilespmem:s9], [sflag:$0x1], $0x80, v3, vm0, $0xb8;
	[tilespmem:$0x10100] =	vst v63  }
0x5e: {  	v3 =	vld [tilespmem:$0x30];
	_ =	sdelay $0x4  }
0x5f: {  	v59 =	vshll.u32 v3, $0x3  }
0x60: {  	v3 =	vand.u32 $0x7, v3;
	v4 =	vand.u32 $0xFFFFFFC0, v59  }
0x61: {  	v3 =	vor.u32 v3, v4  }
0x62: {  	v4 =	vperm.xlane v3, v0;
	_ =	sdelay $0x1  }
0x63: {  	v4 =	vadd.s32 v1, v4;
	_ =	sdelay $0x3  }
0x64: {  	s1 =	simm.s32 $0xC100  }
0x65: {  	[hbm4b:s3+s2] =	stream.indirect_vreg.scatter [tilespmem:s1], [sflag:$0x1], $0x80, v4, vm0, $0xb8;
	[tilespmem:$0x10100] =	vst v63  }
0x66: {  	v3 =	vperm.xlane v3, v2;
	s1 =	simm.s32 $0xC900  }
0x67: {  	[hbm4b:s4+s2] =	stream.indirect_vreg.scatter [tilespmem:s1], [sflag:$0x1], $0x80, v4, vm0, $0xb8;
	[tilespmem:$0x10100] =	vst v63  }
0x68: {  	v3 =	vadd.s32 v1, v3;
	s1 =	simm.s32 $0xD100  }
0x69: {  	[hbm4b:s5+s2] =	stream.indirect_vreg.scatter [tilespmem:s1], [sflag:$0x1], $0x80, v4, vm0, $0xb8;
	[tilespmem:$0x10100] =	vst v63  }
0x6a: {  	s1 =	simm.s32 $0xD900  }
0x6b: {  	[hbm4b:s6+s2] =	stream.indirect_vreg.scatter [tilespmem:s1], [sflag:$0x1], $0x80, v4, vm0, $0xb8;
	[tilespmem:$0x10100] =	vst v63  }
0x6c: {  	s1 =	simm.s32 $0xE100  }
0x6d: {  	[hbm4b:s3+s2] =	stream.indirect_vreg.scatter [tilespmem:s1], [sflag:$0x1], $0x80, v3, vm0, $0xb8;
	[tilespmem:$0x10100] =	vst v63  }
0x6e: {  	s1 =	simm.s32 $0xE900  }
0x6f: {  	[hbm4b:s4+s2] =	stream.indirect_vreg.scatter [tilespmem:s1], [sflag:$0x1], $0x80, v3, vm0, $0xb8;
	[tilespmem:$0x10100] =	vst v63  }
0x70: {  	s1 =	simm.s32 $0xF100  }
0x71: {  	[hbm4b:s5+s2] =	stream.indirect_vreg.scatter [tilespmem:s1], [sflag:$0x1], $0x80, v3, vm0, $0xb8;
	[tilespmem:$0x10100] =	vst v63  }
0x72: {  	s1 =	simm.s32 $0xF900  }
0x73: {  	[hbm4b:s6+s2] =	stream.indirect_vreg.scatter [tilespmem:s1], [sflag:$0x1], $0x80, v3, vm0, $0xb8;
	[tilespmem:$0x10100] =	vst v63  }
0x74: {  	_ =	swait.ge [sflag:s18], $0x10000  }
0x75: {  	[sflag:s18] =	ssyncset.done $0x0  }
0x76: {  	[sflag:s18] =	ssyncadd.s32 $0xFFFF0000  }
0x77: {  	v3 =	vld [tilespmem:$0x80];
	_ =	sdelay $0x4  }
0x78: {  	v60 =	vshll.u32 v3, $0x3  }
0x79: {  	v3 =	vand.u32 $0x7, v3;
	v4 =	vand.u32 $0xFFFFFFC0, v60  }
0x7a: {  	v3 =	vor.u32 v3, v4  }
0x7b: {  	v4 =	vperm.xlane v3, v0;
	_ =	sdelay $0x1  }
0x7c: {  	v4 =	vadd.s32 v1, v4;
	_ =	sdelay $0x4  }
0x7d: {  	[hbm4b:s3+s2] =	stream.indirect_vreg.scatter [tilespmem:s0], [sflag:$0x1], $0x80, v4, vm0, $0xb8;
	[tilespmem:$0x10100] =	vst v63  }
0x7e: {  	v3 =	vperm.xlane v3, v2  }
0x7f: {  	[hbm4b:s4+s2] =	stream.indirect_vreg.scatter [tilespmem:s19], [sflag:$0x1], $0x80, v4, vm0, $0xb8;
	[tilespmem:$0x10100] =	vst v63  }
0x80: {  	v3 =	vadd.s32 v1, v3  }
0x81: {  	[hbm4b:s5+s2] =	stream.indirect_vreg.scatter [tilespmem:s20], [sflag:$0x1], $0x80, v4, vm0, $0xb8;
	[tilespmem:$0x10100] =	vst v63  }
0x82: {  	_ = 	snop  }
0x83: {  	[hbm4b:s6+s2] =	stream.indirect_vreg.scatter [tilespmem:s21], [sflag:$0x1], $0x80, v4, vm0, $0xb8;
	[tilespmem:$0x10100] =	vst v63  }
0x84: {  	_ = 	snop  }
0x85: {  	[hbm4b:s3+s2] =	stream.indirect_vreg.scatter [tilespmem:s22], [sflag:$0x1], $0x80, v3, vm0, $0xb8;
	[tilespmem:$0x10100] =	vst v63  }
0x86: {  	_ = 	snop  }
0x87: {  	[hbm4b:s4+s2] =	stream.indirect_vreg.scatter [tilespmem:s23], [sflag:$0x1], $0x80, v3, vm0, $0xb8;
	[tilespmem:$0x10100] =	vst v63  }
0x88: {  	_ = 	snop  }
0x89: {  	[hbm4b:s5+s2] =	stream.indirect_vreg.scatter [tilespmem:s24], [sflag:$0x1], $0x80, v3, vm0, $0xb8;
	[tilespmem:$0x10100] =	vst v63  }
0x8a: {  	_ = 	snop  }
0x8b: {  	[hbm4b:s6+s2] =	stream.indirect_vreg.scatter [tilespmem:s25], [sflag:$0x1], $0x80, v3, vm0, $0xb8;
	[tilespmem:$0x10100] =	vst v63  }
0x8c: {  	v3 =	vld [tilespmem:$0x90];
	_ =	sdelay $0x4  }
0x8d: {  	v61 =	vshll.u32 v3, $0x3  }
0x8e: {  	v3 =	vand.u32 $0x7, v3;
	v4 =	vand.u32 $0xFFFFFFC0, v61  }
0x8f: {  	v3 =	vor.u32 v3, v4  }
0x90: {  	v4 =	vperm.xlane v3, v0;
	_ =	sdelay $0x1  }
0x91: {  	v4 =	vadd.s32 v1, v4;
	_ =	sdelay $0x4  }
0x92: {  	[hbm4b:s3+s2] =	stream.indirect_vreg.scatter [tilespmem:s26], [sflag:$0x1], $0x80, v4, vm0, $0xb8;
	[tilespmem:$0x10100] =	vst v63  }
0x93: {  	v3 =	vperm.xlane v3, v2  }
0x94: {  	[hbm4b:s4+s2] =	stream.indirect_vreg.scatter [tilespmem:s28], [sflag:$0x1], $0x80, v4, vm0, $0xb8;
	[tilespmem:$0x10100] =	vst v63  }
0x95: {  	v3 =	vadd.s32 v1, v3  }
0x96: {  	[hbm4b:s5+s2] =	stream.indirect_vreg.scatter [tilespmem:s29], [sflag:$0x1], $0x80, v4, vm0, $0xb8;
	[tilespmem:$0x10100] =	vst v63  }
0x97: {  	_ = 	snop  }
0x98: {  	[hbm4b:s6+s2] =	stream.indirect_vreg.scatter [tilespmem:s30], [sflag:$0x1], $0x80, v4, vm0, $0xb8;
	[tilespmem:$0x10100] =	vst v63  }
0x99: {  	_ = 	snop  }
0x9a: {  	[hbm4b:s3+s2] =	stream.indirect_vreg.scatter [tilespmem:s31], [sflag:$0x1], $0x80, v3, vm0, $0xb8;
	[tilespmem:$0x10100] =	vst v63  }
0x9b: {  	s20 =	simm.s32 $0x6900  }
0x9c: {  	[hbm4b:s4+s2] =	stream.indirect_vreg.scatter [tilespmem:s20], [sflag:$0x1], $0x80, v3, vm0, $0xb8;
	[tilespmem:$0x10100] =	vst v63  }
0x9d: {  	s19 =	simm.s32 $0x7100  }
0x9e: {  	[hbm4b:s5+s2] =	stream.indirect_vreg.scatter [tilespmem:s19], [sflag:$0x1], $0x80, v3, vm0, $0xb8;
	[tilespmem:$0x10100] =	vst v63  }
0x9f: {  	_ = 	snop  }
0xa0: {  	[hbm4b:s6+s2] =	stream.indirect_vreg.scatter [tilespmem:s10], [sflag:$0x1], $0x80, v3, vm0, $0xb8;
	[tilespmem:$0x10100] =	vst v63  }
0xa1: {  	v3 =	vld [tilespmem:$0xA0];
	_ =	sdelay $0x4  }
0xa2: {  	v62 =	vshll.u32 v3, $0x3  }
0xa3: {  	v3 =	vand.u32 $0x7, v3;
	v4 =	vand.u32 $0xFFFFFFC0, v62  }
0xa4: {  	v3 =	vor.u32 v3, v4  }
0xa5: {  	v4 =	vperm.xlane v3, v0;
	_ =	sdelay $0x1  }
0xa6: {  	v4 =	vadd.s32 v1, v4;
	_ =	sdelay $0x4  }
0xa7: {  	[hbm4b:s3+s2] =	stream.indirect_vreg.scatter [tilespmem:s11], [sflag:$0x1], $0x80, v4, vm0, $0xb8;
	[tilespmem:$0x10100] =	vst v63  }
0xa8: {  	v3 =	vperm.xlane v3, v2  }
0xa9: {  	[hbm4b:s4+s2] =	stream.indirect_vreg.scatter [tilespmem:s12], [sflag:$0x1], $0x80, v4, vm0, $0xb8;
	[tilespmem:$0x10100] =	vst v63  }
0xaa: {  	v3 =	vadd.s32 v1, v3  }
0xab: {  	[hbm4b:s5+s2] =	stream.indirect_vreg.scatter [tilespmem:s13], [sflag:$0x1], $0x80, v4, vm0, $0xb8;
	[tilespmem:$0x10100] =	vst v63  }
0xac: {  	_ = 	snop  }
0xad: {  	[hbm4b:s6+s2] =	stream.indirect_vreg.scatter [tilespmem:s14], [sflag:$0x1], $0x80, v4, vm0, $0xb8;
	[tilespmem:$0x10100] =	vst v63  }
0xae: {  	_ = 	snop  }
0xaf: {  	[hbm4b:s3+s2] =	stream.indirect_vreg.scatter [tilespmem:s15], [sflag:$0x1], $0x80, v3, vm0, $0xb8;
	[tilespmem:$0x10100] =	vst v63  }
0xb0: {  	_ = 	snop  }
0xb1: {  	[hbm4b:s4+s2] =	stream.indirect_vreg.scatter [tilespmem:s16], [sflag:$0x1], $0x80, v3, vm0, $0xb8;
	[tilespmem:$0x10100] =	vst v63  }
0xb2: {  	_ = 	snop  }
0xb3: {  	[hbm4b:s5+s2] =	stream.indirect_vreg.scatter [tilespmem:s17], [sflag:$0x1], $0x80, v3, vm0, $0xb8;
	[tilespmem:$0x10100] =	vst v63  }
0xb4: {  	_ = 	snop  }
0xb5: {  	[hbm4b:s6+s2] =	stream.indirect_vreg.scatter [tilespmem:s9], [sflag:$0x1], $0x80, v3, vm0, $0xb8;
	[tilespmem:$0x10100] =	vst v63  }
0xb6: {  	v3 =	vld [tilespmem:$0xB0];
	_ =	sdelay $0x4  }
0xb7: {  	v63 =	vshll.u32 v3, $0x3  }
0xb8: {  	v3 =	vand.u32 $0x7, v3;
	v4 =	vand.u32 $0xFFFFFFC0, v63  }
0xb9: {  	v3 =	vor.u32 v3, v4  }
0xba: {  	v4 =	vperm.xlane v3, v0;
	_ =	sdelay $0x1  }
0xbb: {  	v4 =	vadd.s32 v1, v4;
	_ =	sdelay $0x3  }
0xbc: {  	s20 =	simm.s32 $0xC100  }
0xbd: {  	[hbm4b:s3+s2] =	stream.indirect_vreg.scatter [tilespmem:s20], [sflag:$0x1], $0x80, v4, vm0, $0xb8;
	[tilespmem:$0x10100] =	vst v63  }
0xbe: {  	s9 =	simm.s32 $0xC900;
	v3 =	vperm.xlane v3, v2  }
0xbf: {  	[hbm4b:s4+s2] =	stream.indirect_vreg.scatter [tilespmem:s9], [sflag:$0x1], $0x80, v4, vm0, $0xb8;
	[tilespmem:$0x10100] =	vst v63  }
0xc0: {  	s19 =	simm.s32 $0xD100;
	v3 =	vadd.s32 v1, v3  }
0xc1: {  	[hbm4b:s5+s2] =	stream.indirect_vreg.scatter [tilespmem:s19], [sflag:$0x1], $0x80, v4, vm0, $0xb8;
	[tilespmem:$0x10100] =	vst v63  }
0xc2: {  	s20 =	simm.s32 $0xD900  }
0xc3: {  	[hbm4b:s6+s2] =	stream.indirect_vreg.scatter [tilespmem:s20], [sflag:$0x1], $0x80, v4, vm0, $0xb8;
	[tilespmem:$0x10100] =	vst v63  }
0xc4: {  	s9 =	simm.s32 $0xE100  }
0xc5: {  	[hbm4b:s3+s2] =	stream.indirect_vreg.scatter [tilespmem:s9], [sflag:$0x1], $0x80, v3, vm0, $0xb8;
	[tilespmem:$0x10100] =	vst v63  }
0xc6: {  	s19 =	simm.s32 $0xE900  }
0xc7: {  	[hbm4b:s4+s2] =	stream.indirect_vreg.scatter [tilespmem:s19], [sflag:$0x1], $0x80, v3, vm0, $0xb8;
	[tilespmem:$0x10100] =	vst v63  }
0xc8: {  	p0 =	sne.s32 s7, $0x1;
	s20 =	simm.s32 $0xF100  }
0xc9: {  	[hbm4b:s5+s2] =	stream.indirect_vreg.scatter [tilespmem:s20], [sflag:$0x1], $0x80, v3, vm0, $0xb8;
	[tilespmem:$0x10100] =	vst v63  }
.Ltmp0:
0xca: {  	_ = 	snop;
	(pc) =	sbr.rel @p0 .LBB2_1-.Ltmp0, $4  }
0xcb: {  	[hbm4b:s6+s2] =	stream.indirect_vreg.scatter [tilespmem:s1], [sflag:$0x1], $0x80, v3, vm0, $0xb8;
	[tilespmem:$0x10100] =	vst v63  }
0xcc: {  	_ =	swait.ge [sflag:s18], $0x10000  }
0xcd: {  	[sflag:s18] =	ssyncset.done $0x0  }
0xce: {  	s7 =	sadd.s32 $0xFFFFFFFF, s7;
	[sflag:s18] =	ssyncadd.s32 $0xFFFF0000  }
0xcf: {  	_ =	sfence.sel $0x180000  }
0xd0: {  	[bflag:$0x0] =	sbarrier.arrive $0xFFFF  }
0xd1: {  	_ =	strace $0x90000047  }
0xd2: {  	s0 =	stileid.u32;
	[bflag:$0x2] =	sbarrier.arrive $0xFFFF  }
0xd3: {  	p0 =	sne.s32 s0, $0x0;
	s0 =	rddreg [dreg:$0x2]  }
0xd4: {  	s0 =	sadd.s32 @!p0 $0x100000, s0  }
0xd5: {  	[sflag:s0] =	ssyncadd.tile.s32 @!p0 $0x1;
	_ =	shalt  }
.Lfunc_end2:
_tile_overlayer_lowered:
.L_overlay_start_2:
0xd6: {  	(tag) =	ssettag $0x2  }
0xd7: {  	s0 =	rddreg [dreg:$0x0];
	s2 =	stileid.u32  }
0xd8: {  	s1 =	rddreg [dreg:$0x1];
	p0 =	sne.s32 s2, $0x0  }
0xd9: {  	s3 =	rddreg [dreg:$0x2];
	[bflag:$0x3] =	sbarrier.arrive $0xFFFF;
	s2 =	simm.s32 @!p0 $0x1C02  }
0xda: {  	[timem:s3], [sflag:s2] =	dma.local @!p0 [hbm:s0], s1  }
0xdb: {  	s0 =	simm.s32 @!p0 $0x2  }
0xdc: {  	_ =	swait.ge @!p0 [sflag:s0], s1  }
0xdd: {  	s1 =	ssub.s32 @!p0 $0x0, s1;
	[sflag:s0] =	ssyncset.done @!p0 $0x0  }
0xde: {  	[sflag:s0] =	ssyncadd.s32 @!p0 s1  }
0xdf: {  	[bflag:$0x3] =	sbarrier.arrive $0xFFFF  }
0xe0: {  	_ =	shalt  }

// kernel: kernel.9.cloned.1.call-start
scs
__scs_entry_jumppad:
0x0: {  	(pc) =	sbr.rel $0x88, $3  }
0x1: {  	(tag) =	ssettag $0x0;
	lr =	simm.s32 $0x1  }
0x2: {  	[smem:$0x3F9B] =	sst lr;
	_ =	strace $0xD0000000  }
0x3: {  	_ = 	snop  }
0x4: {  	_ = 	snop  }
0x5: {  	_ = 	snop  }
0x6: {  	_ = 	snop  }
0x7: {  	_ = 	snop  }
__scs_overlays_trampoline_lowered:
0x8: {  	[smem:$0x3FAA] =	sst s0  }
0x9: {  	[smem:$0x3FAB] =	sst s1  }
0xa: {  	[smem:$0x3FAC] =	sst s2  }
0xb: {  	[smem:$0x3FAD] =	sst s3  }
0xc: {  	[smem:$0x3FAE] =	sst s4  }
0xd: {  	[smem:$0x3FAF] =	sst s5  }
0xe: {  	[smem:$0x3FB0] =	sst s6  }
0xf: {  	[smem:$0x3FB1] =	sst s7  }
0x10: {  	[smem:$0x3FB2] =	sst s8  }
0x11: {  	[smem:$0x3FB3] =	sst s9;
	s0 =	simm.s32 @!p0 $0x0  }
0x12: {  	s1 =	sld [smem:$0x3F99];
	s0 =	simm.s32 @p0 $0x1  }
0x13: {  	[smem:$0x3FB4] =	sst s0;
	s0 =	simm.s32 @!p1 $0x0  }
0x14: {  	s2 =	sld [smem:$0x3F98];
	s0 =	simm.s32 @p1 $0x1  }
0x15: {  	[smem:$0x3FB5] =	sst s0;
	s0 =	simm.s32 @!p2 $0x0  }
0x16: {  	s3 =	sld [smem:$0x3FDB];
	s0 =	simm.s32 @p2 $0x1  }
0x17: {  	s4 =	simm.s32 $0x1BF5;
	[smem:$0x3FB7] =	sst s0  }
0x18: {  	s0 =	sld [smem:$0x3F9A];
	_ =	swait.ge [sflag:s4], $0x0  }
0x19: {  	s7 =	sld [smem:$0x3F9B]  }
0x1a: {  	s8 =	sadd.s32 $0xFFFFE003, lr  }
0x1b: {  	s9 =	sadd.s32 $0xFFFFFEF7, lr;
	s5 =	simm.s32 $0xFFFFFFFF;
	p2 =	slt.u32 s8, $0xFFFFF086  }
0x1c: {  	p1 =	slt.u32 s9, $0xF7A;
	s5 =	simm.s32 @!p2 $0x0  }
0x1d: {  	s5 =	simm.s32 @p1 $0x1;
	p0 =	seq.s32 s7, s2  }
0x1e: {  	s7 =	smul.u32 @!p0 $0xF7A, s2;
	p2 =	seq.s32 @!p0 s5, $0x0  }
0x1f: {  	s9 =	smul.u32 $0xF7A, s1;
	s8 =	simm.s32 @!p0 $0x1BF5;
	p2 =	por !p2, p0  }
0x20: {  	[sflag:s8] =	ssyncset.s32 @!p0 $0xFFFFF086;
	s6 =	sadd.s32 @!p0 s3, s7;
	s7 =	simm.s32 @!p0 $0x108  }
0x21: {  	s3 =	sadd.s32 s3, s9;
	s6 =	sadd.s32 @!p0 $0x88, s6;
	s7 =	simm.s32 @p2 $0x1082  }
0x22: {  	[simem:s7], [sflag:s8] =	dma.local @!p0 [hbm:s6], $0xF7A  }
0x23: {  	s9 =	sor.u32 $0xD0000000, s2;
	s6 =	simm.s32 $0x108;
	_ =	swait.ge @!p0 [sflag:s8], $0x0  }
0x24: {  	s3 =	sadd.s32 $0x88, s3;
	s6 =	simm.s32 @!p1 $0x1082;
	[sflag:s4] =	ssyncset.s32 $0xFFFFF086  }
0x25: {  	[simem:s6], [sflag:s4] =	dma.local [hbm:s3], $0xF7A  }
0x26: {  	[smem:$0x3F9B] =	sst s1;
	(tag) =	ssettag s2;
	_ =	strace s9  }
0x27: {  	s1 =	sld [smem:$0x3FAB]  }
0x28: {  	s2 =	sld [smem:$0x3FAC]  }
0x29: {  	s4 =	sld [smem:$0x3FAE]  }
0x2a: {  	p0 =	seq.s32 s5, $0x0;
	s5 =	sld [smem:$0x3FAF]  }
0x2b: {  	s6 =	sld [smem:$0x3FB0]  }
0x2c: {  	s7 =	sld [smem:$0x3FB1]  }
0x2d: {  	s3 =	simm.s32 $0x108;
	s8 =	sld [smem:$0x3FB2]  }
0x2e: {  	s3 =	simm.s32 @!p0 $0x1082;
	s9 =	sld [smem:$0x3FB3]  }
0x2f: {  	lr =	sadd.s32 s0, s3;
	s0 =	sld [smem:$0x3FAA]  }
0x30: {  	s3 =	sld [smem:$0x3FAD]  }
0x31: {  	[smem:$0x3FB6] =	sst s10  }
0x32: {  	s10 =	sld [smem:$0x3FB4];
	_ =	sdelay $0x3  }
0x33: {  	p0 =	seq.s32 s10, $0x1;
	s10 =	sld [smem:$0x3FB6];
	_ =	sdelay $0x3  }
0x34: {  	[smem:$0x3FB6] =	sst s10  }
0x35: {  	s10 =	sld [smem:$0x3FB5];
	_ =	sdelay $0x3  }
0x36: {  	p1 =	seq.s32 s10, $0x1;
	s10 =	sld [smem:$0x3FB6];
	_ =	sdelay $0x3  }
0x37: {  	[smem:$0x3FB6] =	sst s10  }
0x38: {  	s10 =	sld [smem:$0x3FB7]  }
0x39: {  	_ = 	snop;
	(pc) =	sbr.ind lr, $3  }
0x3a: {  	_ = 	snop  }
0x3b: {  	_ = 	snop  }
0x3c: {  	p2 =	seq.s32 s10, $0x1;
	s10 =	sld [smem:$0x3FB6]  }
0x3d: {  	_ =	shalt  }
0x3e: {  	_ =	shalt  }
0x3f: {  	_ =	shalt  }
0x40: {  	_ =	shalt  }
0x41: {  	_ =	shalt  }
0x42: {  	_ =	shalt  }
0x43: {  	_ =	shalt  }
0x44: {  	_ =	shalt  }
0x45: {  	_ =	shalt  }
0x46: {  	_ =	shalt  }
0x47: {  	_ =	shalt  }
0x48: {  	_ =	shalt  }
0x49: {  	_ =	shalt  }
0x4a: {  	_ =	shalt  }
0x4b: {  	_ =	shalt  }
0x4c: {  	_ =	shalt  }
0x4d: {  	_ =	shalt  }
0x4e: {  	_ =	shalt  }
0x4f: {  	_ =	shalt  }
0x50: {  	_ =	shalt  }
0x51: {  	_ =	shalt  }
0x52: {  	_ =	shalt  }
0x53: {  	_ =	shalt  }
0x54: {  	_ =	shalt  }
0x55: {  	_ =	shalt  }
0x56: {  	_ =	shalt  }
0x57: {  	_ =	shalt  }
0x58: {  	_ =	shalt  }
0x59: {  	_ =	shalt  }
0x5a: {  	_ =	shalt  }
0x5b: {  	_ =	shalt  }
0x5c: {  	_ =	shalt  }
0x5d: {  	_ =	shalt  }
0x5e: {  	_ =	shalt  }
0x5f: {  	_ =	shalt  }
0x60: {  	_ =	shalt  }
0x61: {  	_ =	shalt  }
0x62: {  	_ =	shalt  }
0x63: {  	_ =	shalt  }
0x64: {  	_ =	shalt  }
0x65: {  	_ =	shalt  }
0x66: {  	_ =	shalt  }
0x67: {  	_ =	shalt  }
0x68: {  	_ =	shalt  }
0x69: {  	_ =	shalt  }
0x6a: {  	_ =	shalt  }
0x6b: {  	_ =	shalt  }
0x6c: {  	_ =	shalt  }
0x6d: {  	_ =	shalt  }
0x6e: {  	_ =	shalt  }
0x6f: {  	_ =	shalt  }
0x70: {  	_ =	shalt  }
0x71: {  	_ =	shalt  }
0x72: {  	_ =	shalt  }
0x73: {  	_ =	shalt  }
0x74: {  	_ =	shalt  }
0x75: {  	_ =	shalt  }
0x76: {  	_ =	shalt  }
0x77: {  	_ =	shalt  }
0x78: {  	_ =	shalt  }
0x79: {  	_ =	shalt  }
0x7a: {  	_ =	shalt  }
0x7b: {  	_ =	shalt  }
0x7c: {  	_ =	shalt  }
0x7d: {  	_ =	shalt  }
0x7e: {  	_ =	shalt  }
0x7f: {  	_ =	shalt  }
0x80: {  	_ =	shalt  }
0x81: {  	_ =	shalt  }
0x82: {  	_ =	shalt  }
0x83: {  	_ =	shalt  }
0x84: {  	_ =	shalt  }
0x85: {  	_ =	shalt  }
0x86: {  	_ =	shalt  }
0x87: {  	_ =	shalt  }
.Lfunc_end0:
.L_simem_size_0:
called_computation.1_lowered:
.L_overlay_start_0:
0x88: {  	s2 =	sld [smem:$0x3FD9]  }
0x89: {  	s3 =	sld [smem:$0x3FFE];
	_ =	sdelay $0x1  }
0x8a: {  	s1 =	srdreg.scid  }
0x8b: {  	s0 =	sand.u32 $0x1, s1  }
0x8c: {  	s16 =	sshll.u32 s0, $0xA;
	s2 =	sadd.s32 s3, s2  }
0x8d: {  	s2 =	sadd.s32 s2, s16  }
0x8e: {  	[smem:$0x3FC2] =	sst s2  }
0x8f: {  	_ = 	snop  }
0x90: {  	(tm) =	ssettm $0x1  }
0x91: {  	s17 =	sld [smem:$0x3FFB];
	_ =	sdelay $0x3  }
0x92: {  	_ =	strace s17  }
0x93: {  	s2 =	sld [smem:$0x3FFC];
	_ =	sdelay $0x3  }
0x94: {  	_ =	strace s2  }
0x95: {  	s2 =	sld [smem:$0x3FFD];
	_ =	sdelay $0x3  }
0x96: {  	_ =	strace s2  }
0x97: {  	_ =	strace $0x8FFFFFFF  }
0x98: {  	s18 =	sld [smem:$0x3FDB];
	_ =	sdelay $0x1  }
0x99: {  	s19 =	simm.s32 $_scs_section_size  }
0x9a: {  	s4 =	simm.s32 $_size__tile_overlayer_lowered;
	s5 =	simm.s32 $_tile_overlayer_lowered  }
0x9b: {  	s22 =	simm.s32 $0x1BFF;
	s21 =	sshll.u32 s5, $0x1;
	s2 =	sadd.s32 s19, s18  }
0x9c: {  	s6 =	simm.s32 $0x0;
	s20 =	sshll.u32 s4, $0x1;
	s4 =	sadd.s32 s21, s2  }
0x9d: {  	[timem:s6], [sflag:s22] =	dma.local [hbm:s4], s20  }
0x9e: {  	_ =	swait.ge [sflag:s22], s20  }
0x9f: {  	s3 =	ssub.s32 $0x0, s20;
	[sflag:s22] =	ssyncset.done $0x0  }
0xa0: {  	[sflag:s22] =	ssyncadd.s32 s3;
	_ =	sdelay $0x1  }
0xa1: {  	s23 =	simm.s32 $0x1B8B  }
0xa2: {  	_ =	swait.ge [sflag:s23], $0x1  }
0xa3: {  	[sflag:s23] =	ssyncset.done $0x0  }
0xa4: {  	s25 =	simm.s32 $0x1B8E;
	s24 =	sld [smem:$0x3FFE];
	[sflag:s23] =	ssyncadd.s32 $0xFFFFFFFF  }
0xa5: {  	s26 =	simm.s32 $execute0_lowered;
	[smem:$0x3FD2] =	sst s25  }
0xa6: {  	s4 =	sshll.u32 s26, $0x1;
	_ =	strace $0x80000049;
	[dreg:$0x1] =	wrdreg $0xFFFFFFFF  }
0xa7: {  	s28 =	simm.s32 $_size_execute0_lowered;
	s2 =	sadd.s32 s2, s4;
	[dreg:$0x0] =	wrdreg $0x0  }
0xa8: {  	s4 =	sshll.u32 s28, $0x1;
	[dreg:$0x2] =	wrdreg s2  }
0xa9: {  	[dreg:$0x3] =	wrdreg s4  }
0xaa: {  	[dreg:$0x4] =	wrdreg $0xC0  }
0xab: {  	_ =	task [dreg:s6], $0x5FFFF  }
0xac: {  	[dreg:$0x1] =	wrdreg $0xFFFFFFFF  }
0xad: {  	[dreg:$0x0] =	wrdreg $0x60  }
0xae: {  	[dreg:$0x2] =	wrdreg s24  }
0xaf: {  	[dreg:$0x3] =	wrdreg $0x9  }
0xb0: {  	_ =	task.clear_ibuf [dreg:s6], $0x4FFFF;
	_ =	strace $0x90000049  }
0xb1: {  	s29 =	simm.s32 $0x9;
	_ =	strace $0x8000004B  }
0xb2: {  	_ =	swait.ge [sflag:s29], $0x1  }
0xb3: {  	[sflag:s29] =	ssyncadd.s32 $0xFFFFFFFF  }
0xb4: {  	_ =	strace $0x9000004B  }
0xb5: {  	_ =	sfence  }
0xb6: {  	s30 =	sld [smem:$0x0];
	_ =	sdelay $0x2  }
0xb7: {  	s31 =	sshll.u32 s1, $0xD;
	s1 =	sshrl.u32 s1, $0x2  }
0xb8: {  	s3 =	sand.u32 $0x4000, s31;
	s1 =	sadd.s32 s1, s30  }
0xb9: {  	s0 =	sor.u32 s3, s0;
	s1 =	sshll.u32 s1, $0x11  }
0xba: {  	s0 =	sor.u32 s1, s0  }
0xbb: {  	s0 =	sadd.s32 $0x8F2B, s0  }
0xbc: {  	[sflag:s0] =	ssyncadd.remote.s32 $0x1  }
0xbd: {  	_ =	sfence.sel $0xFFFF  }
0xbe: {  	[dreg:$0x0] =	wrdreg $0xFFFFFFFF;
	(pc) =	sbr.abs _section_cstart, $3  }
0xbf: {  	[dreg:$0x1] =	wrdreg $0xFFFFFFFF  }
0xc0: {  	_ =	task.clear_ibuf [dreg:s6], $0x2FFFF;
	_ =	strace $0x9FFFFFFF  }
0xc1: {  	(tm) =	ssettm $0x7FFFFFFF  }
tec
execute0_lowered:
.L_overlay_start_1:
0x0: {  	(tag) =	ssettag $0x1  }
0x1: {  	s0 =	rddreg [dreg:$0x0];
	s2 =	simm.s32 $0x0  }
0x2: {  	s1 =	srdreg.scid;
	s4 =	stileid.u32;
	s29 =	simm.s32 $0x2  }
0x3: {  	s28 =	simm.s32 $0xE200;
	[smem:$0x7FF] =	sst s2;
	s1 =	sand.u32 $0x1, s1  }
0x4: {  	s3 =	sadd.s32 $0x12800, s0;
	s4 =	sshll.u32 s4, $0x7;
	s6 =	sadd.s32 $0x12A00, s0  }
0x5: {  	s23 =	sadd.s32 $0x2800, s0;
	s5 =	sshll.u32 s1, $0x6;
	s1 =	ssub.s32 $0x2, s1  }
0x6: {  	s9 =	sadd.s32 $0xA800, s0;
	s4 =	sor.u32 s5, s4;
	s7 =	sshrl.u32 s1, $0x1  }
0x7: {  	_ =	strace $0x8000004A;
	s8 =	sshrl.u32 s4, $0x3;
	s1 =	ssub.s32 s1, s7  }
0x8: {  	s26 =	sshll.u32 s4, $0x4;
	s30 =	sor.u32 $0x10, s4;
	s11 =	sor.u32 $0x20, s4  }
0x9: {  	s17 =	sor.u32 $0x30, s4;
	s4 =	sshll.u32 s4, $0x7;
	s24 =	sadd.s32 s3, s8  }
0xa: {  	s25 =	sadd.s32 s6, s8;
	s10 =	sadd.s32 s23, s26;
	s7 =	sadd.s32 s9, s26  }
0xb: {  	s31 =	sshrl.u32 s30, $0x3;
	s13 =	sshll.u32 s30, $0x4;
	[dreg:$0x2] =	wrdreg s24  }
0xc: {  	s15 =	sshrl.u32 s11, $0x3;
	s18 =	sshll.u32 s11, $0x4;
	[dreg:$0x3] =	wrdreg s25  }
0xd: {  	s20 =	sshll.u32 s17, $0x4;
	s8 =	simm.s32 $0xCA00;
	[dreg:$0x4] =	wrdreg s10  }
0xe: {  	[dreg:$0x5] =	wrdreg s7;
	s12 =	sadd.s32 s3, s31;
	s7 =	sadd.s32 s6, s31  }
0xf: {  	s14 =	sadd.s32 s23, s13;
	s10 =	sadd.s32 s9, s13;
	[dreg:$0x6] =	wrdreg s12  }
0x10: {  	s16 =	sadd.s32 s3, s15;
	s21 =	sadd.s32 s23, s18;
	[dreg:$0x7] =	wrdreg s7  }
0x11: {  	s22 =	sadd.s32 s9, s18;
	s5 =	sadd.s32 s23, s20;
	[dreg:$0x8] =	wrdreg s14  }
0x12: {  	s23 =	sadd.s32 $0x92C00, s0;
	s24 =	sshll.u32 s30, $0x7;
	[dreg:$0x9] =	wrdreg s10  }
0x13: {  	s25 =	sshll.u32 s11, $0x7;
	s30 =	sshll.u32 s17, $0x7;
	[dreg:$0xa] =	wrdreg s16  }
0x14: {  	s31 =	smax.u32 s1, $0x1;
	s1 =	simm.s32 $0x200;
	[dreg:$0xe] =	wrdreg s21  }
0x15: {  	s11 =	simm.s32 $0xEA00;
	s13 =	simm.s32 $0xFA00;
	[dreg:$0xf] =	wrdreg s22  }
0x16: {  	s7 =	sadd.s32 s6, s15;
	s12 =	sshrl.u32 s17, $0x3;
	[dreg:$0x10] =	wrdreg s5  }
0x17: {  	s4 =	sadd.s32 s23, s4;
	s26 =	sadd.s32 s23, s25;
	s25 =	sadd.s32 $0x12E00, s0  }
0x18: {  	[dreg:$0x16] =	wrdreg s31;
	s21 =	simm.s32 $0x5A00;
	s5 =	simm.s32 $0x6A00  }
0x19: {  	s22 =	simm.s32 $0x7200;
	s10 =	simm.s32 $0xDA00;
	s14 =	simm.s32 $0x1  }
0x1a: {  	s15 =	simm.s32 $0x0;
	[dreg:$0xb] =	wrdreg s7;
	s3 =	sadd.s32 s3, s12  }
0x1b: {  	s19 =	sadd.s32 s6, s12;
	[dreg:$0x12] =	wrdreg s4;
	s4 =	sadd.s32 s23, s24  }
0x1c: {  	[dreg:$0x14] =	wrdreg s26;
	s24 =	sadd.s32 $0x12D00, s0;
	s26 =	sadd.s32 $0x12F00, s0  }
0x1d: {  	s6 =	simm.s32 $0x7A00;
	s7 =	simm.s32 $0xC200;
	[dreg:$0xc] =	wrdreg s3  }
0x1e: {  	s12 =	simm.s32 $0xF200;
	[dreg:$0xd] =	wrdreg s19;
	s3 =	sadd.s32 s9, s20  }
0x1f: {  	v2 =	vlaneseq.u32;
	[dreg:$0x13] =	wrdreg s4;
	s4 =	simm.s32 $0x6200;
	s9 =	simm.s32 $0xD200  }
0x20: {  	vm0 =	vmmov $0xffff;
	v1 =	vshrl.u32 v2, $0x3;
	[dreg:$0x11] =	wrdreg s3;
	s3 =	sadd.s32 s23, s30;
	s23 =	sadd.s32 $0x12C00, s0  }
0x21: {  	v0 =	vand.u32 $0x7, v2;
	v2 =	vor.u32 $0x8, v2;
	v1 =	vmul.u32 $0x8, v1;
	s0 =	simm.s32 $0x4200;
	[dreg:$0x15] =	wrdreg s3;
	s3 =	simm.s32 $0x5200  }
.LBB2_1:
0x22: {  	s16 =	rddreg [dreg:$0x2]  }
0x23: {  	[tilespmem:s2], [sflag:$0x2] =	stream.linear.gather [hbm4b:s16+s2], $0x10, $0x38;
	[tilespmem:$0x12200] =	vst v63  }
0x24: {  	_ =	swait.ge [sflag:s29], $0x10  }
0x25: {  	[sflag:s29] =	ssyncset.done $0x0  }
0x26: {  	s17 =	simm.s32 $0x100;
	s20 =	rddreg [dreg:$0x3];
	[sflag:s29] =	ssyncadd.s32 $0xFFFFFFF0  }
0x27: {  	[tilespmem:s17], [sflag:$0x2] =	stream.linear.gather [hbm4b:s20+s2], $0x10, $0x38;
	[tilespmem:$0x12200] =	vst v63  }
0x28: {  	_ =	swait.ge [sflag:s29], $0x10  }
0x29: {  	[sflag:s29] =	ssyncset.done $0x0  }
0x2a: {  	s31 =	simm.s32 $0x10200;
	s30 =	rddreg [dreg:$0x4];
	[sflag:s29] =	ssyncadd.s32 $0xFFFFFFF0  }
0x2b: {  	[tilespmem:s31], [sflag:$0x2] =	stream.linear.gather [hbm4b:s30+s2], $0x800, $0x38;
	[tilespmem:$0x12200] =	vst v63  }
0x2c: {  	_ =	swait.ge [sflag:s29], $0x800  }
0x2d: {  	[sflag:s29] =	ssyncset.done $0x0  }
0x2e: {  	s19 =	simm.s32 $0x11200;
	s18 =	rddreg [dreg:$0x5];
	[sflag:s29] =	ssyncadd.s32 $0xFFFFF800  }
0x2f: {  	[tilespmem:s19], [sflag:$0x2] =	stream.linear.gather [hbm4b:s18+s2], $0x800, $0x38;
	[tilespmem:$0x12200] =	vst v63  }
0x30: {  	_ =	swait.ge [sflag:s29], $0x800  }
0x31: {  	[sflag:s29] =	ssyncset.done $0x0  }
0x32: {  	[sflag:s29] =	ssyncadd.s32 $0xFFFFF800  }
0x33: {  	v3 =	vld [tilespmem:$0x0];
	_ =	sdelay $0x4  }
0x34: {  	v4 =	vshll.u32 v3, $0x3  }
0x35: {  	v3 =	vand.u32 $0x7, v3;
	v4 =	vand.u32 $0xFFFFFFC0, v4  }
0x36: {  	v3 =	vor.u32 v3, v4  }
0x37: {  	v4 =	vperm.xlane v3, v0;
	_ =	sdelay $0x1  }
0x38: {  	v4 =	vadd.s32 v1, v4;
	_ =	sdelay $0x4  }
0x39: {  	[tilespmem:s1], [sflag:$0x1] =	stream.indirect_vreg.gather [hbm4b:s23+s2], $0x80, v4, vm0, $0xb8;
	[tilespmem:$0x12200] =	vst v63  }
0x3a: {  	s20 =	simm.s32 $0xA00;
	v3 =	vperm.xlane v3, v2  }
0x3b: {  	[tilespmem:s20], [sflag:$0x1] =	stream.indirect_vreg.gather [hbm4b:s24+s2], $0x80, v4, vm0, $0xb8;
	[tilespmem:$0x12200] =	vst v63  }
0x3c: {  	s30 =	simm.s32 $0x1200;
	v3 =	vadd.s32 v1, v3  }
0x3d: {  	[tilespmem:s30], [sflag:$0x1] =	stream.indirect_vreg.gather [hbm4b:s25+s2], $0x80, v4, vm0, $0xb8;
	[tilespmem:$0x12200] =	vst v63  }
0x3e: {  	s31 =	simm.s32 $0x1A00  }
0x3f: {  	[tilespmem:s31], [sflag:$0x1] =	stream.indirect_vreg.gather [hbm4b:s26+s2], $0x80, v4, vm0, $0xb8;
	[tilespmem:$0x12200] =	vst v63  }
0x40: {  	s17 =	simm.s32 $0x2200  }
0x41: {  	[tilespmem:s17], [sflag:$0x1] =	stream.indirect_vreg.gather [hbm4b:s23+s2], $0x80, v3, vm0, $0xb8;
	[tilespmem:$0x12200] =	vst v63  }
0x42: {  	s18 =	simm.s32 $0x2A00  }
0x43: {  	[tilespmem:s18], [sflag:$0x1] =	stream.indirect_vreg.gather [hbm4b:s24+s2], $0x80, v3, vm0, $0xb8;
	[tilespmem:$0x12200] =	vst v63  }
0x44: {  	s19 =	simm.s32 $0x3200  }
0x45: {  	[tilespmem:s19], [sflag:$0x1] =	stream.indirect_vreg.gather [hbm4b:s25+s2], $0x80, v3, vm0, $0xb8;
	[tilespmem:$0x12200] =	vst v63  }
0x46: {  	s20 =	simm.s32 $0x3A00  }
0x47: {  	[tilespmem:s20], [sflag:$0x1] =	stream.indirect_vreg.gather [hbm4b:s26+s2], $0x80, v3, vm0, $0xb8;
	[tilespmem:$0x12200] =	vst v63  }
0x48: {  	v3 =	vld [tilespmem:$0x100];
	_ =	sdelay $0x4  }
0x49: {  	v4 =	vshll.u32 v3, $0x3  }
0x4a: {  	v3 =	vand.u32 $0x7, v3;
	v4 =	vand.u32 $0xFFFFFFC0, v4  }
0x4b: {  	v3 =	vor.u32 v3, v4  }
0x4c: {  	v4 =	vperm.xlane v3, v0;
	_ =	sdelay $0x1  }
0x4d: {  	v4 =	vadd.s32 v1, v4;
	_ =	sdelay $0x3  }
0x4e: {  	s30 =	simm.s32 $0x8200  }
0x4f: {  	[tilespmem:s30], [sflag:$0x1] =	stream.indirect_vreg.gather [hbm4b:s23+s2], $0x80, v4, vm0, $0xb8;
	[tilespmem:$0x12200] =	vst v63  }
0x50: {  	s31 =	simm.s32 $0x8A00;
	v3 =	vperm.xlane v3, v2  }
0x51: {  	[tilespmem:s31], [sflag:$0x1] =	stream.indirect_vreg.gather [hbm4b:s24+s2], $0x80, v4, vm0, $0xb8;
	[tilespmem:$0x12200] =	vst v63  }
0x52: {  	s17 =	simm.s32 $0x9200;
	v3 =	vadd.s32 v1, v3  }
0x53: {  	[tilespmem:s17], [sflag:$0x1] =	stream.indirect_vreg.gather [hbm4b:s25+s2], $0x80, v4, vm0, $0xb8;
	[tilespmem:$0x12200] =	vst v63  }
0x54: {  	s18 =	simm.s32 $0x9A00  }
0x55: {  	[tilespmem:s18], [sflag:$0x1] =	stream.indirect_vreg.gather [hbm4b:s26+s2], $0x80, v4, vm0, $0xb8;
	[tilespmem:$0x12200] =	vst v63  }
0x56: {  	s19 =	simm.s32 $0xA200  }
0x57: {  	[tilespmem:s19], [sflag:$0x1] =	stream.indirect_vreg.gather [hbm4b:s23+s2], $0x80, v3, vm0, $0xb8;
	[tilespmem:$0x12200] =	vst v63  }
0x58: {  	s20 =	simm.s32 $0xAA00  }
0x59: {  	[tilespmem:s20], [sflag:$0x1] =	stream.indirect_vreg.gather [hbm4b:s24+s2], $0x80, v3, vm0, $0xb8;
	[tilespmem:$0x12200] =	vst v63  }
0x5a: {  	s30 =	simm.s32 $0xB200  }
0x5b: {  	[tilespmem:s30], [sflag:$0x1] =	stream.indirect_vreg.gather [hbm4b:s25+s2], $0x80, v3, vm0, $0xb8;
	[tilespmem:$0x12200] =	vst v63  }
0x5c: {  	s31 =	simm.s32 $0xBA00  }
0x5d: {  	[tilespmem:s31], [sflag:$0x1] =	stream.indirect_vreg.gather [hbm4b:s26+s2], $0x80, v3, vm0, $0xb8;
	[tilespmem:$0x12200] =	vst v63  }
0x5e: {  	s17 =	rddreg [dreg:$0x6];
	s18 =	simm.s32 $0x80  }
0x5f: {  	[tilespmem:s18], [sflag:$0x2] =	stream.linear.gather [hbm4b:s17+s2], $0x10, $0x38;
	[tilespmem:$0x12200] =	vst v63  }
0x60: {  	_ =	swait.ge [sflag:s29], $0x10  }
0x61: {  	[sflag:s29] =	ssyncset.done $0x0  }
0x62: {  	s20 =	simm.s32 $0x180;
	s19 =	rddreg [dreg:$0x7];
	[sflag:s29] =	ssyncadd.s32 $0xFFFFFFF0  }
0x63: {  	[tilespmem:s20], [sflag:$0x2] =	stream.linear.gather [hbm4b:s19+s2], $0x10, $0x38;
	[tilespmem:$0x12200] =	vst v63  }
0x64: {  	_ =	swait.ge [sflag:s29], $0x10  }
0x65: {  	[sflag:s29] =	ssyncset.done $0x0  }
0x66: {  	s31 =	simm.s32 $0x10A00;
	s30 =	rddreg [dreg:$0x8];
	[sflag:s29] =	ssyncadd.s32 $0xFFFFFFF0  }
0x67: {  	[tilespmem:s31], [sflag:$0x2] =	stream.linear.gather [hbm4b:s30+s2], $0x800, $0x38;
	[tilespmem:$0x12200] =	vst v63  }
0x68: {  	_ =	swait.ge [sflag:s29], $0x800  }
0x69: {  	[sflag:s29] =	ssyncset.done $0x0  }
0x6a: {  	s18 =	simm.s32 $0x11A00;
	s17 =	rddreg [dreg:$0x9];
	[sflag:s29] =	ssyncadd.s32 $0xFFFFF800  }
0x6b: {  	[tilespmem:s18], [sflag:$0x2] =	stream.linear.gather [hbm4b:s17+s2], $0x800, $0x38;
	[tilespmem:$0x12200] =	vst v63  }
0x6c: {  	_ =	swait.ge [sflag:s29], $0x800  }
0x6d: {  	[sflag:s29] =	ssyncset.done $0x0  }
0x6e: {  	[sflag:s29] =	ssyncadd.s32 $0xFFFFF800  }
0x6f: {  	v3 =	vld [tilespmem:$0x80];
	_ =	sdelay $0x4  }
0x70: {  	v4 =	vshll.u32 v3, $0x3  }
0x71: {  	v3 =	vand.u32 $0x7, v3;
	v4 =	vand.u32 $0xFFFFFFC0, v4  }
0x72: {  	v3 =	vor.u32 v3, v4  }
0x73: {  	v4 =	vperm.xlane v3, v0;
	_ =	sdelay $0x1  }
0x74: {  	v4 =	vadd.s32 v1, v4;
	_ =	sdelay $0x4  }
0x75: {  	[tilespmem:s0], [sflag:$0x1] =	stream.indirect_vreg.gather [hbm4b:s23+s2], $0x80, v4, vm0, $0xb8;
	[tilespmem:$0x12200] =	vst v63  }
0x76: {  	s19 =	simm.s32 $0x4A00;
	v3 =	vperm.xlane v3, v2  }
0x77: {  	[tilespmem:s19], [sflag:$0x1] =	stream.indirect_vreg.gather [hbm4b:s24+s2], $0x80, v4, vm0, $0xb8;
	[tilespmem:$0x12200] =	vst v63  }
0x78: {  	v3 =	vadd.s32 v1, v3  }
0x79: {  	[tilespmem:s3], [sflag:$0x1] =	stream.indirect_vreg.gather [hbm4b:s25+s2], $0x80, v4, vm0, $0xb8;
	[tilespmem:$0x12200] =	vst v63  }
0x7a: {  	_ = 	snop  }
0x7b: {  	[tilespmem:s21], [sflag:$0x1] =	stream.indirect_vreg.gather [hbm4b:s26+s2], $0x80, v4, vm0, $0xb8;
	[tilespmem:$0x12200] =	vst v63  }
0x7c: {  	_ = 	snop  }
0x7d: {  	[tilespmem:s4], [sflag:$0x1] =	stream.indirect_vreg.gather [hbm4b:s23+s2], $0x80, v3, vm0, $0xb8;
	[tilespmem:$0x12200] =	vst v63  }
0x7e: {  	_ = 	snop  }
0x7f: {  	[tilespmem:s5], [sflag:$0x1] =	stream.indirect_vreg.gather [hbm4b:s24+s2], $0x80, v3, vm0, $0xb8;
	[tilespmem:$0x12200] =	vst v63  }
0x80: {  	_ = 	snop  }
0x81: {  	[tilespmem:s22], [sflag:$0x1] =	stream.indirect_vreg.gather [hbm4b:s25+s2], $0x80, v3, vm0, $0xb8;
	[tilespmem:$0x12200] =	vst v63  }
0x82: {  	_ = 	snop  }
0x83: {  	[tilespmem:s6], [sflag:$0x1] =	stream.indirect_vreg.gather [hbm4b:s26+s2], $0x80, v3, vm0, $0xb8;
	[tilespmem:$0x12200] =	vst v63  }
0x84: {  	v3 =	vld [tilespmem:$0x180];
	_ =	sdelay $0x4  }
0x85: {  	v4 =	vshll.u32 v3, $0x3  }
0x86: {  	v3 =	vand.u32 $0x7, v3;
	v4 =	vand.u32 $0xFFFFFFC0, v4  }
0x87: {  	v3 =	vor.u32 v3, v4  }
0x88: {  	v4 =	vperm.xlane v3, v0;
	_ =	sdelay $0x1  }
0x89: {  	v4 =	vadd.s32 v1, v4;
	_ =	sdelay $0x4  }
0x8a: {  	[tilespmem:s7], [sflag:$0x1] =	stream.indirect_vreg.gather [hbm4b:s23+s2], $0x80, v4, vm0, $0xb8;
	[tilespmem:$0x12200] =	vst v63  }
0x8b: {  	v3 =	vperm.xlane v3, v2  }
0x8c: {  	[tilespmem:s8], [sflag:$0x1] =	stream.indirect_vreg.gather [hbm4b:s24+s2], $0x80, v4, vm0, $0xb8;
	[tilespmem:$0x12200] =	vst v63  }
0x8d: {  	v3 =	vadd.s32 v1, v3  }
0x8e: {  	[tilespmem:s9], [sflag:$0x1] =	stream.indirect_vreg.gather [hbm4b:s25+s2], $0x80, v4, vm0, $0xb8;
	[tilespmem:$0x12200] =	vst v63  }
0x8f: {  	_ = 	snop  }
0x90: {  	[tilespmem:s10], [sflag:$0x1] =	stream.indirect_vreg.gather [hbm4b:s26+s2], $0x80, v4, vm0, $0xb8;
	[tilespmem:$0x12200] =	vst v63  }
0x91: {  	_ = 	snop  }
0x92: {  	[tilespmem:s28], [sflag:$0x1] =	stream.indirect_vreg.gather [hbm4b:s23+s2], $0x80, v3, vm0, $0xb8;
	[tilespmem:$0x12200] =	vst v63  }
0x93: {  	_ = 	snop  }
0x94: {  	[tilespmem:s11], [sflag:$0x1] =	stream.indirect_vreg.gather [hbm4b:s24+s2], $0x80, v3, vm0, $0xb8;
	[tilespmem:$0x12200] =	vst v63  }
0x95: {  	_ = 	snop  }
0x96: {  	[tilespmem:s12], [sflag:$0x1] =	stream.indirect_vreg.gather [hbm4b:s25+s2], $0x80, v3, vm0, $0xb8;
	[tilespmem:$0x12200] =	vst v63  }
0x97: {  	_ = 	snop  }
0x98: {  	[tilespmem:s13], [sflag:$0x1] =	stream.indirect_vreg.gather [hbm4b:s26+s2], $0x80, v3, vm0, $0xb8;
	[tilespmem:$0x12200] =	vst v63  }
0x99: {  	_ =	swait.ge [sflag:s14], $0x4000  }
0x9a: {  	[sflag:s14] =	ssyncset.done $0x0  }
0x9b: {  	[sflag:s14] =	ssyncadd.s32 $0xFFFFC000  }
0x9c: {  	s20 =	simm.s32 $0x0;
	_ =	swait.ge [sflag:s14], $0x4000  }
0x9d: {  	s31 =	simm.s32 $0x0;
	s30 =	sand.u32 $0x1C00, s2;
	[sflag:s14] =	ssyncset.done $0x0  }
0x9e: {  	s18 =	sand.u32 $0xFFFFFF80, s20;
	s17 =	sand.u32 $0x2000, s31;
	[sflag:s14] =	ssyncadd.s32 $0xFFFFC000  }
0x9f: {  	s16 =	sand.u32 $0x380, s20;
	s17 =	sor.u32 s30, s17;
	v3 =	vld [tilespmem:s18+$0x10200]  }
0xa0: {  	s16 =	sor.u32 s16, s17;
	v4 =	vld [tilespmem:s18+$0x11200]  }
0xa1: {  	v5 =	vld [tilespmem:s16+$0x270]  }
0xa2: {  	v6 =	vld [tilespmem:s16+$0x8270]  }
0xa3: {  	v7 =	vld [tilespmem:s16+$0x200]  }
0xa4: {  	v8 =	vld [tilespmem:s16+$0x8200]  }
0xa5: {  	v10 =	vld [tilespmem:s16+$0x210]  }
0xa6: {  	v11 =	vld [tilespmem:s16+$0x8210]  }
0xa7: {  	v12 =	vld [tilespmem:s16+$0x220]  }
0xa8: {  	v13 =	vld [tilespmem:s16+$0x8220];
	v5 =	vmul.f32 v5, v3;
	v6 =	vmul.f32 v6, v4  }
0xa9: {  	v9 =	vld [tilespmem:s16+$0x230];
	v7 =	vmul.f32 v7, v3;
	v14 =	vmul.f32 v8, v4  }
0xaa: {  	v8 =	vld [tilespmem:s16+$0x8230];
	v5 =	vadd.f32 v6, v5  }
0xab: {  	v15 =	vmul.f32 v10, v3;
	v11 =	vmul.f32 v11, v4;
	v7 =	vadd.f32 v14, v7;
	v6 =	vld [tilespmem:s16+$0x240]  }
0xac: {  	[tilespmem:s16+$0x270] =	vst v5;
	v5 =	vld [tilespmem:s16+$0x8240]  }
0xad: {  	s17 =	simm.s32 $0x0;
	s18 =	simm.s32 $0x0;
	v10 =	vmul.f32 v12, v3;
	v12 =	vmul.f32 v13, v4;
	v11 =	vadd.f32 v11, v15;
	[tilespmem:s16+$0x200] =	vst v7;
	v7 =	vld [tilespmem:s16+$0x250]  }
.LBB2_2:
0xae: {  	s17 =	sadd.s32 $0x8, s17;
	v9 =	vmul.f32 v9, v3;
	v13 =	vld [tilespmem:s16+$0x8250]  }
0xaf: {  	s18 =	sadd.s32 $0x400, s18;
	s30 =	sshll.u32 s17, $0x1;
	s19 =	sshll.u32 s17, $0x4;
	[tilespmem:s16+$0x210] =	vst v11;
	v10 =	vadd.f32 v12, v10;
	v8 =	vmul.f32 v8, v4;
	v11 =	vld [tilespmem:s16+$0x260]  }
0xb0: {  	s20 =	sand.u32 $0x1C00, s18;
	s31 =	sand.u32 $0xFFFFFF80, s30;
	s19 =	sand.u32 $0x2000, s19;
	v6 =	vmul.f32 v6, v3;
	v12 =	vld [tilespmem:s16+$0x8260]  }
0xb1: {  	p0 =	slt.u32 s17, $0x3F8;
	v14 =	vld [tilespmem:s31+$0x10200];
	s19 =	sor.u32 s20, s19;
	s20 =	sand.u32 $0x380, s30;
	[tilespmem:s16+$0x220] =	vst v10;
	v8 =	vadd.f32 v8, v9;
	v5 =	vmul.f32 v5, v4  }
0xb2: {  	v9 =	vld [tilespmem:s31+$0x11200];
	s19 =	sor.u32 s20, s19;
	v7 =	vmul.f32 v7, v3  }
0xb3: {  	v10 =	vld [tilespmem:s19+$0x270];
	[tilespmem:s16+$0x230] =	vst v8;
	v5 =	vadd.f32 v5, v6;
	v6 =	vmul.f32 v13, v4  }
0xb4: {  	v8 =	vld [tilespmem:s19+$0x8270];
	v11 =	vmul.f32 v11, v3  }
0xb5: {  	v13 =	vld [tilespmem:s19+$0x200];
	[tilespmem:s16+$0x240] =	vst v5;
	v5 =	vadd.f32 v6, v7;
	v12 =	vmul.f32 v12, v4  }
0xb6: {  	v6 =	vld [tilespmem:s19+$0x8200];
	v3 =	vmov v14  }
0xb7: {  	v7 =	vld [tilespmem:s19+$0x210];
	[tilespmem:s16+$0x250] =	vst v5;
	v5 =	vadd.f32 v12, v11;
	v4 =	vmov v9  }
0xb8: {  	v11 =	vld [tilespmem:s19+$0x8210]  }
0xb9: {  	v10 =	vmul.f32 v10, v3;
	v12 =	vld [tilespmem:s19+$0x220];
	v8 =	vmul.f32 v8, v4;
	[tilespmem:s16+$0x260] =	vst v5;
	s16 =	smov.u32 s19  }
0xba: {  	v5 =	vmul.f32 v13, v3;
	v13 =	vld [tilespmem:s16+$0x8220]  }
.Ltmp0:
0xbb: {  	v6 =	vmul.f32 v6, v4;
	v9 =	vld [tilespmem:s16+$0x230];
	v10 =	vadd.f32 v8, v10;
	(pc) =	sbr.rel @p0 .LBB2_2-.Ltmp0, $4  }
0xbc: {  	v7 =	vmul.f32 v7, v3;
	v8 =	vld [tilespmem:s16+$0x8230]  }
0xbd: {  	v14 =	vadd.f32 v6, v5;
	v11 =	vmul.f32 v11, v4;
	v6 =	vld [tilespmem:s16+$0x240];
	[tilespmem:s16+$0x270] =	vst v10  }
0xbe: {  	v10 =	vmul.f32 v12, v3;
	v5 =	vld [tilespmem:s16+$0x8240]  }
0xbf: {  	[tilespmem:s16+$0x200] =	vst v14;
	v11 =	vadd.f32 v11, v7;
	v12 =	vmul.f32 v13, v4;
	v7 =	vld [tilespmem:s16+$0x250]  }
0xc0: {  	v13 =	vld [tilespmem:s16+$0x8250]  }
0xc1: {  	v14 =	vld [tilespmem:s16+$0x260]  }
0xc2: {  	v15 =	vld [tilespmem:s16+$0x8260];
	_ =	sdelay $0x1  }
0xc3: {  	v9 =	vmul.f32 v9, v3;
	v8 =	vmul.f32 v8, v4  }
0xc4: {  	v10 =	vadd.f32 v12, v10;
	v6 =	vmul.f32 v6, v3;
	v5 =	vmul.f32 v5, v4  }
0xc5: {  	[tilespmem:s16+$0x210] =	vst v11;
	v8 =	vadd.f32 v8, v9;
	v7 =	vmul.f32 v7, v3;
	v9 =	vmul.f32 v13, v4  }
0xc6: {  	[tilespmem:s16+$0x220] =	vst v10;
	v5 =	vadd.f32 v5, v6;
	v3 =	vmul.f32 v14, v3;
	v4 =	vmul.f32 v15, v4  }
0xc7: {  	[tilespmem:s16+$0x230] =	vst v8;
	v6 =	vadd.f32 v9, v7  }
0xc8: {  	[tilespmem:s16+$0x240] =	vst v5;
	v3 =	vadd.f32 v4, v3  }
0xc9: {  	[tilespmem:s16+$0x250] =	vst v6  }
0xca: {  	[tilespmem:s16+$0x260] =	vst v3  }
0xcb: {  	s16 =	simm.s32 $0x0;
	s17 =	rddreg [dreg:$0x12]  }
0xcc: {  	[hbm4b:s17+s16] =	stream.linear.scatter [tilespmem:s1], [sflag:$0x2], $0x4000, $0x38;
	[tilespmem:$0x12200] =	vst v63  }
0xcd: {  	_ =	swait.ge [sflag:s29], $0x4000  }
0xce: {  	[sflag:s29] =	ssyncset.done $0x0  }
0xcf: {  	s19 =	rddreg [dreg:$0xa];
	[sflag:s29] =	ssyncadd.s32 $0xFFFFC000  }
0xd0: {  	[tilespmem:s16], [sflag:$0x2] =	stream.linear.gather [hbm4b:s19+s16], $0x10, $0x38;
	[tilespmem:$0x12200] =	vst v63  }
0xd1: {  	_ =	swait.ge [sflag:s29], $0x10  }
0xd2: {  	[sflag:s29] =	ssyncset.done $0x0  }
0xd3: {  	s18 =	simm.s32 $0x100;
	s20 =	rddreg [dreg:$0xb];
	[sflag:s29] =	ssyncadd.s32 $0xFFFFFFF0  }
0xd4: {  	[tilespmem:s18], [sflag:$0x2] =	stream.linear.gather [hbm4b:s20+s16], $0x10, $0x38;
	[tilespmem:$0x12200] =	vst v63  }
0xd5: {  	_ =	swait.ge [sflag:s29], $0x10  }
0xd6: {  	[sflag:s29] =	ssyncset.done $0x0  }
0xd7: {  	s31 =	simm.s32 $0x10200;
	s30 =	rddreg [dreg:$0xe];
	[sflag:s29] =	ssyncadd.s32 $0xFFFFFFF0  }
0xd8: {  	[tilespmem:s31], [sflag:$0x2] =	stream.linear.gather [hbm4b:s30+s16], $0x800, $0x38;
	[tilespmem:$0x12200] =	vst v63  }
0xd9: {  	_ =	swait.ge [sflag:s29], $0x800  }
0xda: {  	[sflag:s29] =	ssyncset.done $0x0  }
0xdb: {  	s20 =	simm.s32 $0x11200;
	s19 =	rddreg [dreg:$0xf];
	[sflag:s29] =	ssyncadd.s32 $0xFFFFF800  }
0xdc: {  	[tilespmem:s20], [sflag:$0x2] =	stream.linear.gather [hbm4b:s19+s16], $0x800, $0x38;
	[tilespmem:$0x12200] =	vst v63  }
0xdd: {  	_ =	swait.ge [sflag:s29], $0x800  }
0xde: {  	[sflag:s29] =	ssyncset.done $0x0  }
0xdf: {  	[sflag:s29] =	ssyncadd.s32 $0xFFFFF800  }
0xe0: {  	v3 =	vld [tilespmem:$0x0];
	_ =	sdelay $0x4  }
0xe1: {  	v4 =	vshll.u32 v3, $0x3  }
0xe2: {  	v3 =	vand.u32 $0x7, v3;
	v4 =	vand.u32 $0xFFFFFFC0, v4  }
0xe3: {  	v3 =	vor.u32 v3, v4  }
0xe4: {  	v4 =	vperm.xlane v3, v0;
	_ =	sdelay $0x1  }
0xe5: {  	v4 =	vadd.s32 v1, v4;
	_ =	sdelay $0x4  }
0xe6: {  	[tilespmem:s1], [sflag:$0x1] =	stream.indirect_vreg.gather [hbm4b:s23+s16], $0x80, v4, vm0, $0xb8;
	[tilespmem:$0x12200] =	vst v63  }
0xe7: {  	s30 =	simm.s32 $0xA00;
	v3 =	vperm.xlane v3, v2  }
0xe8: {  	[tilespmem:s30], [sflag:$0x1] =	stream.indirect_vreg.gather [hbm4b:s24+s16], $0x80, v4, vm0, $0xb8;
	[tilespmem:$0x12200] =	vst v63  }
0xe9: {  	s31 =	simm.s32 $0x1200;
	v3 =	vadd.s32 v1, v3  }
0xea: {  	[tilespmem:s31], [sflag:$0x1] =	stream.indirect_vreg.gather [hbm4b:s25+s16], $0x80, v4, vm0, $0xb8;
	[tilespmem:$0x12200] =	vst v63  }
0xeb: {  	s18 =	simm.s32 $0x1A00  }
0xec: {  	[tilespmem:s18], [sflag:$0x1] =	stream.indirect_vreg.gather [hbm4b:s26+s16], $0x80, v4, vm0, $0xb8;
	[tilespmem:$0x12200] =	vst v63  }
0xed: {  	s19 =	simm.s32 $0x2200  }
0xee: {  	[tilespmem:s19], [sflag:$0x1] =	stream.indirect_vreg.gather [hbm4b:s23+s16], $0x80, v3, vm0, $0xb8;
	[tilespmem:$0x12200] =	vst v63  }
0xef: {  	s20 =	simm.s32 $0x2A00  }
0xf0: {  	[tilespmem:s20], [sflag:$0x1] =	stream.indirect_vreg.gather [hbm4b:s24+s16], $0x80, v3, vm0, $0xb8;
	[tilespmem:$0x12200] =	vst v63  }
0xf1: {  	s30 =	simm.s32 $0x3200  }
0xf2: {  	[tilespmem:s30], [sflag:$0x1] =	stream.indirect_vreg.gather [hbm4b:s25+s16], $0x80, v3, vm0, $0xb8;
	[tilespmem:$0x12200] =	vst v63  }
0xf3: {  	s31 =	simm.s32 $0x3A00  }
0xf4: {  	[tilespmem:s31], [sflag:$0x1] =	stream.indirect_vreg.gather [hbm4b:s26+s16], $0x80, v3, vm0, $0xb8;
	[tilespmem:$0x12200] =	vst v63  }
0xf5: {  	v3 =	vld [tilespmem:$0x100];
	_ =	sdelay $0x4  }
0xf6: {  	v4 =	vshll.u32 v3, $0x3  }
0xf7: {  	v3 =	vand.u32 $0x7, v3;
	v4 =	vand.u32 $0xFFFFFFC0, v4  }
0xf8: {  	v3 =	vor.u32 v3, v4  }
0xf9: {  	v4 =	vperm.xlane v3, v0;
	_ =	sdelay $0x1  }
0xfa: {  	v4 =	vadd.s32 v1, v4;
	_ =	sdelay $0x3  }
0xfb: {  	s18 =	simm.s32 $0x8200  }
0xfc: {  	[tilespmem:s18], [sflag:$0x1] =	stream.indirect_vreg.gather [hbm4b:s23+s16], $0x80, v4, vm0, $0xb8;
	[tilespmem:$0x12200] =	vst v63  }
0xfd: {  	s19 =	simm.s32 $0x8A00;
	v3 =	vperm.xlane v3, v2  }
0xfe: {  	[tilespmem:s19], [sflag:$0x1] =	stream.indirect_vreg.gather [hbm4b:s24+s16], $0x80, v4, vm0, $0xb8;
	[tilespmem:$0x12200] =	vst v63  }
0xff: {  	s20 =	simm.s32 $0x9200;
	v3 =	vadd.s32 v1, v3  }
0x100: {  	[tilespmem:s20], [sflag:$0x1] =	stream.indirect_vreg.gather [hbm4b:s25+s16], $0x80, v4, vm0, $0xb8;
	[tilespmem:$0x12200] =	vst v63  }
0x101: {  	s30 =	simm.s32 $0x9A00  }
0x102: {  	[tilespmem:s30], [sflag:$0x1] =	stream.indirect_vreg.gather [hbm4b:s26+s16], $0x80, v4, vm0, $0xb8;
	[tilespmem:$0x12200] =	vst v63  }
0x103: {  	s31 =	simm.s32 $0xA200  }
0x104: {  	[tilespmem:s31], [sflag:$0x1] =	stream.indirect_vreg.gather [hbm4b:s23+s16], $0x80, v3, vm0, $0xb8;
	[tilespmem:$0x12200] =	vst v63  }
0x105: {  	s18 =	simm.s32 $0xAA00  }
0x106: {  	[tilespmem:s18], [sflag:$0x1] =	stream.indirect_vreg.gather [hbm4b:s24+s16], $0x80, v3, vm0, $0xb8;
	[tilespmem:$0x12200] =	vst v63  }
0x107: {  	s19 =	simm.s32 $0xB200  }
0x108: {  	[tilespmem:s19], [sflag:$0x1] =	stream.indirect_vreg.gather [hbm4b:s25+s16], $0x80, v3, vm0, $0xb8;
	[tilespmem:$0x12200] =	vst v63  }
0x109: {  	s20 =	simm.s32 $0xBA00  }
0x10a: {  	[tilespmem:s20], [sflag:$0x1] =	stream.indirect_vreg.gather [hbm4b:s26+s16], $0x80, v3, vm0, $0xb8;
	[tilespmem:$0x12200] =	vst v63  }
0x10b: {  	_ =	swait.ge [sflag:s14], $0x4000  }
0x10c: {  	[sflag:s14] =	ssyncset.done $0x0  }
0x10d: {  	[sflag:s14] =	ssyncadd.s32 $0xFFFFC000  }
0x10e: {  	s31 =	simm.s32 $0x0;
	_ =	swait.ge [sflag:s14], $0x4000  }
0x10f: {  	s30 =	simm.s32 $0x0;
	s18 =	sand.u32 $0x2000, s31;
	[sflag:s14] =	ssyncset.done $0x0  }
0x110: {  	s19 =	sand.u32 $0xFFFFFF80, s30;
	s20 =	sand.u32 $0x1C00, s16;
	[sflag:s14] =	ssyncadd.s32 $0xFFFFC000  }
0x111: {  	s17 =	sand.u32 $0x380, s30;
	s18 =	sor.u32 s20, s18;
	v3 =	vld [tilespmem:s19+$0x10A00]  }
0x112: {  	s17 =	sor.u32 s17, s18;
	v4 =	vld [tilespmem:s19+$0x11A00]  }
0x113: {  	v5 =	vld [tilespmem:s17+$0x4270]  }
0x114: {  	v6 =	vld [tilespmem:s17+$0xC270]  }
0x115: {  	v7 =	vld [tilespmem:s17+$0x4200]  }
0x116: {  	v8 =	vld [tilespmem:s17+$0xC200]  }
0x117: {  	v10 =	vld [tilespmem:s17+$0x4210]  }
0x118: {  	v11 =	vld [tilespmem:s17+$0xC210]  }
0x119: {  	v12 =	vld [tilespmem:s17+$0x4220]  }
0x11a: {  	v13 =	vld [tilespmem:s17+$0xC220];
	v5 =	vmul.f32 v5, v3;
	v6 =	vmul.f32 v6, v4  }
0x11b: {  	v9 =	vld [tilespmem:s17+$0x4230];
	v7 =	vmul.f32 v7, v3;
	v14 =	vmul.f32 v8, v4  }
0x11c: {  	v8 =	vld [tilespmem:s17+$0xC230];
	v5 =	vadd.f32 v6, v5  }
0x11d: {  	v15 =	vmul.f32 v10, v3;
	v11 =	vmul.f32 v11, v4;
	v7 =	vadd.f32 v14, v7;
	v6 =	vld [tilespmem:s17+$0x4240]  }
0x11e: {  	[tilespmem:s17+$0x4270] =	vst v5;
	v5 =	vld [tilespmem:s17+$0xC240]  }
0x11f: {  	s18 =	simm.s32 $0x0;
	v10 =	vmul.f32 v12, v3;
	v12 =	vmul.f32 v13, v4;
	v11 =	vadd.f32 v11, v15;
	[tilespmem:s17+$0x4200] =	vst v7;
	v7 =	vld [tilespmem:s17+$0x4250]  }
.LBB2_4:
0x120: {  	s18 =	sadd.s32 $0x8, s18;
	v9 =	vmul.f32 v9, v3;
	v13 =	vld [tilespmem:s17+$0xC250]  }
0x121: {  	s16 =	sadd.s32 $0x400, s16;
	s19 =	sshll.u32 s18, $0x1;
	s20 =	sshll.u32 s18, $0x4;
	[tilespmem:s17+$0x4210] =	vst v11;
	v10 =	vadd.f32 v12, v10;
	v8 =	vmul.f32 v8, v4;
	v11 =	vld [tilespmem:s17+$0x4260]  }
0x122: {  	s31 =	sand.u32 $0x1C00, s16;
	s30 =	sand.u32 $0xFFFFFF80, s19;
	s20 =	sand.u32 $0x2000, s20;
	v6 =	vmul.f32 v6, v3;
	v12 =	vld [tilespmem:s17+$0xC260]  }
0x123: {  	p0 =	slt.u32 s18, $0x3F8;
	s19 =	sand.u32 $0x380, s19;
	v14 =	vld [tilespmem:s30+$0x10A00];
	s20 =	sor.u32 s31, s20;
	[tilespmem:s17+$0x4220] =	vst v10;
	v8 =	vadd.f32 v8, v9;
	v5 =	vmul.f32 v5, v4  }
0x124: {  	v9 =	vld [tilespmem:s30+$0x11A00];
	s19 =	sor.u32 s19, s20;
	v7 =	vmul.f32 v7, v3  }
0x125: {  	v10 =	vld [tilespmem:s19+$0x4270];
	[tilespmem:s17+$0x4230] =	vst v8;
	v5 =	vadd.f32 v5, v6;
	v6 =	vmul.f32 v13, v4  }
0x126: {  	v8 =	vld [tilespmem:s19+$0xC270];
	v11 =	vmul.f32 v11, v3  }
0x127: {  	v13 =	vld [tilespmem:s19+$0x4200];
	[tilespmem:s17+$0x4240] =	vst v5;
	v5 =	vadd.f32 v6, v7;
	v12 =	vmul.f32 v12, v4  }
0x128: {  	v6 =	vld [tilespmem:s19+$0xC200];
	v3 =	vmov v14  }
0x129: {  	v7 =	vld [tilespmem:s19+$0x4210];
	[tilespmem:s17+$0x4250] =	vst v5;
	v5 =	vadd.f32 v12, v11;
	v4 =	vmov v9  }
0x12a: {  	v11 =	vld [tilespmem:s19+$0xC210]  }
0x12b: {  	v10 =	vmul.f32 v10, v3;
	v12 =	vld [tilespmem:s19+$0x4220];
	v8 =	vmul.f32 v8, v4;
	[tilespmem:s17+$0x4260] =	vst v5;
	s17 =	smov.u32 s19  }
0x12c: {  	v5 =	vmul.f32 v13, v3;
	v13 =	vld [tilespmem:s17+$0xC220]  }
.Ltmp1:
0x12d: {  	v6 =	vmul.f32 v6, v4;
	v9 =	vld [tilespmem:s17+$0x4230];
	v10 =	vadd.f32 v8, v10;
	(pc) =	sbr.rel @p0 .LBB2_4-.Ltmp1, $4  }
0x12e: {  	v7 =	vmul.f32 v7, v3;
	v8 =	vld [tilespmem:s17+$0xC230]  }
0x12f: {  	v14 =	vadd.f32 v6, v5;
	v11 =	vmul.f32 v11, v4;
	v6 =	vld [tilespmem:s17+$0x4240];
	[tilespmem:s17+$0x4270] =	vst v10  }
0x130: {  	v10 =	vmul.f32 v12, v3;
	v5 =	vld [tilespmem:s17+$0xC240]  }
0x131: {  	[tilespmem:s17+$0x4200] =	vst v14;
	v11 =	vadd.f32 v11, v7;
	v12 =	vmul.f32 v13, v4;
	v7 =	vld [tilespmem:s17+$0x4250]  }
0x132: {  	v13 =	vld [tilespmem:s17+$0xC250]  }
0x133: {  	v14 =	vld [tilespmem:s17+$0x4260]  }
0x134: {  	v15 =	vld [tilespmem:s17+$0xC260];
	_ =	sdelay $0x1  }
0x135: {  	v9 =	vmul.f32 v9, v3;
	v8 =	vmul.f32 v8, v4  }
0x136: {  	v10 =	vadd.f32 v12, v10;
	v6 =	vmul.f32 v6, v3;
	v5 =	vmul.f32 v5, v4  }
0x137: {  	[tilespmem:s17+$0x4210] =	vst v11;
	v8 =	vadd.f32 v8, v9;
	v7 =	vmul.f32 v7, v3;
	v9 =	vmul.f32 v13, v4  }
0x138: {  	[tilespmem:s17+$0x4220] =	vst v10;
	v5 =	vadd.f32 v5, v6;
	v3 =	vmul.f32 v14, v3;
	v4 =	vmul.f32 v15, v4  }
0x139: {  	[tilespmem:s17+$0x4230] =	vst v8;
	v6 =	vadd.f32 v9, v7  }
0x13a: {  	[tilespmem:s17+$0x4240] =	vst v5;
	v3 =	vadd.f32 v4, v3  }
0x13b: {  	[tilespmem:s17+$0x4250] =	vst v6  }
0x13c: {  	[tilespmem:s17+$0x4260] =	vst v3  }
0x13d: {  	s16 =	simm.s32 $0x0;
	s17 =	rddreg [dreg:$0x13]  }
0x13e: {  	[hbm4b:s17+s16] =	stream.linear.scatter [tilespmem:s0], [sflag:$0x2], $0x4000, $0x38;
	[tilespmem:$0x12200] =	vst v63  }
0x13f: {  	_ =	swait.ge [sflag:s29], $0x4000  }
0x140: {  	[sflag:s29] =	ssyncset.done $0x0  }
0x141: {  	s18 =	simm.s32 $0x80;
	s31 =	rddreg [dreg:$0xc];
	[sflag:s29] =	ssyncadd.s32 $0xFFFFC000  }
0x142: {  	[tilespmem:s18], [sflag:$0x2] =	stream.linear.gather [hbm4b:s31+s16], $0x10, $0x38;
	[tilespmem:$0x12200] =	vst v63  }
0x143: {  	_ =	swait.ge [sflag:s29], $0x10  }
0x144: {  	[sflag:s29] =	ssyncset.done $0x0  }
0x145: {  	s20 =	simm.s32 $0x180;
	s19 =	rddreg [dreg:$0xd];
	[sflag:s29] =	ssyncadd.s32 $0xFFFFFFF0  }
0x146: {  	[tilespmem:s20], [sflag:$0x2] =	stream.linear.gather [hbm4b:s19+s16], $0x10, $0x38;
	[tilespmem:$0x12200] =	vst v63  }
0x147: {  	_ =	swait.ge [sflag:s29], $0x10  }
0x148: {  	[sflag:s29] =	ssyncset.done $0x0  }
0x149: {  	s31 =	simm.s32 $0x10A00;
	s30 =	rddreg [dreg:$0x10];
	[sflag:s29] =	ssyncadd.s32 $0xFFFFFFF0  }
0x14a: {  	[tilespmem:s31], [sflag:$0x2] =	stream.linear.gather [hbm4b:s30+s16], $0x800, $0x38;
	[tilespmem:$0x12200] =	vst v63  }
0x14b: {  	_ =	swait.ge [sflag:s29], $0x800  }
0x14c: {  	[sflag:s29] =	ssyncset.done $0x0  }
0x14d: {  	s19 =	simm.s32 $0x11A00;
	s18 =	rddreg [dreg:$0x11];
	[sflag:s29] =	ssyncadd.s32 $0xFFFFF800  }
0x14e: {  	[tilespmem:s19], [sflag:$0x2] =	stream.linear.gather [hbm4b:s18+s16], $0x800, $0x38;
	[tilespmem:$0x12200] =	vst v63  }
0x14f: {  	_ =	swait.ge [sflag:s29], $0x800  }
0x150: {  	[sflag:s29] =	ssyncset.done $0x0  }
0x151: {  	[sflag:s29] =	ssyncadd.s32 $0xFFFFF800  }
0x152: {  	v3 =	vld [tilespmem:$0x80];
	_ =	sdelay $0x4  }
0x153: {  	v4 =	vshll.u32 v3, $0x3  }
0x154: {  	v3 =	vand.u32 $0x7, v3;
	v4 =	vand.u32 $0xFFFFFFC0, v4  }
0x155: {  	v3 =	vor.u32 v3, v4  }
0x156: {  	v4 =	vperm.xlane v3, v0;
	_ =	sdelay $0x1  }
0x157: {  	v4 =	vadd.s32 v1, v4;
	_ =	sdelay $0x4  }
0x158: {  	[tilespmem:s0], [sflag:$0x1] =	stream.indirect_vreg.gather [hbm4b:s23+s16], $0x80, v4, vm0, $0xb8;
	[tilespmem:$0x12200] =	vst v63  }
0x159: {  	s20 =	simm.s32 $0x4A00;
	v3 =	vperm.xlane v3, v2  }
0x15a: {  	[tilespmem:s20], [sflag:$0x1] =	stream.indirect_vreg.gather [hbm4b:s24+s16], $0x80, v4, vm0, $0xb8;
	[tilespmem:$0x12200] =	vst v63  }
0x15b: {  	v3 =	vadd.s32 v1, v3  }
0x15c: {  	[tilespmem:s3], [sflag:$0x1] =	stream.indirect_vreg.gather [hbm4b:s25+s16], $0x80, v4, vm0, $0xb8;
	[tilespmem:$0x12200] =	vst v63  }
0x15d: {  	_ = 	snop  }
0x15e: {  	[tilespmem:s21], [sflag:$0x1] =	stream.indirect_vreg.gather [hbm4b:s26+s16], $0x80, v4, vm0, $0xb8;
	[tilespmem:$0x12200] =	vst v63  }
0x15f: {  	_ = 	snop  }
0x160: {  	[tilespmem:s4], [sflag:$0x1] =	stream.indirect_vreg.gather [hbm4b:s23+s16], $0x80, v3, vm0, $0xb8;
	[tilespmem:$0x12200] =	vst v63  }
0x161: {  	_ = 	snop  }
0x162: {  	[tilespmem:s5], [sflag:$0x1] =	stream.indirect_vreg.gather [hbm4b:s24+s16], $0x80, v3, vm0, $0xb8;
	[tilespmem:$0x12200] =	vst v63  }
0x163: {  	_ = 	snop  }
0x164: {  	[tilespmem:s22], [sflag:$0x1] =	stream.indirect_vreg.gather [hbm4b:s25+s16], $0x80, v3, vm0, $0xb8;
	[tilespmem:$0x12200] =	vst v63  }
0x165: {  	_ = 	snop  }
0x166: {  	[tilespmem:s6], [sflag:$0x1] =	stream.indirect_vreg.gather [hbm4b:s26+s16], $0x80, v3, vm0, $0xb8;
	[tilespmem:$0x12200] =	vst v63  }
0x167: {  	v3 =	vld [tilespmem:$0x180];
	_ =	sdelay $0x4  }
0x168: {  	v4 =	vshll.u32 v3, $0x3  }
0x169: {  	v3 =	vand.u32 $0x7, v3;
	v4 =	vand.u32 $0xFFFFFFC0, v4  }
0x16a: {  	v3 =	vor.u32 v3, v4  }
0x16b: {  	v4 =	vperm.xlane v3, v0;
	_ =	sdelay $0x1  }
0x16c: {  	v4 =	vadd.s32 v1, v4;
	_ =	sdelay $0x4  }
0x16d: {  	[tilespmem:s7], [sflag:$0x1] =	stream.indirect_vreg.gather [hbm4b:s23+s16], $0x80, v4, vm0, $0xb8;
	[tilespmem:$0x12200] =	vst v63  }
0x16e: {  	v3 =	vperm.xlane v3, v2  }
0x16f: {  	[tilespmem:s8], [sflag:$0x1] =	stream.indirect_vreg.gather [hbm4b:s24+s16], $0x80, v4, vm0, $0xb8;
	[tilespmem:$0x12200] =	vst v63  }
0x170: {  	v3 =	vadd.s32 v1, v3  }
0x171: {  	[tilespmem:s9], [sflag:$0x1] =	stream.indirect_vreg.gather [hbm4b:s25+s16], $0x80, v4, vm0, $0xb8;
	[tilespmem:$0x12200] =	vst v63  }
0x172: {  	_ = 	snop  }
0x173: {  	[tilespmem:s10], [sflag:$0x1] =	stream.indirect_vreg.gather [hbm4b:s26+s16], $0x80, v4, vm0, $0xb8;
	[tilespmem:$0x12200] =	vst v63  }
0x174: {  	_ = 	snop  }
0x175: {  	[tilespmem:s28], [sflag:$0x1] =	stream.indirect_vreg.gather [hbm4b:s23+s16], $0x80, v3, vm0, $0xb8;
	[tilespmem:$0x12200] =	vst v63  }
0x176: {  	_ = 	snop  }
0x177: {  	[tilespmem:s11], [sflag:$0x1] =	stream.indirect_vreg.gather [hbm4b:s24+s16], $0x80, v3, vm0, $0xb8;
	[tilespmem:$0x12200] =	vst v63  }
0x178: {  	_ = 	snop  }
0x179: {  	[tilespmem:s12], [sflag:$0x1] =	stream.indirect_vreg.gather [hbm4b:s25+s16], $0x80, v3, vm0, $0xb8;
	[tilespmem:$0x12200] =	vst v63  }
0x17a: {  	_ = 	snop  }
0x17b: {  	[tilespmem:s13], [sflag:$0x1] =	stream.indirect_vreg.gather [hbm4b:s26+s16], $0x80, v3, vm0, $0xb8;
	[tilespmem:$0x12200] =	vst v63  }
0x17c: {  	_ =	swait.ge [sflag:s14], $0x4000  }
0x17d: {  	[sflag:s14] =	ssyncset.done $0x0  }
0x17e: {  	[sflag:s14] =	ssyncadd.s32 $0xFFFFC000  }
0x17f: {  	s30 =	simm.s32 $0x0;
	_ =	swait.ge [sflag:s14], $0x4000  }
0x180: {  	s31 =	simm.s32 $0x0;
	s19 =	sand.u32 $0xFFFFFF80, s30;
	[sflag:s14] =	ssyncset.done $0x0  }
0x181: {  	s18 =	sand.u32 $0x2000, s31;
	s20 =	sand.u32 $0x1C00, s16;
	[sflag:s14] =	ssyncadd.s32 $0xFFFFC000  }
0x182: {  	s17 =	sand.u32 $0x380, s30;
	s18 =	sor.u32 s20, s18;
	v3 =	vld [tilespmem:s19+$0x10200]  }
0x183: {  	s17 =	sor.u32 s17, s18;
	v4 =	vld [tilespmem:s19+$0x11200]  }
0x184: {  	v5 =	vld [tilespmem:s17+$0x270]  }
0x185: {  	v6 =	vld [tilespmem:s17+$0x8270]  }
0x186: {  	v7 =	vld [tilespmem:s17+$0x200]  }
0x187: {  	v8 =	vld [tilespmem:s17+$0x8200]  }
0x188: {  	v10 =	vld [tilespmem:s17+$0x210]  }
0x189: {  	v11 =	vld [tilespmem:s17+$0x8210]  }
0x18a: {  	v12 =	vld [tilespmem:s17+$0x220]  }
0x18b: {  	v13 =	vld [tilespmem:s17+$0x8220];
	v5 =	vmul.f32 v5, v3;
	v6 =	vmul.f32 v6, v4  }
0x18c: {  	v9 =	vld [tilespmem:s17+$0x230];
	v7 =	vmul.f32 v7, v3;
	v14 =	vmul.f32 v8, v4  }
0x18d: {  	v8 =	vld [tilespmem:s17+$0x8230];
	v5 =	vadd.f32 v6, v5  }
0x18e: {  	v15 =	vmul.f32 v10, v3;
	v11 =	vmul.f32 v11, v4;
	v7 =	vadd.f32 v14, v7;
	v6 =	vld [tilespmem:s17+$0x240]  }
0x18f: {  	[tilespmem:s17+$0x270] =	vst v5;
	v5 =	vld [tilespmem:s17+$0x8240]  }
0x190: {  	s18 =	simm.s32 $0x0;
	v10 =	vmul.f32 v12, v3;
	v12 =	vmul.f32 v13, v4;
	v11 =	vadd.f32 v11, v15;
	[tilespmem:s17+$0x200] =	vst v7;
	v7 =	vld [tilespmem:s17+$0x250]  }
.LBB2_6:
0x191: {  	s18 =	sadd.s32 $0x8, s18;
	v9 =	vmul.f32 v9, v3;
	v13 =	vld [tilespmem:s17+$0x8250]  }
0x192: {  	s16 =	sadd.s32 $0x400, s16;
	s19 =	sshll.u32 s18, $0x1;
	s20 =	sshll.u32 s18, $0x4;
	[tilespmem:s17+$0x210] =	vst v11;
	v10 =	vadd.f32 v12, v10;
	v8 =	vmul.f32 v8, v4;
	v11 =	vld [tilespmem:s17+$0x260]  }
0x193: {  	s31 =	sand.u32 $0x1C00, s16;
	s30 =	sand.u32 $0xFFFFFF80, s19;
	s20 =	sand.u32 $0x2000, s20;
	v6 =	vmul.f32 v6, v3;
	v12 =	vld [tilespmem:s17+$0x8260]  }
0x194: {  	p0 =	slt.u32 s18, $0x3F8;
	s19 =	sand.u32 $0x380, s19;
	v14 =	vld [tilespmem:s30+$0x10200];
	s20 =	sor.u32 s31, s20;
	[tilespmem:s17+$0x220] =	vst v10;
	v8 =	vadd.f32 v8, v9;
	v5 =	vmul.f32 v5, v4  }
0x195: {  	v9 =	vld [tilespmem:s30+$0x11200];
	s19 =	sor.u32 s19, s20;
	v7 =	vmul.f32 v7, v3  }
0x196: {  	v10 =	vld [tilespmem:s19+$0x270];
	[tilespmem:s17+$0x230] =	vst v8;
	v5 =	vadd.f32 v5, v6;
	v6 =	vmul.f32 v13, v4  }
0x197: {  	v8 =	vld [tilespmem:s19+$0x8270];
	v11 =	vmul.f32 v11, v3  }
0x198: {  	v13 =	vld [tilespmem:s19+$0x200];
	[tilespmem:s17+$0x240] =	vst v5;
	v5 =	vadd.f32 v6, v7;
	v12 =	vmul.f32 v12, v4  }
0x199: {  	v6 =	vld [tilespmem:s19+$0x8200];
	v3 =	vmov v14  }
0x19a: {  	v7 =	vld [tilespmem:s19+$0x210];
	[tilespmem:s17+$0x250] =	vst v5;
	v5 =	vadd.f32 v12, v11;
	v4 =	vmov v9  }
0x19b: {  	v11 =	vld [tilespmem:s19+$0x8210]  }
0x19c: {  	v10 =	vmul.f32 v10, v3;
	v12 =	vld [tilespmem:s19+$0x220];
	v8 =	vmul.f32 v8, v4;
	[tilespmem:s17+$0x260] =	vst v5;
	s17 =	smov.u32 s19  }
0x19d: {  	v5 =	vmul.f32 v13, v3;
	v13 =	vld [tilespmem:s17+$0x8220]  }
.Ltmp2:
0x19e: {  	v6 =	vmul.f32 v6, v4;
	v9 =	vld [tilespmem:s17+$0x230];
	v10 =	vadd.f32 v8, v10;
	(pc) =	sbr.rel @p0 .LBB2_6-.Ltmp2, $4  }
0x19f: {  	v7 =	vmul.f32 v7, v3;
	v8 =	vld [tilespmem:s17+$0x8230]  }
0x1a0: {  	v14 =	vadd.f32 v6, v5;
	v11 =	vmul.f32 v11, v4;
	v6 =	vld [tilespmem:s17+$0x240];
	[tilespmem:s17+$0x270] =	vst v10  }
0x1a1: {  	v10 =	vmul.f32 v12, v3;
	v5 =	vld [tilespmem:s17+$0x8240]  }
0x1a2: {  	[tilespmem:s17+$0x200] =	vst v14;
	v11 =	vadd.f32 v11, v7;
	v12 =	vmul.f32 v13, v4;
	v7 =	vld [tilespmem:s17+$0x250]  }
0x1a3: {  	v13 =	vld [tilespmem:s17+$0x8250]  }
0x1a4: {  	v14 =	vld [tilespmem:s17+$0x260]  }
0x1a5: {  	v15 =	vld [tilespmem:s17+$0x8260];
	_ =	sdelay $0x1  }
0x1a6: {  	v9 =	vmul.f32 v9, v3;
	v8 =	vmul.f32 v8, v4  }
0x1a7: {  	v10 =	vadd.f32 v12, v10;
	v6 =	vmul.f32 v6, v3;
	v5 =	vmul.f32 v5, v4  }
0x1a8: {  	[tilespmem:s17+$0x210] =	vst v11;
	v8 =	vadd.f32 v8, v9;
	v7 =	vmul.f32 v7, v3;
	v9 =	vmul.f32 v13, v4  }
0x1a9: {  	[tilespmem:s17+$0x220] =	vst v10;
	v5 =	vadd.f32 v5, v6;
	v3 =	vmul.f32 v14, v3;
	v4 =	vmul.f32 v15, v4  }
0x1aa: {  	[tilespmem:s17+$0x230] =	vst v8;
	v6 =	vadd.f32 v9, v7  }
0x1ab: {  	[tilespmem:s17+$0x240] =	vst v5;
	v3 =	vadd.f32 v4, v3  }
0x1ac: {  	[tilespmem:s17+$0x250] =	vst v6  }
0x1ad: {  	[tilespmem:s17+$0x260] =	vst v3  }
0x1ae: {  	s17 =	simm.s32 $0x0;
	s16 =	rddreg [dreg:$0x14]  }
0x1af: {  	[hbm4b:s16+s17] =	stream.linear.scatter [tilespmem:s1], [sflag:$0x2], $0x4000, $0x38;
	[tilespmem:$0x12200] =	vst v63  }
0x1b0: {  	_ =	swait.ge [sflag:s29], $0x4000  }
0x1b1: {  	[sflag:s29] =	ssyncset.done $0x0  }
0x1b2: {  	[sflag:s29] =	ssyncadd.s32 $0xFFFFC000  }
0x1b3: {  	_ =	swait.ge [sflag:s14], $0x4000  }
0x1b4: {  	[sflag:s14] =	ssyncset.done $0x0  }
0x1b5: {  	[sflag:s14] =	ssyncadd.s32 $0xFFFFC000  }
0x1b6: {  	s31 =	simm.s32 $0x0;
	_ =	swait.ge [sflag:s14], $0x4000  }
0x1b7: {  	s18 =	simm.s32 $0x0;
	s19 =	sand.u32 $0xFFFFFF80, s31;
	[sflag:s14] =	ssyncset.done $0x0  }
0x1b8: {  	s18 =	sand.u32 $0x2000, s18;
	s20 =	sand.u32 $0x1C00, s17;
	[sflag:s14] =	ssyncadd.s32 $0xFFFFC000  }
0x1b9: {  	s18 =	sor.u32 s20, s18;
	s16 =	sand.u32 $0x380, s31;
	v3 =	vld [tilespmem:s19+$0x10A00]  }
0x1ba: {  	s16 =	sor.u32 s16, s18;
	v4 =	vld [tilespmem:s19+$0x11A00]  }
0x1bb: {  	v5 =	vld [tilespmem:s16+$0x4270]  }
0x1bc: {  	v6 =	vld [tilespmem:s16+$0xC270]  }
0x1bd: {  	v7 =	vld [tilespmem:s16+$0x4200]  }
0x1be: {  	v8 =	vld [tilespmem:s16+$0xC200]  }
0x1bf: {  	v10 =	vld [tilespmem:s16+$0x4210]  }
0x1c0: {  	v11 =	vld [tilespmem:s16+$0xC210]  }
0x1c1: {  	v12 =	vld [tilespmem:s16+$0x4220]  }
0x1c2: {  	v13 =	vld [tilespmem:s16+$0xC220];
	v5 =	vmul.f32 v5, v3;
	v6 =	vmul.f32 v6, v4  }
0x1c3: {  	v9 =	vld [tilespmem:s16+$0x4230];
	v7 =	vmul.f32 v7, v3;
	v14 =	vmul.f32 v8, v4  }
0x1c4: {  	v8 =	vld [tilespmem:s16+$0xC230];
	v5 =	vadd.f32 v6, v5  }
0x1c5: {  	v15 =	vmul.f32 v10, v3;
	v11 =	vmul.f32 v11, v4;
	v7 =	vadd.f32 v14, v7;
	v6 =	vld [tilespmem:s16+$0x4240]  }
0x1c6: {  	[tilespmem:s16+$0x4270] =	vst v5;
	v5 =	vld [tilespmem:s16+$0xC240]  }
0x1c7: {  	s18 =	simm.s32 $0x0;
	v10 =	vmul.f32 v12, v3;
	v12 =	vmul.f32 v13, v4;
	v11 =	vadd.f32 v11, v15;
	[tilespmem:s16+$0x4200] =	vst v7;
	v7 =	vld [tilespmem:s16+$0x4250]  }
.LBB2_8:
0x1c8: {  	s18 =	sadd.s32 $0x8, s18;
	v9 =	vmul.f32 v9, v3;
	v13 =	vld [tilespmem:s16+$0xC250]  }
0x1c9: {  	s17 =	sadd.s32 $0x400, s17;
	s19 =	sshll.u32 s18, $0x1;
	s20 =	sshll.u32 s18, $0x4;
	[tilespmem:s16+$0x4210] =	vst v11;
	v10 =	vadd.f32 v12, v10;
	v8 =	vmul.f32 v8, v4;
	v11 =	vld [tilespmem:s16+$0x4260]  }
0x1ca: {  	s31 =	sand.u32 $0x1C00, s17;
	s30 =	sand.u32 $0xFFFFFF80, s19;
	s20 =	sand.u32 $0x2000, s20;
	v6 =	vmul.f32 v6, v3;
	v12 =	vld [tilespmem:s16+$0xC260]  }
0x1cb: {  	p0 =	slt.u32 s18, $0x3F8;
	s19 =	sand.u32 $0x380, s19;
	v14 =	vld [tilespmem:s30+$0x10A00];
	s20 =	sor.u32 s31, s20;
	[tilespmem:s16+$0x4220] =	vst v10;
	v8 =	vadd.f32 v8, v9;
	v5 =	vmul.f32 v5, v4  }
0x1cc: {  	v9 =	vld [tilespmem:s30+$0x11A00];
	s19 =	sor.u32 s19, s20;
	v7 =	vmul.f32 v7, v3  }
0x1cd: {  	v10 =	vld [tilespmem:s19+$0x4270];
	[tilespmem:s16+$0x4230] =	vst v8;
	v5 =	vadd.f32 v5, v6;
	v6 =	vmul.f32 v13, v4  }
0x1ce: {  	v8 =	vld [tilespmem:s19+$0xC270];
	v11 =	vmul.f32 v11, v3  }
0x1cf: {  	v13 =	vld [tilespmem:s19+$0x4200];
	[tilespmem:s16+$0x4240] =	vst v5;
	v5 =	vadd.f32 v6, v7;
	v12 =	vmul.f32 v12, v4  }
0x1d0: {  	v6 =	vld [tilespmem:s19+$0xC200];
	v3 =	vmov v14  }
0x1d1: {  	v7 =	vld [tilespmem:s19+$0x4210];
	[tilespmem:s16+$0x4250] =	vst v5;
	v5 =	vadd.f32 v12, v11;
	v4 =	vmov v9  }
0x1d2: {  	v11 =	vld [tilespmem:s19+$0xC210]  }
0x1d3: {  	v10 =	vmul.f32 v10, v3;
	v12 =	vld [tilespmem:s19+$0x4220];
	v8 =	vmul.f32 v8, v4;
	[tilespmem:s16+$0x4260] =	vst v5;
	s16 =	smov.u32 s19  }
0x1d4: {  	v5 =	vmul.f32 v13, v3;
	v13 =	vld [tilespmem:s16+$0xC220]  }
.Ltmp3:
0x1d5: {  	v6 =	vmul.f32 v6, v4;
	v9 =	vld [tilespmem:s16+$0x4230];
	v10 =	vadd.f32 v8, v10;
	(pc) =	sbr.rel @p0 .LBB2_8-.Ltmp3, $4  }
0x1d6: {  	v7 =	vmul.f32 v7, v3;
	v8 =	vld [tilespmem:s16+$0xC230]  }
0x1d7: {  	v14 =	vadd.f32 v6, v5;
	v11 =	vmul.f32 v11, v4;
	v6 =	vld [tilespmem:s16+$0x4240];
	[tilespmem:s16+$0x4270] =	vst v10  }
0x1d8: {  	v10 =	vmul.f32 v12, v3;
	v5 =	vld [tilespmem:s16+$0xC240]  }
0x1d9: {  	[tilespmem:s16+$0x4200] =	vst v14;
	v11 =	vadd.f32 v11, v7;
	v12 =	vmul.f32 v13, v4;
	v7 =	vld [tilespmem:s16+$0x4250]  }
0x1da: {  	v13 =	vld [tilespmem:s16+$0xC250]  }
0x1db: {  	v14 =	vld [tilespmem:s16+$0x4260]  }
0x1dc: {  	v15 =	vld [tilespmem:s16+$0xC260];
	_ =	sdelay $0x1  }
0x1dd: {  	v9 =	vmul.f32 v9, v3;
	v8 =	vmul.f32 v8, v4  }
0x1de: {  	v10 =	vadd.f32 v12, v10;
	v6 =	vmul.f32 v6, v3;
	v5 =	vmul.f32 v5, v4  }
0x1df: {  	[tilespmem:s16+$0x4210] =	vst v11;
	v8 =	vadd.f32 v8, v9;
	v7 =	vmul.f32 v7, v3;
	v61 =	vmul.f32 v13, v4  }
0x1e0: {  	[tilespmem:s16+$0x4220] =	vst v10;
	v5 =	vadd.f32 v5, v6;
	v3 =	vmul.f32 v14, v3;
	v62 =	vmul.f32 v15, v4  }
0x1e1: {  	[tilespmem:s16+$0x4230] =	vst v8;
	v63 =	vadd.f32 v61, v7  }
0x1e2: {  	[tilespmem:s16+$0x4240] =	vst v5;
	v3 =	vadd.f32 v62, v3  }
0x1e3: {  	[tilespmem:s16+$0x4250] =	vst v63  }
0x1e4: {  	[tilespmem:s16+$0x4260] =	vst v3  }
0x1e5: {  	s16 =	rddreg [dreg:$0x15]  }
0x1e6: {  	[hbm4b:s16+s2] =	stream.linear.scatter [tilespmem:s0], [sflag:$0x2], $0x4000, $0x38;
	[tilespmem:$0x12200] =	vst v63  }
0x1e7: {  	_ =	swait.ge [sflag:s29], $0x4000  }
0x1e8: {  	s15 =	sadd.s32 $0x1, s15;
	s31 =	rddreg [dreg:$0x16]  }
0x1e9: {  	p0 =	sne.s32 s15, s31  }
.Ltmp4:
0x1ea: {  	_ = 	snop;
	(pc) =	sbr.rel @p0 .LBB2_1-.Ltmp4, $3  }
0x1eb: {  	_ =	sdelay $0x1  }
0x1ec: {  	[sflag:s29] =	ssyncset.done $0x0  }
0x1ed: {  	[sflag:s29] =	ssyncadd.s32 $0xFFFFC000  }
0x1ee: {  	_ =	sfence.sel $0x180000  }
0x1ef: {  	[bflag:$0x0] =	sbarrier.arrive $0xFFFF  }
0x1f0: {  	_ =	strace $0x9000004A  }
0x1f1: {  	s0 =	stileid.u32;
	[bflag:$0x2] =	sbarrier.arrive $0xFFFF  }
0x1f2: {  	p0 =	sne.s32 s0, $0x0;
	s0 =	rddreg [dreg:$0x1]  }
0x1f3: {  	s0 =	sadd.s32 @!p0 $0x100000, s0  }
0x1f4: {  	[sflag:s0] =	ssyncadd.tile.s32 @!p0 $0x1;
	_ =	shalt  }
.Lfunc_end2:
_tile_overlayer_lowered:
.L_overlay_start_2:
0x1f5: {  	(tag) =	ssettag $0x2  }
0x1f6: {  	s0 =	rddreg [dreg:$0x0];
	s2 =	stileid.u32  }
0x1f7: {  	s1 =	rddreg [dreg:$0x1];
	p0 =	sne.s32 s2, $0x0  }
0x1f8: {  	s3 =	rddreg [dreg:$0x2];
	[bflag:$0x3] =	sbarrier.arrive $0xFFFF;
	s2 =	simm.s32 @!p0 $0x1C02  }
0x1f9: {  	[timem:s3], [sflag:s2] =	dma.local @!p0 [hbm:s0], s1  }
0x1fa: {  	s0 =	simm.s32 @!p0 $0x2  }
0x1fb: {  	_ =	swait.ge @!p0 [sflag:s0], s1  }
0x1fc: {  	s1 =	ssub.s32 @!p0 $0x0, s1;
	[sflag:s0] =	ssyncset.done @!p0 $0x0  }
0x1fd: {  	[sflag:s0] =	ssyncadd.s32 @!p0 s1  }
0x1fe: {  	[bflag:$0x3] =	sbarrier.arrive $0xFFFF  }
0x1ff: {  	_ =	shalt  }

</sc_bundles>
